<compile_context>
chip_gen: v7x
topology: tpu7x:2x2x1
jax: 0.10.2.dev20260603
libtpu: 0.0.44.dev20260713+nightly
codegen_flags: <defaults>
</compile_context>

<pallas_src>
import jax
import jax.numpy as jnp
from jax import lax
from jax.experimental import pallas as pl
from jax.experimental.pallas import tpu as pltpu
from jax.experimental.pallas import tpu_sc as plsc

N = 10000
E = 320000
D = 128
G = 64
V = 100

NPAD = 10240
VP = 128
BN = 2048
NB = NPAD // BN
NTILES = 32
EPAD = 327680
PAIR = EPAD // 16
EPT0 = 12288
CH = 1024
NCH0 = EPT0 // CH
NCH1 = (PAIR - EPT0) // CH
ZB = 5120
CHUNK = NPAD * VP // 16


def _sc_histogram_body(numbers_hbm, ei_hbm, out_hbm,
                       src_v, dst_v, k_v, idx_v, val_v, zbuf,
                       src_v2, dst_v2, idx_v2,
                       num_sp, c_sp, sem, semz, semg, sems):
    c = lax.axis_index("c")
    s = lax.axis_index("s")
    off = s * CHUNK

    one = jnp.full((16,), 1.0, jnp.float32)
    zero = jnp.zeros((16,), jnp.float32)

    def zrow(i, carry):
        zbuf[pl.ds(i * 16, 16)] = zero
        return carry

    lax.fori_loop(0, ZB // 16, zrow, 0)
    zcopies = [pltpu.async_copy(zbuf, c_sp.at[pl.ds(off + k * ZB, ZB)], semz)
               for k in range(CHUNK // ZB)]

    nslice = NPAD // 16
    pltpu.sync_copy(numbers_hbm.at[pl.ds(s * nslice, nslice)],
                    num_sp.at[pl.ds(s * nslice, nslice)])

    def orow(i, carry):
        val_v[pl.ds(i * 16, 16)] = one
        return carry

    lax.fori_loop(0, CH // 16, orow, 0)

    for zc in zcopies:
        zc.wait()
    plsc.subcore_barrier()

    src_b = [src_v, src_v2]
    dst_b = [dst_v, dst_v2]
    idx_b = [idx_v, idx_v2]

    def pipeline(base, n):
        def fire_load(q, b):
            return (pltpu.async_copy(ei_hbm.at[0, pl.ds(base + q * CH, CH)],
                                     src_b[b], sem),
                    pltpu.async_copy(ei_hbm.at[1, pl.ds(base + q * CH, CH)],
                                     dst_b[b], sem))

        loads = fire_load(0, 0)
        pending = [None, None]
        for q in range(n):
            b = q % 2
            for d in loads:
                d.wait()
            if q + 1 < n:
                loads = fire_load(q + 1, 1 - b)
            if pending[b] is not None:
                pending[b].wait()
            pltpu.async_copy(num_sp.at[src_b[b]], k_v, semg).wait()

            def row(j, carry2):
                r = j * 16
                d16 = dst_b[b][pl.ds(r, 16)]
                k16 = k_v[pl.ds(r, 16)]
                idx_b[b][pl.ds(r, 16)] = d16 * VP + k16
                return carry2

            lax.fori_loop(0, CH // 16, row, 0)

            pending[b] = pltpu.async_copy(val_v, c_sp.at[idx_b[b]], sems,
                                          add=True)
        for d in pending:
            if d is not None:
                d.wait()

    @pl.when(c == 0)
    def _core0():
        pipeline(s * PAIR, NCH0)

    @pl.when(c == 1)
    def _core1():
        pipeline(s * PAIR + EPT0, NCH1)

    plsc.subcore_barrier()

    pltpu.sync_copy(c_sp.at[pl.ds(off, CHUNK)],
                    out_hbm.at[pl.ds(c * (NPAD * VP) + off, CHUNK)])


def _make_sc_histogram():
    return pl.kernel(
        _sc_histogram_body,
        out_type=jax.ShapeDtypeStruct((2 * NPAD * VP,), jnp.float32),
        mesh=plsc.VectorSubcoreMesh(core_axis_name="c", subcore_axis_name="s"),
        compiler_params=pltpu.CompilerParams(needs_layout_passes=False),
        scratch_types=[
            pltpu.VMEM((CH,), jnp.int32),
            pltpu.VMEM((CH,), jnp.int32),
            pltpu.VMEM((CH,), jnp.int32),
            pltpu.VMEM((CH,), jnp.int32),
            pltpu.VMEM((CH,), jnp.float32),
            pltpu.VMEM((ZB,), jnp.float32),
            pltpu.VMEM((CH,), jnp.int32),
            pltpu.VMEM((CH,), jnp.int32),
            pltpu.VMEM((CH,), jnp.int32),
            pltpu.VMEM_SHARED((NPAD,), jnp.int32),
            pltpu.VMEM_SHARED((NPAD * VP,), jnp.float32),
            pltpu.SemaphoreType.DMA,
            pltpu.SemaphoreType.DMA,
            pltpu.SemaphoreType.DMA,
            pltpu.SemaphoreType.DMA,
        ],
    )


def _tc_body(cpair_hbm, num_ref, bat_ref, emb_ref, wm_ref, ws_ref, wn_ref,
             b_ref, out_ref, cb0, cb1, sem0, sem1):
    prec = lax.Precision.HIGHEST
    dot = lambda a, b, da, db, p=prec: lax.dot_general(
        a, b, (((da,), (db,)), ((), ())), precision=p)

    bufs = [cb0, cb1]
    sems = [sem0, sem1]

    def copy(i):
        return pltpu.make_async_copy(
            cpair_hbm.at[:, pl.ds(i * BN, BN), :], bufs[i % 2], sems[i % 2])

    copy(0).start()
    if NB > 1:
        copy(1).start()

    e_self = dot(emb_ref[...], ws_ref[...], 1, 0)
    w_cmb = dot(wm_ref[...], wn_ref[...], 1, 0)
    e_mn = dot(emb_ref[...], w_cmb, 1, 0)

    hi = lax.Precision.DEFAULT
    acc_sum = jnp.zeros((G, D), jnp.float32)
    acc_cnt = jnp.zeros((G, 1), jnp.float32)
    vio = lax.broadcasted_iota(jnp.int32, (VP, 1), 0)
    gio = lax.broadcasted_iota(jnp.int32, (G, 1), 0)

    for i in range(NB):
        copy(i).wait()
        buf = bufs[i % 2]
        cb = buf[0] + buf[1]
        if i + 2 < NB:
            copy(i + 2).start()

        deg = jnp.sum(cb, axis=1, keepdims=True)
        p = cb / jnp.maximum(deg, 1.0)
        agg = dot(p, e_mn, 1, 0, hi)

        nums = num_ref[i]
        onehot_t = (vio == nums).astype(jnp.float32)
        xs = dot(onehot_t, e_self, 0, 0, hi)

        h = jnp.maximum(xs + agg + b_ref[0:1, :], 0.0)

        bat = bat_ref[i]
        oh_g = (gio == bat).astype(jnp.float32)
        acc_sum = acc_sum + dot(oh_g, h, 1, 0, hi)
        acc_cnt = acc_cnt + jnp.sum(oh_g, axis=1, keepdims=True)

    out_ref[...] = acc_sum / jnp.maximum(acc_cnt, 1.0)


def _tc_readout(cpair, numbers3, batch3, emb_p, wm, ws, wn, b2):
    vspec = pl.BlockSpec(memory_space=pltpu.MemorySpace.VMEM)
    return pl.pallas_call(
        _tc_body,
        in_specs=[
            pl.BlockSpec(memory_space=pl.ANY),
            vspec, vspec, vspec, vspec, vspec, vspec, vspec,
        ],
        out_specs=vspec,
        out_shape=jax.ShapeDtypeStruct((G, D), jnp.float32),
        scratch_shapes=[pltpu.VMEM((2, BN, VP), jnp.float32),
                        pltpu.VMEM((2, BN, VP), jnp.float32),
                        pltpu.SemaphoreType.DMA,
                        pltpu.SemaphoreType.DMA],
    )(cpair, numbers3, batch3, emb_p, wm, ws, wn, b2)


def kernel(numbers, edge_index, batch, emb_table, W_msg, W_self, W_nbr, b):
    ei_p = jnp.pad(edge_index, ((0, 0), (0, EPAD - E)), constant_values=N)
    numbers_p = jnp.pad(numbers, (0, NPAD - N))
    cflat = _make_sc_histogram()(numbers_p, ei_p)
    cpair = cflat.reshape(2, NPAD, VP)

    numbers3 = numbers_p.reshape(NB, 1, BN)
    batch3 = jnp.pad(batch, (0, NPAD - N),
                     constant_values=G).reshape(NB, 1, BN)
    emb_p = jnp.pad(emb_table, ((0, VP - V), (0, 0)))
    b2 = jnp.broadcast_to(b[None, :], (8, D))
    return _tc_readout(cpair, numbers3, batch3, emb_p, W_msg, W_self, W_nbr, b2)

# --- scband reference (transcript-rebuilt; emitter-appended) ---
"""Pipeline reference for scband-radius-graph-net-16080357556721 (READ-ONLY COPY).

The authoritative reference and input builder live on the scoring server;
editing this copy changes nothing except your own understanding.
"""

import jax, jax.numpy as jnp
import numpy as np

N_NODES = 10000
N_EDGES = 320000
D = 128
N_GRAPHS = 64
VOCAB = 100


def setup_inputs(seed: int = 0) -> dict:
    key = jax.random.key(seed)
    ks = jax.random.split(key, 8)
    numbers = jax.random.randint(ks[0], (N_NODES,), 0, VOCAB, dtype=jnp.int64 if jax.config.read('jax_enable_x64') else jnp.int32).astype(jnp.int32)
    edge_index = jax.random.randint(ks[1], (2, N_EDGES), 0, N_NODES).astype(jnp.int32)
    batch = jnp.sort(jax.random.randint(ks[2], (N_NODES,), 0, N_GRAPHS)).astype(jnp.int32)
    emb_table = jax.random.normal(ks[3], (VOCAB, D), dtype=jnp.float32)
    W_msg = jax.random.normal(ks[4], (D, D), dtype=jnp.float32) * (1.0 / np.sqrt(D))
    W_self = jax.random.normal(ks[5], (D, D), dtype=jnp.float32) * (1.0 / np.sqrt(D))
    W_nbr = jax.random.normal(ks[6], (D, D), dtype=jnp.float32) * (1.0 / np.sqrt(D))
    b = jnp.zeros((D,), dtype=jnp.float32)
    return {"numbers": numbers, "edge_index": edge_index, "batch": batch,
            "emb_table": emb_table, "W_msg": W_msg, "W_self": W_self, "W_nbr": W_nbr, "b": b}


def reference(numbers, edge_index, batch, emb_table, W_msg, W_self, W_nbr, b):
    # AtomEmbedding: lookup of atomic numbers -> node features v
    x = jnp.take(emb_table, numbers, axis=0)                      # [N, D]
    src = edge_index[0]
    dst = edge_index[1]
    # atom_radius_graph message passing layer (gather -> transform -> scatter-mean)
    msg = jnp.take(x, src, axis=0) @ W_msg                        # [E, D]
    agg = jax.ops.segment_sum(msg, dst, num_segments=N_NODES)     # [N, D]
    deg = jax.ops.segment_sum(jnp.ones((N_EDGES,), x.dtype), dst, num_segments=N_NODES)
    agg = agg / jnp.maximum(deg, 1.0)[:, None]
    h = jax.nn.relu(x @ W_self + agg @ W_nbr + b)                 # [N, D]
    # readout: scatter(..., batch, reduce='mean')
    sums = jax.ops.segment_sum(h, batch, num_segments=N_GRAPHS)   # [G, D]
    counts = jax.ops.segment_sum(jnp.ones((N_NODES,), h.dtype), batch, num_segments=N_GRAPHS)
    return sums / jnp.maximum(counts, 1.0)[:, None]

if __name__ == "__main__":
    import jax
    _d = setup_inputs()
    print(jax.jit(kernel)(*tuple(_d.values())))

</pallas_src>

<mosaic_0001>
#map = affine_map<(d0, d1) -> (0)>
#map1 = affine_map<(d0, d1) -> (0, 0)>
module attributes {stable_mosaic.version = 14 : i64} {
  func.func @_sc_histogram_body(%arg0: i32, %arg1: i32, %arg2: memref<10240xi32, #tpu.memory_space<hbm>>, %arg3: memref<2x327680xi32, #tpu.memory_space<hbm>>, %arg4: memref<2621440xf32, #tpu.memory_space<hbm>>, %arg5: memref<1024xi32, #tpu.memory_space<vmem>>, %arg6: memref<1024xi32, #tpu.memory_space<vmem>>, %arg7: memref<1024xi32, #tpu.memory_space<vmem>>, %arg8: memref<1024xi32, #tpu.memory_space<vmem>>, %arg9: memref<1024xf32, #tpu.memory_space<vmem>>, %arg10: memref<5120xf32, #tpu.memory_space<vmem>>, %arg11: memref<1024xi32, #tpu.memory_space<vmem>>, %arg12: memref<1024xi32, #tpu.memory_space<vmem>>, %arg13: memref<1024xi32, #tpu.memory_space<vmem>>, %arg14: memref<10240xi32, #tpu.memory_space<vmem_shared>>, %arg15: memref<1310720xf32, #tpu.memory_space<vmem_shared>>, %arg16: memref<!tpu.dma_semaphore, #tpu.memory_space<semaphore_mem>>, %arg17: memref<!tpu.dma_semaphore, #tpu.memory_space<semaphore_mem>>, %arg18: memref<!tpu.dma_semaphore, #tpu.memory_space<semaphore_mem>>, %arg19: memref<!tpu.dma_semaphore, #tpu.memory_space<semaphore_mem>>) attributes {dimension_semantics = [#tpu.dimension_semantics<core_parallel>, #tpu.dimension_semantics<subcore_parallel>], iteration_bounds = array<i64: 2, 16>, scalar_prefetch = 0 : i64, scratch_operands = 15 : i64, tpu.core_type = #tpu.core_type<sc_vector_subcore>, window_params = [{transform_indices = #map}, {transform_indices = #map1}, {transform_indices = #map}]} {
    %mul3A = arith.constant 81920 : i32
    %mul3A_0 = arith.muli %arg1, %mul3A : i32
    %broadcast_in_dim3A = arith.constant 1.000000e+00 : f32
    %broadcast_in_dim3A_1 = vector.broadcast %broadcast_in_dim3A : f32 to vector<16xf32>
    %broadcast_in_dim3A_2 = arith.constant 0.000000e+00 : f32
    %broadcast_in_dim3A_3 = vector.broadcast %broadcast_in_dim3A_2 : f32 to vector<16xf32>
    %scan3A = arith.constant 0 : i32
    %scan3A_4 = arith.constant 0 : i32
    %scan3A_5 = arith.constant 320 : i32
    %scan3A_6 = arith.addi %scan3A_4, %scan3A_5 : i32
    %scan3A_7 = arith.constant 1 : i32
    scf.for %scan3A_123 = %scan3A_4 to %scan3A_6 step %scan3A_7  : i32 {
      %mul3A_124 = arith.constant 16 : i32
      %mul3A_125 = arith.muli %scan3A_123, %mul3A_124 : i32
      %swap3A = arith.index_cast %mul3A_125 : i32 to index
      %swap3A_126 = tpu.vector_load %arg10[%swap3A] {strides = array<i32>} : memref<5120xf32, #tpu.memory_space<vmem>>, vector<16xf32>,
      tpu.vector_store %arg10[%swap3A], %broadcast_in_dim3A_3 {strides = array<i32>} : memref<5120xf32, #tpu.memory_space<vmem>>, vector<16xf32>,
    }
    %scan3A_8 = arith.constant 320 : i32
    %add3A = arith.constant 0 : i32
    %add3A_9 = arith.addi %mul3A_0, %add3A : i32
    %dma_start3A = tpu.memref_slice %arg15[%add3A_9] : memref<1310720xf32, #tpu.memory_space<vmem_shared>> -> memref<5120xf32, #tpu.memory_space<vmem_shared>>
    %dma_start3A_10 = tpu.memref_slice %arg15[%add3A_9] : memref<1310720xf32, #tpu.memory_space<vmem_shared>> -> memref<5120xf32, #tpu.memory_space<vmem_shared>>
    tpu.enqueue_dma source(%arg10 : memref<5120xf32, #tpu.memory_space<vmem>>) target(%dma_start3A_10 : memref<5120xf32, #tpu.memory_space<vmem_shared>>) target_semaphore(%arg17 : memref<!tpu.dma_semaphore, #tpu.memory_space<semaphore_mem>>)
    %add3A_11 = arith.constant 5120 : i32
    %add3A_12 = arith.addi %mul3A_0, %add3A_11 : i32
    %dma_start3A_13 = tpu.memref_slice %arg15[%add3A_12] : memref<1310720xf32, #tpu.memory_space<vmem_shared>> -> memref<5120xf32, #tpu.memory_space<vmem_shared>>
    %dma_start3A_14 = tpu.memref_slice %arg15[%add3A_12] : memref<1310720xf32, #tpu.memory_space<vmem_shared>> -> memref<5120xf32, #tpu.memory_space<vmem_shared>>
    tpu.enqueue_dma source(%arg10 : memref<5120xf32, #tpu.memory_space<vmem>>) target(%dma_start3A_14 : memref<5120xf32, #tpu.memory_space<vmem_shared>>) target_semaphore(%arg17 : memref<!tpu.dma_semaphore, #tpu.memory_space<semaphore_mem>>)
    %add3A_15 = arith.constant 10240 : i32
    %add3A_16 = arith.addi %mul3A_0, %add3A_15 : i32
    %dma_start3A_17 = tpu.memref_slice %arg15[%add3A_16] : memref<1310720xf32, #tpu.memory_space<vmem_shared>> -> memref<5120xf32, #tpu.memory_space<vmem_shared>>
    %dma_start3A_18 = tpu.memref_slice %arg15[%add3A_16] : memref<1310720xf32, #tpu.memory_space<vmem_shared>> -> memref<5120xf32, #tpu.memory_space<vmem_shared>>
    tpu.enqueue_dma source(%arg10 : memref<5120xf32, #tpu.memory_space<vmem>>) target(%dma_start3A_18 : memref<5120xf32, #tpu.memory_space<vmem_shared>>) target_semaphore(%arg17 : memref<!tpu.dma_semaphore, #tpu.memory_space<semaphore_mem>>)
    %add3A_19 = arith.constant 15360 : i32
    %add3A_20 = arith.addi %mul3A_0, %add3A_19 : i32
    %dma_start3A_21 = tpu.memref_slice %arg15[%add3A_20] : memref<1310720xf32, #tpu.memory_space<vmem_shared>> -> memref<5120xf32, #tpu.memory_space<vmem_shared>>
    %dma_start3A_22 = tpu.memref_slice %arg15[%add3A_20] : memref<1310720xf32, #tpu.memory_space<vmem_shared>> -> memref<5120xf32, #tpu.memory_space<vmem_shared>>
    tpu.enqueue_dma source(%arg10 : memref<5120xf32, #tpu.memory_space<vmem>>) target(%dma_start3A_22 : memref<5120xf32, #tpu.memory_space<vmem_shared>>) target_semaphore(%arg17 : memref<!tpu.dma_semaphore, #tpu.memory_space<semaphore_mem>>)
    %add3A_23 = arith.constant 20480 : i32
    %add3A_24 = arith.addi %mul3A_0, %add3A_23 : i32
    %dma_start3A_25 = tpu.memref_slice %arg15[%add3A_24] : memref<1310720xf32, #tpu.memory_space<vmem_shared>> -> memref<5120xf32, #tpu.memory_space<vmem_shared>>
    %dma_start3A_26 = tpu.memref_slice %arg15[%add3A_24] : memref<1310720xf32, #tpu.memory_space<vmem_shared>> -> memref<5120xf32, #tpu.memory_space<vmem_shared>>
    tpu.enqueue_dma source(%arg10 : memref<5120xf32, #tpu.memory_space<vmem>>) target(%dma_start3A_26 : memref<5120xf32, #tpu.memory_space<vmem_shared>>) target_semaphore(%arg17 : memref<!tpu.dma_semaphore, #tpu.memory_space<semaphore_mem>>)
    %add3A_27 = arith.constant 25600 : i32
    %add3A_28 = arith.addi %mul3A_0, %add3A_27 : i32
    %dma_start3A_29 = tpu.memref_slice %arg15[%add3A_28] : memref<1310720xf32, #tpu.memory_space<vmem_shared>> -> memref<5120xf32, #tpu.memory_space<vmem_shared>>
    %dma_start3A_30 = tpu.memref_slice %arg15[%add3A_28] : memref<1310720xf32, #tpu.memory_space<vmem_shared>> -> memref<5120xf32, #tpu.memory_space<vmem_shared>>
    tpu.enqueue_dma source(%arg10 : memref<5120xf32, #tpu.memory_space<vmem>>) target(%dma_start3A_30 : memref<5120xf32, #tpu.memory_space<vmem_shared>>) target_semaphore(%arg17 : memref<!tpu.dma_semaphore, #tpu.memory_space<semaphore_mem>>)
    %add3A_31 = arith.constant 30720 : i32
    %add3A_32 = arith.addi %mul3A_0, %add3A_31 : i32
    %dma_start3A_33 = tpu.memref_slice %arg15[%add3A_32] : memref<1310720xf32, #tpu.memory_space<vmem_shared>> -> memref<5120xf32, #tpu.memory_space<vmem_shared>>
    %dma_start3A_34 = tpu.memref_slice %arg15[%add3A_32] : memref<1310720xf32, #tpu.memory_space<vmem_shared>> -> memref<5120xf32, #tpu.memory_space<vmem_shared>>
    tpu.enqueue_dma source(%arg10 : memref<5120xf32, #tpu.memory_space<vmem>>) target(%dma_start3A_34 : memref<5120xf32, #tpu.memory_space<vmem_shared>>) target_semaphore(%arg17 : memref<!tpu.dma_semaphore, #tpu.memory_space<semaphore_mem>>)
    %add3A_35 = arith.constant 35840 : i32
    %add3A_36 = arith.addi %mul3A_0, %add3A_35 : i32
    %dma_start3A_37 = tpu.memref_slice %arg15[%add3A_36] : memref<1310720xf32, #tpu.memory_space<vmem_shared>> -> memref<5120xf32, #tpu.memory_space<vmem_shared>>
    %dma_start3A_38 = tpu.memref_slice %arg15[%add3A_36] : memref<1310720xf32, #tpu.memory_space<vmem_shared>> -> memref<5120xf32, #tpu.memory_space<vmem_shared>>
    tpu.enqueue_dma source(%arg10 : memref<5120xf32, #tpu.memory_space<vmem>>) target(%dma_start3A_38 : memref<5120xf32, #tpu.memory_space<vmem_shared>>) target_semaphore(%arg17 : memref<!tpu.dma_semaphore, #tpu.memory_space<semaphore_mem>>)
    %add3A_39 = arith.constant 40960 : i32
    %add3A_40 = arith.addi %mul3A_0, %add3A_39 : i32
    %dma_start3A_41 = tpu.memref_slice %arg15[%add3A_40] : memref<1310720xf32, #tpu.memory_space<vmem_shared>> -> memref<5120xf32, #tpu.memory_space<vmem_shared>>
    %dma_start3A_42 = tpu.memref_slice %arg15[%add3A_40] : memref<1310720xf32, #tpu.memory_space<vmem_shared>> -> memref<5120xf32, #tpu.memory_space<vmem_shared>>
    tpu.enqueue_dma source(%arg10 : memref<5120xf32, #tpu.memory_space<vmem>>) target(%dma_start3A_42 : memref<5120xf32, #tpu.memory_space<vmem_shared>>) target_semaphore(%arg17 : memref<!tpu.dma_semaphore, #tpu.memory_space<semaphore_mem>>)
    %add3A_43 = arith.constant 46080 : i32
    %add3A_44 = arith.addi %mul3A_0, %add3A_43 : i32
    %dma_start3A_45 = tpu.memref_slice %arg15[%add3A_44] : memref<1310720xf32, #tpu.memory_space<vmem_shared>> -> memref<5120xf32, #tpu.memory_space<vmem_shared>>
    %dma_start3A_46 = tpu.memref_slice %arg15[%add3A_44] : memref<1310720xf32, #tpu.memory_space<vmem_shared>> -> memref<5120xf32, #tpu.memory_space<vmem_shared>>
    tpu.enqueue_dma source(%arg10 : memref<5120xf32, #tpu.memory_space<vmem>>) target(%dma_start3A_46 : memref<5120xf32, #tpu.memory_space<vmem_shared>>) target_semaphore(%arg17 : memref<!tpu.dma_semaphore, #tpu.memory_space<semaphore_mem>>)
    %add3A_47 = arith.constant 51200 : i32
    %add3A_48 = arith.addi %mul3A_0, %add3A_47 : i32
    %dma_start3A_49 = tpu.memref_slice %arg15[%add3A_48] : memref<1310720xf32, #tpu.memory_space<vmem_shared>> -> memref<5120xf32, #tpu.memory_space<vmem_shared>>
    %dma_start3A_50 = tpu.memref_slice %arg15[%add3A_48] : memref<1310720xf32, #tpu.memory_space<vmem_shared>> -> memref<5120xf32, #tpu.memory_space<vmem_shared>>
    tpu.enqueue_dma source(%arg10 : memref<5120xf32, #tpu.memory_space<vmem>>) target(%dma_start3A_50 : memref<5120xf32, #tpu.memory_space<vmem_shared>>) target_semaphore(%arg17 : memref<!tpu.dma_semaphore, #tpu.memory_space<semaphore_mem>>)
    %add3A_51 = arith.constant 56320 : i32
    %add3A_52 = arith.addi %mul3A_0, %add3A_51 : i32
    %dma_start3A_53 = tpu.memref_slice %arg15[%add3A_52] : memref<1310720xf32, #tpu.memory_space<vmem_shared>> -> memref<5120xf32, #tpu.memory_space<vmem_shared>>
    %dma_start3A_54 = tpu.memref_slice %arg15[%add3A_52] : memref<1310720xf32, #tpu.memory_space<vmem_shared>> -> memref<5120xf32, #tpu.memory_space<vmem_shared>>
    tpu.enqueue_dma source(%arg10 : memref<5120xf32, #tpu.memory_space<vmem>>) target(%dma_start3A_54 : memref<5120xf32, #tpu.memory_space<vmem_shared>>) target_semaphore(%arg17 : memref<!tpu.dma_semaphore, #tpu.memory_space<semaphore_mem>>)
    %add3A_55 = arith.constant 61440 : i32
    %add3A_56 = arith.addi %mul3A_0, %add3A_55 : i32
    %dma_start3A_57 = tpu.memref_slice %arg15[%add3A_56] : memref<1310720xf32, #tpu.memory_space<vmem_shared>> -> memref<5120xf32, #tpu.memory_space<vmem_shared>>
    %dma_start3A_58 = tpu.memref_slice %arg15[%add3A_56] : memref<1310720xf32, #tpu.memory_space<vmem_shared>> -> memref<5120xf32, #tpu.memory_space<vmem_shared>>
    tpu.enqueue_dma source(%arg10 : memref<5120xf32, #tpu.memory_space<vmem>>) target(%dma_start3A_58 : memref<5120xf32, #tpu.memory_space<vmem_shared>>) target_semaphore(%arg17 : memref<!tpu.dma_semaphore, #tpu.memory_space<semaphore_mem>>)
    %add3A_59 = arith.constant 66560 : i32
    %add3A_60 = arith.addi %mul3A_0, %add3A_59 : i32
    %dma_start3A_61 = tpu.memref_slice %arg15[%add3A_60] : memref<1310720xf32, #tpu.memory_space<vmem_shared>> -> memref<5120xf32, #tpu.memory_space<vmem_shared>>
    %dma_start3A_62 = tpu.memref_slice %arg15[%add3A_60] : memref<1310720xf32, #tpu.memory_space<vmem_shared>> -> memref<5120xf32, #tpu.memory_space<vmem_shared>>
    tpu.enqueue_dma source(%arg10 : memref<5120xf32, #tpu.memory_space<vmem>>) target(%dma_start3A_62 : memref<5120xf32, #tpu.memory_space<vmem_shared>>) target_semaphore(%arg17 : memref<!tpu.dma_semaphore, #tpu.memory_space<semaphore_mem>>)
    %add3A_63 = arith.constant 71680 : i32
    %add3A_64 = arith.addi %mul3A_0, %add3A_63 : i32
    %dma_start3A_65 = tpu.memref_slice %arg15[%add3A_64] : memref<1310720xf32, #tpu.memory_space<vmem_shared>> -> memref<5120xf32, #tpu.memory_space<vmem_shared>>
    %dma_start3A_66 = tpu.memref_slice %arg15[%add3A_64] : memref<1310720xf32, #tpu.memory_space<vmem_shared>> -> memref<5120xf32, #tpu.memory_space<vmem_shared>>
    tpu.enqueue_dma source(%arg10 : memref<5120xf32, #tpu.memory_space<vmem>>) target(%dma_start3A_66 : memref<5120xf32, #tpu.memory_space<vmem_shared>>) target_semaphore(%arg17 : memref<!tpu.dma_semaphore, #tpu.memory_space<semaphore_mem>>)
    %add3A_67 = arith.constant 76800 : i32
    %add3A_68 = arith.addi %mul3A_0, %add3A_67 : i32
    %dma_start3A_69 = tpu.memref_slice %arg15[%add3A_68] : memref<1310720xf32, #tpu.memory_space<vmem_shared>> -> memref<5120xf32, #tpu.memory_space<vmem_shared>>
    %dma_start3A_70 = tpu.memref_slice %arg15[%add3A_68] : memref<1310720xf32, #tpu.memory_space<vmem_shared>> -> memref<5120xf32, #tpu.memory_space<vmem_shared>>
    tpu.enqueue_dma source(%arg10 : memref<5120xf32, #tpu.memory_space<vmem>>) target(%dma_start3A_70 : memref<5120xf32, #tpu.memory_space<vmem_shared>>) target_semaphore(%arg17 : memref<!tpu.dma_semaphore, #tpu.memory_space<semaphore_mem>>)
    %mul3A_71 = arith.constant 640 : i32
    %mul3A_72 = arith.muli %arg1, %mul3A_71 : i32
    %mul3A_73 = arith.constant 640 : i32
    %mul3A_74 = arith.muli %arg1, %mul3A_73 : i32
    "tpu.region"() ({
      %run_scoped3A = tpu.sem_alloc : memref<!tpu.dma_semaphore, #tpu.memory_space<semaphore_mem>>
      %dma_start3A_123 = tpu.memref_slice %arg14[%mul3A_74] : memref<10240xi32, #tpu.memory_space<vmem_shared>> -> memref<640xi32, #tpu.memory_space<vmem_shared>>
      %dma_start3A_124 = tpu.memref_slice %arg2[%mul3A_72] : memref<10240xi32, #tpu.memory_space<hbm>> -> memref<640xi32, #tpu.memory_space<hbm>>
      tpu.enqueue_dma source(%dma_start3A_124 : memref<640xi32, #tpu.memory_space<hbm>>) target(%dma_start3A_123 : memref<640xi32, #tpu.memory_space<vmem_shared>>) target_semaphore(%run_scoped3A : memref<!tpu.dma_semaphore, #tpu.memory_space<semaphore_mem>>)
      %dma_wait3A_125 = tpu.memref_slice %arg14[%mul3A_74] : memref<10240xi32, #tpu.memory_space<vmem_shared>> -> memref<640xi32, #tpu.memory_space<vmem_shared>>
      %dma_wait3A_126 = tpu.memref_slice %arg2[%mul3A_72] : memref<10240xi32, #tpu.memory_space<hbm>> -> memref<640xi32, #tpu.memory_space<hbm>>
      tpu.wait_dma2 semaphore(%run_scoped3A : memref<!tpu.dma_semaphore, #tpu.memory_space<semaphore_mem>>) src(%dma_wait3A_126 : memref<640xi32, #tpu.memory_space<hbm>>) dst(%dma_wait3A_125 : memref<640xi32, #tpu.memory_space<vmem_shared>>)
      tpu.yield
    }) : () -> ()
    %scan3A_75 = arith.constant 0 : i32
    %scan3A_76 = arith.constant 0 : i32
    %scan3A_77 = arith.constant 64 : i32
    %scan3A_78 = arith.addi %scan3A_76, %scan3A_77 : i32
    %scan3A_79 = arith.constant 1 : i32
    scf.for %scan3A_123 = %scan3A_76 to %scan3A_78 step %scan3A_79  : i32 {
      %mul3A_124 = arith.constant 16 : i32
      %mul3A_125 = arith.muli %scan3A_123, %mul3A_124 : i32
      %swap3A = arith.index_cast %mul3A_125 : i32 to index
      %swap3A_126 = tpu.vector_load %arg9[%swap3A] {strides = array<i32>} : memref<1024xf32, #tpu.memory_space<vmem>>, vector<16xf32>,
      tpu.vector_store %arg9[%swap3A], %broadcast_in_dim3A_1 {strides = array<i32>} : memref<1024xf32, #tpu.memory_space<vmem>>, vector<16xf32>,
    }
    %scan3A_80 = arith.constant 64 : i32
    %dma_wait3A = tpu.memref_slice %arg15[%add3A_9] : memref<1310720xf32, #tpu.memory_space<vmem_shared>> -> memref<5120xf32, #tpu.memory_space<vmem_shared>>
    %dma_wait3A_81 = tpu.memref_slice %arg15[%add3A_9] : memref<1310720xf32, #tpu.memory_space<vmem_shared>> -> memref<5120xf32, #tpu.memory_space<vmem_shared>>
    tpu.wait_dma2 semaphore(%arg17 : memref<!tpu.dma_semaphore, #tpu.memory_space<semaphore_mem>>) src(%arg10 : memref<5120xf32, #tpu.memory_space<vmem>>) dst(%dma_wait3A_81 : memref<5120xf32, #tpu.memory_space<vmem_shared>>)
    %dma_wait3A_82 = tpu.memref_slice %arg15[%add3A_12] : memref<1310720xf32, #tpu.memory_space<vmem_shared>> -> memref<5120xf32, #tpu.memory_space<vmem_shared>>
    %dma_wait3A_83 = tpu.memref_slice %arg15[%add3A_12] : memref<1310720xf32, #tpu.memory_space<vmem_shared>> -> memref<5120xf32, #tpu.memory_space<vmem_shared>>
    tpu.wait_dma2 semaphore(%arg17 : memref<!tpu.dma_semaphore, #tpu.memory_space<semaphore_mem>>) src(%arg10 : memref<5120xf32, #tpu.memory_space<vmem>>) dst(%dma_wait3A_83 : memref<5120xf32, #tpu.memory_space<vmem_shared>>)
    %dma_wait3A_84 = tpu.memref_slice %arg15[%add3A_16] : memref<1310720xf32, #tpu.memory_space<vmem_shared>> -> memref<5120xf32, #tpu.memory_space<vmem_shared>>
    %dma_wait3A_85 = tpu.memref_slice %arg15[%add3A_16] : memref<1310720xf32, #tpu.memory_space<vmem_shared>> -> memref<5120xf32, #tpu.memory_space<vmem_shared>>
    tpu.wait_dma2 semaphore(%arg17 : memref<!tpu.dma_semaphore, #tpu.memory_space<semaphore_mem>>) src(%arg10 : memref<5120xf32, #tpu.memory_space<vmem>>) dst(%dma_wait3A_85 : memref<5120xf32, #tpu.memory_space<vmem_shared>>)
    %dma_wait3A_86 = tpu.memref_slice %arg15[%add3A_20] : memref<1310720xf32, #tpu.memory_space<vmem_shared>> -> memref<5120xf32, #tpu.memory_space<vmem_shared>>
    %dma_wait3A_87 = tpu.memref_slice %arg15[%add3A_20] : memref<1310720xf32, #tpu.memory_space<vmem_shared>> -> memref<5120xf32, #tpu.memory_space<vmem_shared>>
    tpu.wait_dma2 semaphore(%arg17 : memref<!tpu.dma_semaphore, #tpu.memory_space<semaphore_mem>>) src(%arg10 : memref<5120xf32, #tpu.memory_space<vmem>>) dst(%dma_wait3A_87 : memref<5120xf32, #tpu.memory_space<vmem_shared>>)
    %dma_wait3A_88 = tpu.memref_slice %arg15[%add3A_24] : memref<1310720xf32, #tpu.memory_space<vmem_shared>> -> memref<5120xf32, #tpu.memory_space<vmem_shared>>
    %dma_wait3A_89 = tpu.memref_slice %arg15[%add3A_24] : memref<1310720xf32, #tpu.memory_space<vmem_shared>> -> memref<5120xf32, #tpu.memory_space<vmem_shared>>
    tpu.wait_dma2 semaphore(%arg17 : memref<!tpu.dma_semaphore, #tpu.memory_space<semaphore_mem>>) src(%arg10 : memref<5120xf32, #tpu.memory_space<vmem>>) dst(%dma_wait3A_89 : memref<5120xf32, #tpu.memory_space<vmem_shared>>)
    %dma_wait3A_90 = tpu.memref_slice %arg15[%add3A_28] : memref<1310720xf32, #tpu.memory_space<vmem_shared>> -> memref<5120xf32, #tpu.memory_space<vmem_shared>>
    %dma_wait3A_91 = tpu.memref_slice %arg15[%add3A_28] : memref<1310720xf32, #tpu.memory_space<vmem_shared>> -> memref<5120xf32, #tpu.memory_space<vmem_shared>>
    tpu.wait_dma2 semaphore(%arg17 : memref<!tpu.dma_semaphore, #tpu.memory_space<semaphore_mem>>) src(%arg10 : memref<5120xf32, #tpu.memory_space<vmem>>) dst(%dma_wait3A_91 : memref<5120xf32, #tpu.memory_space<vmem_shared>>)
    %dma_wait3A_92 = tpu.memref_slice %arg15[%add3A_32] : memref<1310720xf32, #tpu.memory_space<vmem_shared>> -> memref<5120xf32, #tpu.memory_space<vmem_shared>>
    %dma_wait3A_93 = tpu.memref_slice %arg15[%add3A_32] : memref<1310720xf32, #tpu.memory_space<vmem_shared>> -> memref<5120xf32, #tpu.memory_space<vmem_shared>>
    tpu.wait_dma2 semaphore(%arg17 : memref<!tpu.dma_semaphore, #tpu.memory_space<semaphore_mem>>) src(%arg10 : memref<5120xf32, #tpu.memory_space<vmem>>) dst(%dma_wait3A_93 : memref<5120xf32, #tpu.memory_space<vmem_shared>>)
    %dma_wait3A_94 = tpu.memref_slice %arg15[%add3A_36] : memref<1310720xf32, #tpu.memory_space<vmem_shared>> -> memref<5120xf32, #tpu.memory_space<vmem_shared>>
    %dma_wait3A_95 = tpu.memref_slice %arg15[%add3A_36] : memref<1310720xf32, #tpu.memory_space<vmem_shared>> -> memref<5120xf32, #tpu.memory_space<vmem_shared>>
    tpu.wait_dma2 semaphore(%arg17 : memref<!tpu.dma_semaphore, #tpu.memory_space<semaphore_mem>>) src(%arg10 : memref<5120xf32, #tpu.memory_space<vmem>>) dst(%dma_wait3A_95 : memref<5120xf32, #tpu.memory_space<vmem_shared>>)
    %dma_wait3A_96 = tpu.memref_slice %arg15[%add3A_40] : memref<1310720xf32, #tpu.memory_space<vmem_shared>> -> memref<5120xf32, #tpu.memory_space<vmem_shared>>
    %dma_wait3A_97 = tpu.memref_slice %arg15[%add3A_40] : memref<1310720xf32, #tpu.memory_space<vmem_shared>> -> memref<5120xf32, #tpu.memory_space<vmem_shared>>
    tpu.wait_dma2 semaphore(%arg17 : memref<!tpu.dma_semaphore, #tpu.memory_space<semaphore_mem>>) src(%arg10 : memref<5120xf32, #tpu.memory_space<vmem>>) dst(%dma_wait3A_97 : memref<5120xf32, #tpu.memory_space<vmem_shared>>)
    %dma_wait3A_98 = tpu.memref_slice %arg15[%add3A_44] : memref<1310720xf32, #tpu.memory_space<vmem_shared>> -> memref<5120xf32, #tpu.memory_space<vmem_shared>>
    %dma_wait3A_99 = tpu.memref_slice %arg15[%add3A_44] : memref<1310720xf32, #tpu.memory_space<vmem_shared>> -> memref<5120xf32, #tpu.memory_space<vmem_shared>>
    tpu.wait_dma2 semaphore(%arg17 : memref<!tpu.dma_semaphore, #tpu.memory_space<semaphore_mem>>) src(%arg10 : memref<5120xf32, #tpu.memory_space<vmem>>) dst(%dma_wait3A_99 : memref<5120xf32, #tpu.memory_space<vmem_shared>>)
    %dma_wait3A_100 = tpu.memref_slice %arg15[%add3A_48] : memref<1310720xf32, #tpu.memory_space<vmem_shared>> -> memref<5120xf32, #tpu.memory_space<vmem_shared>>
    %dma_wait3A_101 = tpu.memref_slice %arg15[%add3A_48] : memref<1310720xf32, #tpu.memory_space<vmem_shared>> -> memref<5120xf32, #tpu.memory_space<vmem_shared>>
    tpu.wait_dma2 semaphore(%arg17 : memref<!tpu.dma_semaphore, #tpu.memory_space<semaphore_mem>>) src(%arg10 : memref<5120xf32, #tpu.memory_space<vmem>>) dst(%dma_wait3A_101 : memref<5120xf32, #tpu.memory_space<vmem_shared>>)
    %dma_wait3A_102 = tpu.memref_slice %arg15[%add3A_52] : memref<1310720xf32, #tpu.memory_space<vmem_shared>> -> memref<5120xf32, #tpu.memory_space<vmem_shared>>
    %dma_wait3A_103 = tpu.memref_slice %arg15[%add3A_52] : memref<1310720xf32, #tpu.memory_space<vmem_shared>> -> memref<5120xf32, #tpu.memory_space<vmem_shared>>
    tpu.wait_dma2 semaphore(%arg17 : memref<!tpu.dma_semaphore, #tpu.memory_space<semaphore_mem>>) src(%arg10 : memref<5120xf32, #tpu.memory_space<vmem>>) dst(%dma_wait3A_103 : memref<5120xf32, #tpu.memory_space<vmem_shared>>)
    %dma_wait3A_104 = tpu.memref_slice %arg15[%add3A_56] : memref<1310720xf32, #tpu.memory_space<vmem_shared>> -> memref<5120xf32, #tpu.memory_space<vmem_shared>>
    %dma_wait3A_105 = tpu.memref_slice %arg15[%add3A_56] : memref<1310720xf32, #tpu.memory_space<vmem_shared>> -> memref<5120xf32, #tpu.memory_space<vmem_shared>>
    tpu.wait_dma2 semaphore(%arg17 : memref<!tpu.dma_semaphore, #tpu.memory_space<semaphore_mem>>) src(%arg10 : memref<5120xf32, #tpu.memory_space<vmem>>) dst(%dma_wait3A_105 : memref<5120xf32, #tpu.memory_space<vmem_shared>>)
    %dma_wait3A_106 = tpu.memref_slice %arg15[%add3A_60] : memref<1310720xf32, #tpu.memory_space<vmem_shared>> -> memref<5120xf32, #tpu.memory_space<vmem_shared>>
    %dma_wait3A_107 = tpu.memref_slice %arg15[%add3A_60] : memref<1310720xf32, #tpu.memory_space<vmem_shared>> -> memref<5120xf32, #tpu.memory_space<vmem_shared>>
    tpu.wait_dma2 semaphore(%arg17 : memref<!tpu.dma_semaphore, #tpu.memory_space<semaphore_mem>>) src(%arg10 : memref<5120xf32, #tpu.memory_space<vmem>>) dst(%dma_wait3A_107 : memref<5120xf32, #tpu.memory_space<vmem_shared>>)
    %dma_wait3A_108 = tpu.memref_slice %arg15[%add3A_64] : memref<1310720xf32, #tpu.memory_space<vmem_shared>> -> memref<5120xf32, #tpu.memory_space<vmem_shared>>
    %dma_wait3A_109 = tpu.memref_slice %arg15[%add3A_64] : memref<1310720xf32, #tpu.memory_space<vmem_shared>> -> memref<5120xf32, #tpu.memory_space<vmem_shared>>
    tpu.wait_dma2 semaphore(%arg17 : memref<!tpu.dma_semaphore, #tpu.memory_space<semaphore_mem>>) src(%arg10 : memref<5120xf32, #tpu.memory_space<vmem>>) dst(%dma_wait3A_109 : memref<5120xf32, #tpu.memory_space<vmem_shared>>)
    %dma_wait3A_110 = tpu.memref_slice %arg15[%add3A_68] : memref<1310720xf32, #tpu.memory_space<vmem_shared>> -> memref<5120xf32, #tpu.memory_space<vmem_shared>>
    %dma_wait3A_111 = tpu.memref_slice %arg15[%add3A_68] : memref<1310720xf32, #tpu.memory_space<vmem_shared>> -> memref<5120xf32, #tpu.memory_space<vmem_shared>>
    tpu.wait_dma2 semaphore(%arg17 : memref<!tpu.dma_semaphore, #tpu.memory_space<semaphore_mem>>) src(%arg10 : memref<5120xf32, #tpu.memory_space<vmem>>) dst(%dma_wait3A_111 : memref<5120xf32, #tpu.memory_space<vmem_shared>>)
    %barrier3A = arith.constant 0 : index
    tpu.barrier barrier_id(%barrier3A)
    %eq3A = arith.constant 0 : i32
    %eq3A_112 = arith.cmpi eq, %arg0, %eq3A : i32
    %convert_element_type3A = arith.extui %eq3A_112 : i1 to i32
    %cond3A = arith.constant 0 : i32
    %cond3A_113 = arith.cmpi ne, %convert_element_type3A, %cond3A : i32
    scf.if %cond3A_113 {
      %mul3A_123 = arith.constant 20480 : i32
      %mul3A_124 = arith.muli %arg1, %mul3A_123 : i32
      %add3A_125 = arith.constant 0 : i32
      %add3A_126 = arith.addi %mul3A_124, %add3A_125 : i32
      %dma_start3A_127 = arith.constant 0 : i32
      %dma_start3A_128 = tpu.memref_slice %arg3[%dma_start3A_127, %add3A_126] : memref<2x327680xi32, #tpu.memory_space<hbm>> -> memref<1x1024xi32, #tpu.memory_space<hbm>>
      %dma_start3A_129 = tpu.memref_squeeze %dma_start3A_128 : memref<1x1024xi32, #tpu.memory_space<hbm>> -> memref<1024xi32, #tpu.memory_space<hbm>>
      %dma_start3A_130 = tpu.memref_slice %arg3[%dma_start3A_127, %add3A_126] : memref<2x327680xi32, #tpu.memory_space<hbm>> -> memref<1x1024xi32, #tpu.memory_space<hbm>>
      %dma_start3A_131 = tpu.memref_squeeze %dma_start3A_130 : memref<1x1024xi32, #tpu.memory_space<hbm>> -> memref<1024xi32, #tpu.memory_space<hbm>>
      tpu.enqueue_dma source(%dma_start3A_131 : memref<1024xi32, #tpu.memory_space<hbm>>) target(%arg5 : memref<1024xi32, #tpu.memory_space<vmem>>) target_semaphore(%arg16 : memref<!tpu.dma_semaphore, #tpu.memory_space<semaphore_mem>>)
      %add3A_132 = arith.constant 0 : i32
      %add3A_133 = arith.addi %mul3A_124, %add3A_132 : i32
      %dma_start3A_134 = arith.constant 1 : i32
      %dma_start3A_135 = tpu.memref_slice %arg3[%dma_start3A_134, %add3A_133] : memref<2x327680xi32, #tpu.memory_space<hbm>> -> memref<1x1024xi32, #tpu.memory_space<hbm>>
      %dma_start3A_136 = tpu.memref_squeeze %dma_start3A_135 : memref<1x1024xi32, #tpu.memory_space<hbm>> -> memref<1024xi32, #tpu.memory_space<hbm>>
      %dma_start3A_137 = tpu.memref_slice %arg3[%dma_start3A_134, %add3A_133] : memref<2x327680xi32, #tpu.memory_space<hbm>> -> memref<1x1024xi32, #tpu.memory_space<hbm>>
      %dma_start3A_138 = tpu.memref_squeeze %dma_start3A_137 : memref<1x1024xi32, #tpu.memory_space<hbm>> -> memref<1024xi32, #tpu.memory_space<hbm>>
      tpu.enqueue_dma source(%dma_start3A_138 : memref<1024xi32, #tpu.memory_space<hbm>>) target(%arg6 : memref<1024xi32, #tpu.memory_space<vmem>>) target_semaphore(%arg16 : memref<!tpu.dma_semaphore, #tpu.memory_space<semaphore_mem>>)
      %dma_wait3A_139 = arith.constant 0 : i32
      %dma_wait3A_140 = tpu.memref_slice %arg3[%dma_wait3A_139, %add3A_126] : memref<2x327680xi32, #tpu.memory_space<hbm>> -> memref<1x1024xi32, #tpu.memory_space<hbm>>
      %dma_wait3A_141 = tpu.memref_squeeze %dma_wait3A_140 : memref<1x1024xi32, #tpu.memory_space<hbm>> -> memref<1024xi32, #tpu.memory_space<hbm>>
      %dma_wait3A_142 = tpu.memref_slice %arg3[%dma_wait3A_139, %add3A_126] : memref<2x327680xi32, #tpu.memory_space<hbm>> -> memref<1x1024xi32, #tpu.memory_space<hbm>>
      %dma_wait3A_143 = tpu.memref_squeeze %dma_wait3A_142 : memref<1x1024xi32, #tpu.memory_space<hbm>> -> memref<1024xi32, #tpu.memory_space<hbm>>
      tpu.wait_dma2 semaphore(%arg16 : memref<!tpu.dma_semaphore, #tpu.memory_space<semaphore_mem>>) src(%dma_wait3A_143 : memref<1024xi32, #tpu.memory_space<hbm>>) dst(%arg5 : memref<1024xi32, #tpu.memory_space<vmem>>)
      %dma_wait3A_144 = arith.constant 1 : i32
      %dma_wait3A_145 = tpu.memref_slice %arg3[%dma_wait3A_144, %add3A_133] : memref<2x327680xi32, #tpu.memory_space<hbm>> -> memref<1x1024xi32, #tpu.memory_space<hbm>>
      %dma_wait3A_146 = tpu.memref_squeeze %dma_wait3A_145 : memref<1x1024xi32, #tpu.memory_space<hbm>> -> memref<1024xi32, #tpu.memory_space<hbm>>
      %dma_wait3A_147 = tpu.memref_slice %arg3[%dma_wait3A_144, %add3A_133] : memref<2x327680xi32, #tpu.memory_space<hbm>> -> memref<1x1024xi32, #tpu.memory_space<hbm>>
      %dma_wait3A_148 = tpu.memref_squeeze %dma_wait3A_147 : memref<1x1024xi32, #tpu.memory_space<hbm>> -> memref<1024xi32, #tpu.memory_space<hbm>>
      tpu.wait_dma2 semaphore(%arg16 : memref<!tpu.dma_semaphore, #tpu.memory_space<semaphore_mem>>) src(%dma_wait3A_148 : memref<1024xi32, #tpu.memory_space<hbm>>) dst(%arg6 : memref<1024xi32, #tpu.memory_space<vmem>>)
      %add3A_149 = arith.constant 1024 : i32
      %add3A_150 = arith.addi %mul3A_124, %add3A_149 : i32
      %dma_start3A_151 = arith.constant 0 : i32
      %dma_start3A_152 = tpu.memref_slice %arg3[%dma_start3A_151, %add3A_150] : memref<2x327680xi32, #tpu.memory_space<hbm>> -> memref<1x1024xi32, #tpu.memory_space<hbm>>
      %dma_start3A_153 = tpu.memref_squeeze %dma_start3A_152 : memref<1x1024xi32, #tpu.memory_space<hbm>> -> memref<1024xi32, #tpu.memory_space<hbm>>
      %dma_start3A_154 = tpu.memref_slice %arg3[%dma_start3A_151, %add3A_150] : memref<2x327680xi32, #tpu.memory_space<hbm>> -> memref<1x1024xi32, #tpu.memory_space<hbm>>
      %dma_start3A_155 = tpu.memref_squeeze %dma_start3A_154 : memref<1x1024xi32, #tpu.memory_space<hbm>> -> memref<1024xi32, #tpu.memory_space<hbm>>
      tpu.enqueue_dma source(%dma_start3A_155 : memref<1024xi32, #tpu.memory_space<hbm>>) target(%arg11 : memref<1024xi32, #tpu.memory_space<vmem>>) target_semaphore(%arg16 : memref<!tpu.dma_semaphore, #tpu.memory_space<semaphore_mem>>)
      %add3A_156 = arith.constant 1024 : i32
      %add3A_157 = arith.addi %mul3A_124, %add3A_156 : i32
      %dma_start3A_158 = arith.constant 1 : i32
      %dma_start3A_159 = tpu.memref_slice %arg3[%dma_start3A_158, %add3A_157] : memref<2x327680xi32, #tpu.memory_space<hbm>> -> memref<1x1024xi32, #tpu.memory_space<hbm>>
      %dma_start3A_160 = tpu.memref_squeeze %dma_start3A_159 : memref<1x1024xi32, #tpu.memory_space<hbm>> -> memref<1024xi32, #tpu.memory_space<hbm>>
      %dma_start3A_161 = tpu.memref_slice %arg3[%dma_start3A_158, %add3A_157] : memref<2x327680xi32, #tpu.memory_space<hbm>> -> memref<1x1024xi32, #tpu.memory_space<hbm>>
      %dma_start3A_162 = tpu.memref_squeeze %dma_start3A_161 : memref<1x1024xi32, #tpu.memory_space<hbm>> -> memref<1024xi32, #tpu.memory_space<hbm>>
      tpu.enqueue_dma source(%dma_start3A_162 : memref<1024xi32, #tpu.memory_space<hbm>>) target(%arg12 : memref<1024xi32, #tpu.memory_space<vmem>>) target_semaphore(%arg16 : memref<!tpu.dma_semaphore, #tpu.memory_space<semaphore_mem>>)
      %dma_start3A_163 = arith.constant 0 : i32
      %dma_start3A_164 = tpu.memref_slice %arg14[%dma_start3A_163] : memref<10240xi32, #tpu.memory_space<vmem_shared>> -> memref<10240xi32, #tpu.memory_space<vmem_shared>>
      tpu.enqueue_indirect_dma source(%dma_start3A_164 : memref<10240xi32, #tpu.memory_space<vmem_shared>>) target(%arg7 : memref<1024xi32, #tpu.memory_space<vmem>>) offsets(%arg5 : memref<1024xi32, #tpu.memory_space<vmem>>) semaphore(%arg18 : memref<!tpu.dma_semaphore, #tpu.memory_space<semaphore_mem>>)
      %dma_wait3A_165 = arith.constant 0 : i32
      %dma_wait3A_166 = tpu.memref_slice %arg14[%dma_wait3A_165] : memref<10240xi32, #tpu.memory_space<vmem_shared>> -> memref<10240xi32, #tpu.memory_space<vmem_shared>>
      tpu.wait_indirect_dma semaphore(%arg18 : memref<!tpu.dma_semaphore, #tpu.memory_space<semaphore_mem>>) src(%dma_wait3A_166 : memref<10240xi32, #tpu.memory_space<vmem_shared>>) dst(%arg7 : memref<1024xi32, #tpu.memory_space<vmem>>)
      %scan3A_167 = arith.constant 0 : i32
      %scan3A_168 = arith.constant 0 : i32
      %scan3A_169 = arith.constant 64 : i32
      %scan3A_170 = arith.addi %scan3A_168, %scan3A_169 : i32
      %scan3A_171 = arith.constant 1 : i32
      scf.for %scan3A_581 = %scan3A_168 to %scan3A_170 step %scan3A_171  : i32 {
        %mul3A_582 = arith.constant 16 : i32
        %mul3A_583 = arith.muli %scan3A_581, %mul3A_582 : i32
        %get3A = arith.index_cast %mul3A_583 : i32 to index
        %get3A_584 = tpu.vector_load %arg6[%get3A] {strides = array<i32>} : memref<1024xi32, #tpu.memory_space<vmem>>, vector<16xi32>,
        %get3A_585 = arith.index_cast %mul3A_583 : i32 to index
        %get3A_586 = tpu.vector_load %arg7[%get3A_585] {strides = array<i32>} : memref<1024xi32, #tpu.memory_space<vmem>>, vector<16xi32>,
        %mul3A_587 = arith.constant 128 : i32
        %mul3A_588 = vector.broadcast %mul3A_587 : i32 to vector<16xi32>
        %mul3A_589 = arith.muli %get3A_584, %mul3A_588 : vector<16xi32>
        %add3A_590 = arith.addi %mul3A_589, %get3A_586 : vector<16xi32>
        %swap3A = arith.index_cast %mul3A_583 : i32 to index
        %swap3A_591 = tpu.vector_load %arg8[%swap3A] {strides = array<i32>} : memref<1024xi32, #tpu.memory_space<vmem>>, vector<16xi32>,
        tpu.vector_store %arg8[%swap3A], %add3A_590 {strides = array<i32>} : memref<1024xi32, #tpu.memory_space<vmem>>, vector<16xi32>,
      }
      %scan3A_172 = arith.constant 64 : i32
      %dma_start3A_173 = arith.constant 0 : i32
      %dma_start3A_174 = tpu.memref_slice %arg15[%dma_start3A_173] : memref<1310720xf32, #tpu.memory_space<vmem_shared>> -> memref<1310720xf32, #tpu.memory_space<vmem_shared>>
      tpu.enqueue_indirect_dma source(%arg9 : memref<1024xf32, #tpu.memory_space<vmem>>) target(%dma_start3A_174 : memref<1310720xf32, #tpu.memory_space<vmem_shared>>) offsets(%arg8 : memref<1024xi32, #tpu.memory_space<vmem>>) semaphore(%arg19 : memref<!tpu.dma_semaphore, #tpu.memory_space<semaphore_mem>>) {add = true}
      %dma_wait3A_175 = arith.constant 0 : i32
      %dma_wait3A_176 = tpu.memref_slice %arg3[%dma_wait3A_175, %add3A_150] : memref<2x327680xi32, #tpu.memory_space<hbm>> -> memref<1x1024xi32, #tpu.memory_space<hbm>>
      %dma_wait3A_177 = tpu.memref_squeeze %dma_wait3A_176 : memref<1x1024xi32, #tpu.memory_space<hbm>> -> memref<1024xi32, #tpu.memory_space<hbm>>
      %dma_wait3A_178 = tpu.memref_slice %arg3[%dma_wait3A_175, %add3A_150] : memref<2x327680xi32, #tpu.memory_space<hbm>> -> memref<1x1024xi32, #tpu.memory_space<hbm>>
      %dma_wait3A_179 = tpu.memref_squeeze %dma_wait3A_178 : memref<1x1024xi32, #tpu.memory_space<hbm>> -> memref<1024xi32, #tpu.memory_space<hbm>>
      tpu.wait_dma2 semaphore(%arg16 : memref<!tpu.dma_semaphore, #tpu.memory_space<semaphore_mem>>) src(%dma_wait3A_179 : memref<1024xi32, #tpu.memory_space<hbm>>) dst(%arg11 : memref<1024xi32, #tpu.memory_space<vmem>>)
      %dma_wait3A_180 = arith.constant 1 : i32
      %dma_wait3A_181 = tpu.memref_slice %arg3[%dma_wait3A_180, %add3A_157] : memref<2x327680xi32, #tpu.memory_space<hbm>> -> memref<1x1024xi32, #tpu.memory_space<hbm>>
      %dma_wait3A_182 = tpu.memref_squeeze %dma_wait3A_181 : memref<1x1024xi32, #tpu.memory_space<hbm>> -> memref<1024xi32, #tpu.memory_space<hbm>>
      %dma_wait3A_183 = tpu.memref_slice %arg3[%dma_wait3A_180, %add3A_157] : memref<2x327680xi32, #tpu.memory_space<hbm>> -> memref<1x1024xi32, #tpu.memory_space<hbm>>
      %dma_wait3A_184 = tpu.memref_squeeze %dma_wait3A_183 : memref<1x1024xi32, #tpu.memory_space<hbm>> -> memref<1024xi32, #tpu.memory_space<hbm>>
      tpu.wait_dma2 semaphore(%arg16 : memref<!tpu.dma_semaphore, #tpu.memory_space<semaphore_mem>>) src(%dma_wait3A_184 : memref<1024xi32, #tpu.memory_space<hbm>>) dst(%arg12 : memref<1024xi32, #tpu.memory_space<vmem>>)
      %add3A_185 = arith.constant 2048 : i32
      %add3A_186 = arith.addi %mul3A_124, %add3A_185 : i32
      %dma_start3A_187 = arith.constant 0 : i32
      %dma_start3A_188 = tpu.memref_slice %arg3[%dma_start3A_187, %add3A_186] : memref<2x327680xi32, #tpu.memory_space<hbm>> -> memref<1x1024xi32, #tpu.memory_space<hbm>>
      %dma_start3A_189 = tpu.memref_squeeze %dma_start3A_188 : memref<1x1024xi32, #tpu.memory_space<hbm>> -> memref<1024xi32, #tpu.memory_space<hbm>>
      %dma_start3A_190 = tpu.memref_slice %arg3[%dma_start3A_187, %add3A_186] : memref<2x327680xi32, #tpu.memory_space<hbm>> -> memref<1x1024xi32, #tpu.memory_space<hbm>>
      %dma_start3A_191 = tpu.memref_squeeze %dma_start3A_190 : memref<1x1024xi32, #tpu.memory_space<hbm>> -> memref<1024xi32, #tpu.memory_space<hbm>>
      tpu.enqueue_dma source(%dma_start3A_191 : memref<1024xi32, #tpu.memory_space<hbm>>) target(%arg5 : memref<1024xi32, #tpu.memory_space<vmem>>) target_semaphore(%arg16 : memref<!tpu.dma_semaphore, #tpu.memory_space<semaphore_mem>>)
      %add3A_192 = arith.constant 2048 : i32
      %add3A_193 = arith.addi %mul3A_124, %add3A_192 : i32
      %dma_start3A_194 = arith.constant 1 : i32
      %dma_start3A_195 = tpu.memref_slice %arg3[%dma_start3A_194, %add3A_193] : memref<2x327680xi32, #tpu.memory_space<hbm>> -> memref<1x1024xi32, #tpu.memory_space<hbm>>
      %dma_start3A_196 = tpu.memref_squeeze %dma_start3A_195 : memref<1x1024xi32, #tpu.memory_space<hbm>> -> memref<1024xi32, #tpu.memory_space<hbm>>
      %dma_start3A_197 = tpu.memref_slice %arg3[%dma_start3A_194, %add3A_193] : memref<2x327680xi32, #tpu.memory_space<hbm>> -> memref<1x1024xi32, #tpu.memory_space<hbm>>
      %dma_start3A_198 = tpu.memref_squeeze %dma_start3A_197 : memref<1x1024xi32, #tpu.memory_space<hbm>> -> memref<1024xi32, #tpu.memory_space<hbm>>
      tpu.enqueue_dma source(%dma_start3A_198 : memref<1024xi32, #tpu.memory_space<hbm>>) target(%arg6 : memref<1024xi32, #tpu.memory_space<vmem>>) target_semaphore(%arg16 : memref<!tpu.dma_semaphore, #tpu.memory_space<semaphore_mem>>)
      %dma_start3A_199 = arith.constant 0 : i32
      %dma_start3A_200 = tpu.memref_slice %arg14[%dma_start3A_199] : memref<10240xi32, #tpu.memory_space<vmem_shared>> -> memref<10240xi32, #tpu.memory_space<vmem_shared>>
      tpu.enqueue_indirect_dma source(%dma_start3A_200 : memref<10240xi32, #tpu.memory_space<vmem_shared>>) target(%arg7 : memref<1024xi32, #tpu.memory_space<vmem>>) offsets(%arg11 : memref<1024xi32, #tpu.memory_space<vmem>>) semaphore(%arg18 : memref<!tpu.dma_semaphore, #tpu.memory_space<semaphore_mem>>)
      %dma_wait3A_201 = arith.constant 0 : i32
      %dma_wait3A_202 = tpu.memref_slice %arg14[%dma_wait3A_201] : memref<10240xi32, #tpu.memory_space<vmem_shared>> -> memref<10240xi32, #tpu.memory_space<vmem_shared>>
      tpu.wait_indirect_dma semaphore(%arg18 : memref<!tpu.dma_semaphore, #tpu.memory_space<semaphore_mem>>) src(%dma_wait3A_202 : memref<10240xi32, #tpu.memory_space<vmem_shared>>) dst(%arg7 : memref<1024xi32, #tpu.memory_space<vmem>>)
      %scan3A_203 = arith.constant 0 : i32
      %scan3A_204 = arith.constant 0 : i32
      %scan3A_205 = arith.constant 64 : i32
      %scan3A_206 = arith.addi %scan3A_204, %scan3A_205 : i32
      %scan3A_207 = arith.constant 1 : i32
      scf.for %scan3A_581 = %scan3A_204 to %scan3A_206 step %scan3A_207  : i32 {
        %mul3A_582 = arith.constant 16 : i32
        %mul3A_583 = arith.muli %scan3A_581, %mul3A_582 : i32
        %get3A = arith.index_cast %mul3A_583 : i32 to index
        %get3A_584 = tpu.vector_load %arg12[%get3A] {strides = array<i32>} : memref<1024xi32, #tpu.memory_space<vmem>>, vector<16xi32>,
        %get3A_585 = arith.index_cast %mul3A_583 : i32 to index
        %get3A_586 = tpu.vector_load %arg7[%get3A_585] {strides = array<i32>} : memref<1024xi32, #tpu.memory_space<vmem>>, vector<16xi32>,
        %mul3A_587 = arith.constant 128 : i32
        %mul3A_588 = vector.broadcast %mul3A_587 : i32 to vector<16xi32>
        %mul3A_589 = arith.muli %get3A_584, %mul3A_588 : vector<16xi32>
        %add3A_590 = arith.addi %mul3A_589, %get3A_586 : vector<16xi32>
        %swap3A = arith.index_cast %mul3A_583 : i32 to index
        %swap3A_591 = tpu.vector_load %arg13[%swap3A] {strides = array<i32>} : memref<1024xi32, #tpu.memory_space<vmem>>, vector<16xi32>,
        tpu.vector_store %arg13[%swap3A], %add3A_590 {strides = array<i32>} : memref<1024xi32, #tpu.memory_space<vmem>>, vector<16xi32>,
      }
      %scan3A_208 = arith.constant 64 : i32
      %dma_start3A_209 = arith.constant 0 : i32
      %dma_start3A_210 = tpu.memref_slice %arg15[%dma_start3A_209] : memref<1310720xf32, #tpu.memory_space<vmem_shared>> -> memref<1310720xf32, #tpu.memory_space<vmem_shared>>
      tpu.enqueue_indirect_dma source(%arg9 : memref<1024xf32, #tpu.memory_space<vmem>>) target(%dma_start3A_210 : memref<1310720xf32, #tpu.memory_space<vmem_shared>>) offsets(%arg13 : memref<1024xi32, #tpu.memory_space<vmem>>) semaphore(%arg19 : memref<!tpu.dma_semaphore, #tpu.memory_space<semaphore_mem>>) {add = true}
      %dma_wait3A_211 = arith.constant 0 : i32
      %dma_wait3A_212 = tpu.memref_slice %arg3[%dma_wait3A_211, %add3A_186] : memref<2x327680xi32, #tpu.memory_space<hbm>> -> memref<1x1024xi32, #tpu.memory_space<hbm>>
      %dma_wait3A_213 = tpu.memref_squeeze %dma_wait3A_212 : memref<1x1024xi32, #tpu.memory_space<hbm>> -> memref<1024xi32, #tpu.memory_space<hbm>>
      %dma_wait3A_214 = tpu.memref_slice %arg3[%dma_wait3A_211, %add3A_186] : memref<2x327680xi32, #tpu.memory_space<hbm>> -> memref<1x1024xi32, #tpu.memory_space<hbm>>
      %dma_wait3A_215 = tpu.memref_squeeze %dma_wait3A_214 : memref<1x1024xi32, #tpu.memory_space<hbm>> -> memref<1024xi32, #tpu.memory_space<hbm>>
      tpu.wait_dma2 semaphore(%arg16 : memref<!tpu.dma_semaphore, #tpu.memory_space<semaphore_mem>>) src(%dma_wait3A_215 : memref<1024xi32, #tpu.memory_space<hbm>>) dst(%arg5 : memref<1024xi32, #tpu.memory_space<vmem>>)
      %dma_wait3A_216 = arith.constant 1 : i32
      %dma_wait3A_217 = tpu.memref_slice %arg3[%dma_wait3A_216, %add3A_193] : memref<2x327680xi32, #tpu.memory_space<hbm>> -> memref<1x1024xi32, #tpu.memory_space<hbm>>
      %dma_wait3A_218 = tpu.memref_squeeze %dma_wait3A_217 : memref<1x1024xi32, #tpu.memory_space<hbm>> -> memref<1024xi32, #tpu.memory_space<hbm>>
      %dma_wait3A_219 = tpu.memref_slice %arg3[%dma_wait3A_216, %add3A_193] : memref<2x327680xi32, #tpu.memory_space<hbm>> -> memref<1x1024xi32, #tpu.memory_space<hbm>>
      %dma_wait3A_220 = tpu.memref_squeeze %dma_wait3A_219 : memref<1x1024xi32, #tpu.memory_space<hbm>> -> memref<1024xi32, #tpu.memory_space<hbm>>
      tpu.wait_dma2 semaphore(%arg16 : memref<!tpu.dma_semaphore, #tpu.memory_space<semaphore_mem>>) src(%dma_wait3A_220 : memref<1024xi32, #tpu.memory_space<hbm>>) dst(%arg6 : memref<1024xi32, #tpu.memory_space<vmem>>)
      %add3A_221 = arith.constant 3072 : i32
      %add3A_222 = arith.addi %mul3A_124, %add3A_221 : i32
      %dma_start3A_223 = arith.constant 0 : i32
      %dma_start3A_224 = tpu.memref_slice %arg3[%dma_start3A_223, %add3A_222] : memref<2x327680xi32, #tpu.memory_space<hbm>> -> memref<1x1024xi32, #tpu.memory_space<hbm>>
      %dma_start3A_225 = tpu.memref_squeeze %dma_start3A_224 : memref<1x1024xi32, #tpu.memory_space<hbm>> -> memref<1024xi32, #tpu.memory_space<hbm>>
      %dma_start3A_226 = tpu.memref_slice %arg3[%dma_start3A_223, %add3A_222] : memref<2x327680xi32, #tpu.memory_space<hbm>> -> memref<1x1024xi32, #tpu.memory_space<hbm>>
      %dma_start3A_227 = tpu.memref_squeeze %dma_start3A_226 : memref<1x1024xi32, #tpu.memory_space<hbm>> -> memref<1024xi32, #tpu.memory_space<hbm>>
      tpu.enqueue_dma source(%dma_start3A_227 : memref<1024xi32, #tpu.memory_space<hbm>>) target(%arg11 : memref<1024xi32, #tpu.memory_space<vmem>>) target_semaphore(%arg16 : memref<!tpu.dma_semaphore, #tpu.memory_space<semaphore_mem>>)
      %add3A_228 = arith.constant 3072 : i32
      %add3A_229 = arith.addi %mul3A_124, %add3A_228 : i32
      %dma_start3A_230 = arith.constant 1 : i32
      %dma_start3A_231 = tpu.memref_slice %arg3[%dma_start3A_230, %add3A_229] : memref<2x327680xi32, #tpu.memory_space<hbm>> -> memref<1x1024xi32, #tpu.memory_space<hbm>>
      %dma_start3A_232 = tpu.memref_squeeze %dma_start3A_231 : memref<1x1024xi32, #tpu.memory_space<hbm>> -> memref<1024xi32, #tpu.memory_space<hbm>>
      %dma_start3A_233 = tpu.memref_slice %arg3[%dma_start3A_230, %add3A_229] : memref<2x327680xi32, #tpu.memory_space<hbm>> -> memref<1x1024xi32, #tpu.memory_space<hbm>>
      %dma_start3A_234 = tpu.memref_squeeze %dma_start3A_233 : memref<1x1024xi32, #tpu.memory_space<hbm>> -> memref<1024xi32, #tpu.memory_space<hbm>>
      tpu.enqueue_dma source(%dma_start3A_234 : memref<1024xi32, #tpu.memory_space<hbm>>) target(%arg12 : memref<1024xi32, #tpu.memory_space<vmem>>) target_semaphore(%arg16 : memref<!tpu.dma_semaphore, #tpu.memory_space<semaphore_mem>>)
      %dma_wait3A_235 = arith.constant 0 : i32
      %dma_wait3A_236 = tpu.memref_slice %arg15[%dma_wait3A_235] : memref<1310720xf32, #tpu.memory_space<vmem_shared>> -> memref<1310720xf32, #tpu.memory_space<vmem_shared>>
      tpu.wait_indirect_dma semaphore(%arg19 : memref<!tpu.dma_semaphore, #tpu.memory_space<semaphore_mem>>) src(%arg9 : memref<1024xf32, #tpu.memory_space<vmem>>) dst(%dma_wait3A_236 : memref<1310720xf32, #tpu.memory_space<vmem_shared>>)
      %dma_start3A_237 = arith.constant 0 : i32
      %dma_start3A_238 = tpu.memref_slice %arg14[%dma_start3A_237] : memref<10240xi32, #tpu.memory_space<vmem_shared>> -> memref<10240xi32, #tpu.memory_space<vmem_shared>>
      tpu.enqueue_indirect_dma source(%dma_start3A_238 : memref<10240xi32, #tpu.memory_space<vmem_shared>>) target(%arg7 : memref<1024xi32, #tpu.memory_space<vmem>>) offsets(%arg5 : memref<1024xi32, #tpu.memory_space<vmem>>) semaphore(%arg18 : memref<!tpu.dma_semaphore, #tpu.memory_space<semaphore_mem>>)
      %dma_wait3A_239 = arith.constant 0 : i32
      %dma_wait3A_240 = tpu.memref_slice %arg14[%dma_wait3A_239] : memref<10240xi32, #tpu.memory_space<vmem_shared>> -> memref<10240xi32, #tpu.memory_space<vmem_shared>>
      tpu.wait_indirect_dma semaphore(%arg18 : memref<!tpu.dma_semaphore, #tpu.memory_space<semaphore_mem>>) src(%dma_wait3A_240 : memref<10240xi32, #tpu.memory_space<vmem_shared>>) dst(%arg7 : memref<1024xi32, #tpu.memory_space<vmem>>)
      %scan3A_241 = arith.constant 0 : i32
      %scan3A_242 = arith.constant 0 : i32
      %scan3A_243 = arith.constant 64 : i32
      %scan3A_244 = arith.addi %scan3A_242, %scan3A_243 : i32
      %scan3A_245 = arith.constant 1 : i32
      scf.for %scan3A_581 = %scan3A_242 to %scan3A_244 step %scan3A_245  : i32 {
        %mul3A_582 = arith.constant 16 : i32
        %mul3A_583 = arith.muli %scan3A_581, %mul3A_582 : i32
        %get3A = arith.index_cast %mul3A_583 : i32 to index
        %get3A_584 = tpu.vector_load %arg6[%get3A] {strides = array<i32>} : memref<1024xi32, #tpu.memory_space<vmem>>, vector<16xi32>,
        %get3A_585 = arith.index_cast %mul3A_583 : i32 to index
        %get3A_586 = tpu.vector_load %arg7[%get3A_585] {strides = array<i32>} : memref<1024xi32, #tpu.memory_space<vmem>>, vector<16xi32>,
        %mul3A_587 = arith.constant 128 : i32
        %mul3A_588 = vector.broadcast %mul3A_587 : i32 to vector<16xi32>
        %mul3A_589 = arith.muli %get3A_584, %mul3A_588 : vector<16xi32>
        %add3A_590 = arith.addi %mul3A_589, %get3A_586 : vector<16xi32>
        %swap3A = arith.index_cast %mul3A_583 : i32 to index
        %swap3A_591 = tpu.vector_load %arg8[%swap3A] {strides = array<i32>} : memref<1024xi32, #tpu.memory_space<vmem>>, vector<16xi32>,
        tpu.vector_store %arg8[%swap3A], %add3A_590 {strides = array<i32>} : memref<1024xi32, #tpu.memory_space<vmem>>, vector<16xi32>,
      }
      %scan3A_246 = arith.constant 64 : i32
      %dma_start3A_247 = arith.constant 0 : i32
      %dma_start3A_248 = tpu.memref_slice %arg15[%dma_start3A_247] : memref<1310720xf32, #tpu.memory_space<vmem_shared>> -> memref<1310720xf32, #tpu.memory_space<vmem_shared>>
      tpu.enqueue_indirect_dma source(%arg9 : memref<1024xf32, #tpu.memory_space<vmem>>) target(%dma_start3A_248 : memref<1310720xf32, #tpu.memory_space<vmem_shared>>) offsets(%arg8 : memref<1024xi32, #tpu.memory_space<vmem>>) semaphore(%arg19 : memref<!tpu.dma_semaphore, #tpu.memory_space<semaphore_mem>>) {add = true}
      %dma_wait3A_249 = arith.constant 0 : i32
      %dma_wait3A_250 = tpu.memref_slice %arg3[%dma_wait3A_249, %add3A_222] : memref<2x327680xi32, #tpu.memory_space<hbm>> -> memref<1x1024xi32, #tpu.memory_space<hbm>>
      %dma_wait3A_251 = tpu.memref_squeeze %dma_wait3A_250 : memref<1x1024xi32, #tpu.memory_space<hbm>> -> memref<1024xi32, #tpu.memory_space<hbm>>
      %dma_wait3A_252 = tpu.memref_slice %arg3[%dma_wait3A_249, %add3A_222] : memref<2x327680xi32, #tpu.memory_space<hbm>> -> memref<1x1024xi32, #tpu.memory_space<hbm>>
      %dma_wait3A_253 = tpu.memref_squeeze %dma_wait3A_252 : memref<1x1024xi32, #tpu.memory_space<hbm>> -> memref<1024xi32, #tpu.memory_space<hbm>>
      tpu.wait_dma2 semaphore(%arg16 : memref<!tpu.dma_semaphore, #tpu.memory_space<semaphore_mem>>) src(%dma_wait3A_253 : memref<1024xi32, #tpu.memory_space<hbm>>) dst(%arg11 : memref<1024xi32, #tpu.memory_space<vmem>>)
      %dma_wait3A_254 = arith.constant 1 : i32
      %dma_wait3A_255 = tpu.memref_slice %arg3[%dma_wait3A_254, %add3A_229] : memref<2x327680xi32, #tpu.memory_space<hbm>> -> memref<1x1024xi32, #tpu.memory_space<hbm>>
      %dma_wait3A_256 = tpu.memref_squeeze %dma_wait3A_255 : memref<1x1024xi32, #tpu.memory_space<hbm>> -> memref<1024xi32, #tpu.memory_space<hbm>>
      %dma_wait3A_257 = tpu.memref_slice %arg3[%dma_wait3A_254, %add3A_229] : memref<2x327680xi32, #tpu.memory_space<hbm>> -> memref<1x1024xi32, #tpu.memory_space<hbm>>
      %dma_wait3A_258 = tpu.memref_squeeze %dma_wait3A_257 : memref<1x1024xi32, #tpu.memory_space<hbm>> -> memref<1024xi32, #tpu.memory_space<hbm>>
      tpu.wait_dma2 semaphore(%arg16 : memref<!tpu.dma_semaphore, #tpu.memory_space<semaphore_mem>>) src(%dma_wait3A_258 : memref<1024xi32, #tpu.memory_space<hbm>>) dst(%arg12 : memref<1024xi32, #tpu.memory_space<vmem>>)
      %add3A_259 = arith.constant 4096 : i32
      %add3A_260 = arith.addi %mul3A_124, %add3A_259 : i32
      %dma_start3A_261 = arith.constant 0 : i32
      %dma_start3A_262 = tpu.memref_slice %arg3[%dma_start3A_261, %add3A_260] : memref<2x327680xi32, #tpu.memory_space<hbm>> -> memref<1x1024xi32, #tpu.memory_space<hbm>>
      %dma_start3A_263 = tpu.memref_squeeze %dma_start3A_262 : memref<1x1024xi32, #tpu.memory_space<hbm>> -> memref<1024xi32, #tpu.memory_space<hbm>>
      %dma_start3A_264 = tpu.memref_slice %arg3[%dma_start3A_261, %add3A_260] : memref<2x327680xi32, #tpu.memory_space<hbm>> -> memref<1x1024xi32, #tpu.memory_space<hbm>>
      %dma_start3A_265 = tpu.memref_squeeze %dma_start3A_264 : memref<1x1024xi32, #tpu.memory_space<hbm>> -> memref<1024xi32, #tpu.memory_space<hbm>>
      tpu.enqueue_dma source(%dma_start3A_265 : memref<1024xi32, #tpu.memory_space<hbm>>) target(%arg5 : memref<1024xi32, #tpu.memory_space<vmem>>) target_semaphore(%arg16 : memref<!tpu.dma_semaphore, #tpu.memory_space<semaphore_mem>>)
      %add3A_266 = arith.constant 4096 : i32
      %add3A_267 = arith.addi %mul3A_124, %add3A_266 : i32
      %dma_start3A_268 = arith.constant 1 : i32
      %dma_start3A_269 = tpu.memref_slice %arg3[%dma_start3A_268, %add3A_267] : memref<2x327680xi32, #tpu.memory_space<hbm>> -> memref<1x1024xi32, #tpu.memory_space<hbm>>
      %dma_start3A_270 = tpu.memref_squeeze %dma_start3A_269 : memref<1x1024xi32, #tpu.memory_space<hbm>> -> memref<1024xi32, #tpu.memory_space<hbm>>
      %dma_start3A_271 = tpu.memref_slice %arg3[%dma_start3A_268, %add3A_267] : memref<2x327680xi32, #tpu.memory_space<hbm>> -> memref<1x1024xi32, #tpu.memory_space<hbm>>
      %dma_start3A_272 = tpu.memref_squeeze %dma_start3A_271 : memref<1x1024xi32, #tpu.memory_space<hbm>> -> memref<1024xi32, #tpu.memory_space<hbm>>
      tpu.enqueue_dma source(%dma_start3A_272 : memref<1024xi32, #tpu.memory_space<hbm>>) target(%arg6 : memref<1024xi32, #tpu.memory_space<vmem>>) target_semaphore(%arg16 : memref<!tpu.dma_semaphore, #tpu.memory_space<semaphore_mem>>)
      %dma_wait3A_273 = arith.constant 0 : i32
      %dma_wait3A_274 = tpu.memref_slice %arg15[%dma_wait3A_273] : memref<1310720xf32, #tpu.memory_space<vmem_shared>> -> memref<1310720xf32, #tpu.memory_space<vmem_shared>>
      tpu.wait_indirect_dma semaphore(%arg19 : memref<!tpu.dma_semaphore, #tpu.memory_space<semaphore_mem>>) src(%arg9 : memref<1024xf32, #tpu.memory_space<vmem>>) dst(%dma_wait3A_274 : memref<1310720xf32, #tpu.memory_space<vmem_shared>>)
      %dma_start3A_275 = arith.constant 0 : i32
      %dma_start3A_276 = tpu.memref_slice %arg14[%dma_start3A_275] : memref<10240xi32, #tpu.memory_space<vmem_shared>> -> memref<10240xi32, #tpu.memory_space<vmem_shared>>
      tpu.enqueue_indirect_dma source(%dma_start3A_276 : memref<10240xi32, #tpu.memory_space<vmem_shared>>) target(%arg7 : memref<1024xi32, #tpu.memory_space<vmem>>) offsets(%arg11 : memref<1024xi32, #tpu.memory_space<vmem>>) semaphore(%arg18 : memref<!tpu.dma_semaphore, #tpu.memory_space<semaphore_mem>>)
      %dma_wait3A_277 = arith.constant 0 : i32
      %dma_wait3A_278 = tpu.memref_slice %arg14[%dma_wait3A_277] : memref<10240xi32, #tpu.memory_space<vmem_shared>> -> memref<10240xi32, #tpu.memory_space<vmem_shared>>
      tpu.wait_indirect_dma semaphore(%arg18 : memref<!tpu.dma_semaphore, #tpu.memory_space<semaphore_mem>>) src(%dma_wait3A_278 : memref<10240xi32, #tpu.memory_space<vmem_shared>>) dst(%arg7 : memref<1024xi32, #tpu.memory_space<vmem>>)
      %scan3A_279 = arith.constant 0 : i32
      %scan3A_280 = arith.constant 0 : i32
      %scan3A_281 = arith.constant 64 : i32
      %scan3A_282 = arith.addi %scan3A_280, %scan3A_281 : i32
      %scan3A_283 = arith.constant 1 : i32
      scf.for %scan3A_581 = %scan3A_280 to %scan3A_282 step %scan3A_283  : i32 {
        %mul3A_582 = arith.constant 16 : i32
        %mul3A_583 = arith.muli %scan3A_581, %mul3A_582 : i32
        %get3A = arith.index_cast %mul3A_583 : i32 to index
        %get3A_584 = tpu.vector_load %arg12[%get3A] {strides = array<i32>} : memref<1024xi32, #tpu.memory_space<vmem>>, vector<16xi32>,
        %get3A_585 = arith.index_cast %mul3A_583 : i32 to index
        %get3A_586 = tpu.vector_load %arg7[%get3A_585] {strides = array<i32>} : memref<1024xi32, #tpu.memory_space<vmem>>, vector<16xi32>,
        %mul3A_587 = arith.constant 128 : i32
        %mul3A_588 = vector.broadcast %mul3A_587 : i32 to vector<16xi32>
        %mul3A_589 = arith.muli %get3A_584, %mul3A_588 : vector<16xi32>
        %add3A_590 = arith.addi %mul3A_589, %get3A_586 : vector<16xi32>
        %swap3A = arith.index_cast %mul3A_583 : i32 to index
        %swap3A_591 = tpu.vector_load %arg13[%swap3A] {strides = array<i32>} : memref<1024xi32, #tpu.memory_space<vmem>>, vector<16xi32>,
        tpu.vector_store %arg13[%swap3A], %add3A_590 {strides = array<i32>} : memref<1024xi32, #tpu.memory_space<vmem>>, vector<16xi32>,
      }
      %scan3A_284 = arith.constant 64 : i32
      %dma_start3A_285 = arith.constant 0 : i32
      %dma_start3A_286 = tpu.memref_slice %arg15[%dma_start3A_285] : memref<1310720xf32, #tpu.memory_space<vmem_shared>> -> memref<1310720xf32, #tpu.memory_space<vmem_shared>>
      tpu.enqueue_indirect_dma source(%arg9 : memref<1024xf32, #tpu.memory_space<vmem>>) target(%dma_start3A_286 : memref<1310720xf32, #tpu.memory_space<vmem_shared>>) offsets(%arg13 : memref<1024xi32, #tpu.memory_space<vmem>>) semaphore(%arg19 : memref<!tpu.dma_semaphore, #tpu.memory_space<semaphore_mem>>) {add = true}
      %dma_wait3A_287 = arith.constant 0 : i32
      %dma_wait3A_288 = tpu.memref_slice %arg3[%dma_wait3A_287, %add3A_260] : memref<2x327680xi32, #tpu.memory_space<hbm>> -> memref<1x1024xi32, #tpu.memory_space<hbm>>
      %dma_wait3A_289 = tpu.memref_squeeze %dma_wait3A_288 : memref<1x1024xi32, #tpu.memory_space<hbm>> -> memref<1024xi32, #tpu.memory_space<hbm>>
      %dma_wait3A_290 = tpu.memref_slice %arg3[%dma_wait3A_287, %add3A_260] : memref<2x327680xi32, #tpu.memory_space<hbm>> -> memref<1x1024xi32, #tpu.memory_space<hbm>>
      %dma_wait3A_291 = tpu.memref_squeeze %dma_wait3A_290 : memref<1x1024xi32, #tpu.memory_space<hbm>> -> memref<1024xi32, #tpu.memory_space<hbm>>
      tpu.wait_dma2 semaphore(%arg16 : memref<!tpu.dma_semaphore, #tpu.memory_space<semaphore_mem>>) src(%dma_wait3A_291 : memref<1024xi32, #tpu.memory_space<hbm>>) dst(%arg5 : memref<1024xi32, #tpu.memory_space<vmem>>)
      %dma_wait3A_292 = arith.constant 1 : i32
      %dma_wait3A_293 = tpu.memref_slice %arg3[%dma_wait3A_292, %add3A_267] : memref<2x327680xi32, #tpu.memory_space<hbm>> -> memref<1x1024xi32, #tpu.memory_space<hbm>>
      %dma_wait3A_294 = tpu.memref_squeeze %dma_wait3A_293 : memref<1x1024xi32, #tpu.memory_space<hbm>> -> memref<1024xi32, #tpu.memory_space<hbm>>
      %dma_wait3A_295 = tpu.memref_slice %arg3[%dma_wait3A_292, %add3A_267] : memref<2x327680xi32, #tpu.memory_space<hbm>> -> memref<1x1024xi32, #tpu.memory_space<hbm>>
      %dma_wait3A_296 = tpu.memref_squeeze %dma_wait3A_295 : memref<1x1024xi32, #tpu.memory_space<hbm>> -> memref<1024xi32, #tpu.memory_space<hbm>>
      tpu.wait_dma2 semaphore(%arg16 : memref<!tpu.dma_semaphore, #tpu.memory_space<semaphore_mem>>) src(%dma_wait3A_296 : memref<1024xi32, #tpu.memory_space<hbm>>) dst(%arg6 : memref<1024xi32, #tpu.memory_space<vmem>>)
      %add3A_297 = arith.constant 5120 : i32
      %add3A_298 = arith.addi %mul3A_124, %add3A_297 : i32
      %dma_start3A_299 = arith.constant 0 : i32
      %dma_start3A_300 = tpu.memref_slice %arg3[%dma_start3A_299, %add3A_298] : memref<2x327680xi32, #tpu.memory_space<hbm>> -> memref<1x1024xi32, #tpu.memory_space<hbm>>
      %dma_start3A_301 = tpu.memref_squeeze %dma_start3A_300 : memref<1x1024xi32, #tpu.memory_space<hbm>> -> memref<1024xi32, #tpu.memory_space<hbm>>
      %dma_start3A_302 = tpu.memref_slice %arg3[%dma_start3A_299, %add3A_298] : memref<2x327680xi32, #tpu.memory_space<hbm>> -> memref<1x1024xi32, #tpu.memory_space<hbm>>
      %dma_start3A_303 = tpu.memref_squeeze %dma_start3A_302 : memref<1x1024xi32, #tpu.memory_space<hbm>> -> memref<1024xi32, #tpu.memory_space<hbm>>
      tpu.enqueue_dma source(%dma_start3A_303 : memref<1024xi32, #tpu.memory_space<hbm>>) target(%arg11 : memref<1024xi32, #tpu.memory_space<vmem>>) target_semaphore(%arg16 : memref<!tpu.dma_semaphore, #tpu.memory_space<semaphore_mem>>)
      %add3A_304 = arith.constant 5120 : i32
      %add3A_305 = arith.addi %mul3A_124, %add3A_304 : i32
      %dma_start3A_306 = arith.constant 1 : i32
      %dma_start3A_307 = tpu.memref_slice %arg3[%dma_start3A_306, %add3A_305] : memref<2x327680xi32, #tpu.memory_space<hbm>> -> memref<1x1024xi32, #tpu.memory_space<hbm>>
      %dma_start3A_308 = tpu.memref_squeeze %dma_start3A_307 : memref<1x1024xi32, #tpu.memory_space<hbm>> -> memref<1024xi32, #tpu.memory_space<hbm>>
      %dma_start3A_309 = tpu.memref_slice %arg3[%dma_start3A_306, %add3A_305] : memref<2x327680xi32, #tpu.memory_space<hbm>> -> memref<1x1024xi32, #tpu.memory_space<hbm>>
      %dma_start3A_310 = tpu.memref_squeeze %dma_start3A_309 : memref<1x1024xi32, #tpu.memory_space<hbm>> -> memref<1024xi32, #tpu.memory_space<hbm>>
      tpu.enqueue_dma source(%dma_start3A_310 : memref<1024xi32, #tpu.memory_space<hbm>>) target(%arg12 : memref<1024xi32, #tpu.memory_space<vmem>>) target_semaphore(%arg16 : memref<!tpu.dma_semaphore, #tpu.memory_space<semaphore_mem>>)
      %dma_wait3A_311 = arith.constant 0 : i32
      %dma_wait3A_312 = tpu.memref_slice %arg15[%dma_wait3A_311] : memref<1310720xf32, #tpu.memory_space<vmem_shared>> -> memref<1310720xf32, #tpu.memory_space<vmem_shared>>
      tpu.wait_indirect_dma semaphore(%arg19 : memref<!tpu.dma_semaphore, #tpu.memory_space<semaphore_mem>>) src(%arg9 : memref<1024xf32, #tpu.memory_space<vmem>>) dst(%dma_wait3A_312 : memref<1310720xf32, #tpu.memory_space<vmem_shared>>)
      %dma_start3A_313 = arith.constant 0 : i32
      %dma_start3A_314 = tpu.memref_slice %arg14[%dma_start3A_313] : memref<10240xi32, #tpu.memory_space<vmem_shared>> -> memref<10240xi32, #tpu.memory_space<vmem_shared>>
      tpu.enqueue_indirect_dma source(%dma_start3A_314 : memref<10240xi32, #tpu.memory_space<vmem_shared>>) target(%arg7 : memref<1024xi32, #tpu.memory_space<vmem>>) offsets(%arg5 : memref<1024xi32, #tpu.memory_space<vmem>>) semaphore(%arg18 : memref<!tpu.dma_semaphore, #tpu.memory_space<semaphore_mem>>)
      %dma_wait3A_315 = arith.constant 0 : i32
      %dma_wait3A_316 = tpu.memref_slice %arg14[%dma_wait3A_315] : memref<10240xi32, #tpu.memory_space<vmem_shared>> -> memref<10240xi32, #tpu.memory_space<vmem_shared>>
      tpu.wait_indirect_dma semaphore(%arg18 : memref<!tpu.dma_semaphore, #tpu.memory_space<semaphore_mem>>) src(%dma_wait3A_316 : memref<10240xi32, #tpu.memory_space<vmem_shared>>) dst(%arg7 : memref<1024xi32, #tpu.memory_space<vmem>>)
      %scan3A_317 = arith.constant 0 : i32
      %scan3A_318 = arith.constant 0 : i32
      %scan3A_319 = arith.constant 64 : i32
      %scan3A_320 = arith.addi %scan3A_318, %scan3A_319 : i32
      %scan3A_321 = arith.constant 1 : i32
      scf.for %scan3A_581 = %scan3A_318 to %scan3A_320 step %scan3A_321  : i32 {
        %mul3A_582 = arith.constant 16 : i32
        %mul3A_583 = arith.muli %scan3A_581, %mul3A_582 : i32
        %get3A = arith.index_cast %mul3A_583 : i32 to index
        %get3A_584 = tpu.vector_load %arg6[%get3A] {strides = array<i32>} : memref<1024xi32, #tpu.memory_space<vmem>>, vector<16xi32>,
        %get3A_585 = arith.index_cast %mul3A_583 : i32 to index
        %get3A_586 = tpu.vector_load %arg7[%get3A_585] {strides = array<i32>} : memref<1024xi32, #tpu.memory_space<vmem>>, vector<16xi32>,
        %mul3A_587 = arith.constant 128 : i32
        %mul3A_588 = vector.broadcast %mul3A_587 : i32 to vector<16xi32>
        %mul3A_589 = arith.muli %get3A_584, %mul3A_588 : vector<16xi32>
        %add3A_590 = arith.addi %mul3A_589, %get3A_586 : vector<16xi32>
        %swap3A = arith.index_cast %mul3A_583 : i32 to index
        %swap3A_591 = tpu.vector_load %arg8[%swap3A] {strides = array<i32>} : memref<1024xi32, #tpu.memory_space<vmem>>, vector<16xi32>,
        tpu.vector_store %arg8[%swap3A], %add3A_590 {strides = array<i32>} : memref<1024xi32, #tpu.memory_space<vmem>>, vector<16xi32>,
      }
      %scan3A_322 = arith.constant 64 : i32
      %dma_start3A_323 = arith.constant 0 : i32
      %dma_start3A_324 = tpu.memref_slice %arg15[%dma_start3A_323] : memref<1310720xf32, #tpu.memory_space<vmem_shared>> -> memref<1310720xf32, #tpu.memory_space<vmem_shared>>
      tpu.enqueue_indirect_dma source(%arg9 : memref<1024xf32, #tpu.memory_space<vmem>>) target(%dma_start3A_324 : memref<1310720xf32, #tpu.memory_space<vmem_shared>>) offsets(%arg8 : memref<1024xi32, #tpu.memory_space<vmem>>) semaphore(%arg19 : memref<!tpu.dma_semaphore, #tpu.memory_space<semaphore_mem>>) {add = true}
      %dma_wait3A_325 = arith.constant 0 : i32
      %dma_wait3A_326 = tpu.memref_slice %arg3[%dma_wait3A_325, %add3A_298] : memref<2x327680xi32, #tpu.memory_space<hbm>> -> memref<1x1024xi32, #tpu.memory_space<hbm>>
      %dma_wait3A_327 = tpu.memref_squeeze %dma_wait3A_326 : memref<1x1024xi32, #tpu.memory_space<hbm>> -> memref<1024xi32, #tpu.memory_space<hbm>>
      %dma_wait3A_328 = tpu.memref_slice %arg3[%dma_wait3A_325, %add3A_298] : memref<2x327680xi32, #tpu.memory_space<hbm>> -> memref<1x1024xi32, #tpu.memory_space<hbm>>
      %dma_wait3A_329 = tpu.memref_squeeze %dma_wait3A_328 : memref<1x1024xi32, #tpu.memory_space<hbm>> -> memref<1024xi32, #tpu.memory_space<hbm>>
      tpu.wait_dma2 semaphore(%arg16 : memref<!tpu.dma_semaphore, #tpu.memory_space<semaphore_mem>>) src(%dma_wait3A_329 : memref<1024xi32, #tpu.memory_space<hbm>>) dst(%arg11 : memref<1024xi32, #tpu.memory_space<vmem>>)
      %dma_wait3A_330 = arith.constant 1 : i32
      %dma_wait3A_331 = tpu.memref_slice %arg3[%dma_wait3A_330, %add3A_305] : memref<2x327680xi32, #tpu.memory_space<hbm>> -> memref<1x1024xi32, #tpu.memory_space<hbm>>
      %dma_wait3A_332 = tpu.memref_squeeze %dma_wait3A_331 : memref<1x1024xi32, #tpu.memory_space<hbm>> -> memref<1024xi32, #tpu.memory_space<hbm>>
      %dma_wait3A_333 = tpu.memref_slice %arg3[%dma_wait3A_330, %add3A_305] : memref<2x327680xi32, #tpu.memory_space<hbm>> -> memref<1x1024xi32, #tpu.memory_space<hbm>>
      %dma_wait3A_334 = tpu.memref_squeeze %dma_wait3A_333 : memref<1x1024xi32, #tpu.memory_space<hbm>> -> memref<1024xi32, #tpu.memory_space<hbm>>
      tpu.wait_dma2 semaphore(%arg16 : memref<!tpu.dma_semaphore, #tpu.memory_space<semaphore_mem>>) src(%dma_wait3A_334 : memref<1024xi32, #tpu.memory_space<hbm>>) dst(%arg12 : memref<1024xi32, #tpu.memory_space<vmem>>)
      %add3A_335 = arith.constant 6144 : i32
      %add3A_336 = arith.addi %mul3A_124, %add3A_335 : i32
      %dma_start3A_337 = arith.constant 0 : i32
      %dma_start3A_338 = tpu.memref_slice %arg3[%dma_start3A_337, %add3A_336] : memref<2x327680xi32, #tpu.memory_space<hbm>> -> memref<1x1024xi32, #tpu.memory_space<hbm>>
      %dma_start3A_339 = tpu.memref_squeeze %dma_start3A_338 : memref<1x1024xi32, #tpu.memory_space<hbm>> -> memref<1024xi32, #tpu.memory_space<hbm>>
      %dma_start3A_340 = tpu.memref_slice %arg3[%dma_start3A_337, %add3A_336] : memref<2x327680xi32, #tpu.memory_space<hbm>> -> memref<1x1024xi32, #tpu.memory_space<hbm>>
      %dma_start3A_341 = tpu.memref_squeeze %dma_start3A_340 : memref<1x1024xi32, #tpu.memory_space<hbm>> -> memref<1024xi32, #tpu.memory_space<hbm>>
      tpu.enqueue_dma source(%dma_start3A_341 : memref<1024xi32, #tpu.memory_space<hbm>>) target(%arg5 : memref<1024xi32, #tpu.memory_space<vmem>>) target_semaphore(%arg16 : memref<!tpu.dma_semaphore, #tpu.memory_space<semaphore_mem>>)
      %add3A_342 = arith.constant 6144 : i32
      %add3A_343 = arith.addi %mul3A_124, %add3A_342 : i32
      %dma_start3A_344 = arith.constant 1 : i32
      %dma_start3A_345 = tpu.memref_slice %arg3[%dma_start3A_344, %add3A_343] : memref<2x327680xi32, #tpu.memory_space<hbm>> -> memref<1x1024xi32, #tpu.memory_space<hbm>>
      %dma_start3A_346 = tpu.memref_squeeze %dma_start3A_345 : memref<1x1024xi32, #tpu.memory_space<hbm>> -> memref<1024xi32, #tpu.memory_space<hbm>>
      %dma_start3A_347 = tpu.memref_slice %arg3[%dma_start3A_344, %add3A_343] : memref<2x327680xi32, #tpu.memory_space<hbm>> -> memref<1x1024xi32, #tpu.memory_space<hbm>>
      %dma_start3A_348 = tpu.memref_squeeze %dma_start3A_347 : memref<1x1024xi32, #tpu.memory_space<hbm>> -> memref<1024xi32, #tpu.memory_space<hbm>>
      tpu.enqueue_dma source(%dma_start3A_348 : memref<1024xi32, #tpu.memory_space<hbm>>) target(%arg6 : memref<1024xi32, #tpu.memory_space<vmem>>) target_semaphore(%arg16 : memref<!tpu.dma_semaphore, #tpu.memory_space<semaphore_mem>>)
      %dma_wait3A_349 = arith.constant 0 : i32
      %dma_wait3A_350 = tpu.memref_slice %arg15[%dma_wait3A_349] : memref<1310720xf32, #tpu.memory_space<vmem_shared>> -> memref<1310720xf32, #tpu.memory_space<vmem_shared>>
      tpu.wait_indirect_dma semaphore(%arg19 : memref<!tpu.dma_semaphore, #tpu.memory_space<semaphore_mem>>) src(%arg9 : memref<1024xf32, #tpu.memory_space<vmem>>) dst(%dma_wait3A_350 : memref<1310720xf32, #tpu.memory_space<vmem_shared>>)
      %dma_start3A_351 = arith.constant 0 : i32
      %dma_start3A_352 = tpu.memref_slice %arg14[%dma_start3A_351] : memref<10240xi32, #tpu.memory_space<vmem_shared>> -> memref<10240xi32, #tpu.memory_space<vmem_shared>>
      tpu.enqueue_indirect_dma source(%dma_start3A_352 : memref<10240xi32, #tpu.memory_space<vmem_shared>>) target(%arg7 : memref<1024xi32, #tpu.memory_space<vmem>>) offsets(%arg11 : memref<1024xi32, #tpu.memory_space<vmem>>) semaphore(%arg18 : memref<!tpu.dma_semaphore, #tpu.memory_space<semaphore_mem>>)
      %dma_wait3A_353 = arith.constant 0 : i32
      %dma_wait3A_354 = tpu.memref_slice %arg14[%dma_wait3A_353] : memref<10240xi32, #tpu.memory_space<vmem_shared>> -> memref<10240xi32, #tpu.memory_space<vmem_shared>>
      tpu.wait_indirect_dma semaphore(%arg18 : memref<!tpu.dma_semaphore, #tpu.memory_space<semaphore_mem>>) src(%dma_wait3A_354 : memref<10240xi32, #tpu.memory_space<vmem_shared>>) dst(%arg7 : memref<1024xi32, #tpu.memory_space<vmem>>)
      %scan3A_355 = arith.constant 0 : i32
      %scan3A_356 = arith.constant 0 : i32
      %scan3A_357 = arith.constant 64 : i32
      %scan3A_358 = arith.addi %scan3A_356, %scan3A_357 : i32
      %scan3A_359 = arith.constant 1 : i32
      scf.for %scan3A_581 = %scan3A_356 to %scan3A_358 step %scan3A_359  : i32 {
        %mul3A_582 = arith.constant 16 : i32
        %mul3A_583 = arith.muli %scan3A_581, %mul3A_582 : i32
        %get3A = arith.index_cast %mul3A_583 : i32 to index
        %get3A_584 = tpu.vector_load %arg12[%get3A] {strides = array<i32>} : memref<1024xi32, #tpu.memory_space<vmem>>, vector<16xi32>,
        %get3A_585 = arith.index_cast %mul3A_583 : i32 to index
        %get3A_586 = tpu.vector_load %arg7[%get3A_585] {strides = array<i32>} : memref<1024xi32, #tpu.memory_space<vmem>>, vector<16xi32>,
        %mul3A_587 = arith.constant 128 : i32
        %mul3A_588 = vector.broadcast %mul3A_587 : i32 to vector<16xi32>
        %mul3A_589 = arith.muli %get3A_584, %mul3A_588 : vector<16xi32>
        %add3A_590 = arith.addi %mul3A_589, %get3A_586 : vector<16xi32>
        %swap3A = arith.index_cast %mul3A_583 : i32 to index
        %swap3A_591 = tpu.vector_load %arg13[%swap3A] {strides = array<i32>} : memref<1024xi32, #tpu.memory_space<vmem>>, vector<16xi32>,
        tpu.vector_store %arg13[%swap3A], %add3A_590 {strides = array<i32>} : memref<1024xi32, #tpu.memory_space<vmem>>, vector<16xi32>,
      }
      %scan3A_360 = arith.constant 64 : i32
      %dma_start3A_361 = arith.constant 0 : i32
      %dma_start3A_362 = tpu.memref_slice %arg15[%dma_start3A_361] : memref<1310720xf32, #tpu.memory_space<vmem_shared>> -> memref<1310720xf32, #tpu.memory_space<vmem_shared>>
      tpu.enqueue_indirect_dma source(%arg9 : memref<1024xf32, #tpu.memory_space<vmem>>) target(%dma_start3A_362 : memref<1310720xf32, #tpu.memory_space<vmem_shared>>) offsets(%arg13 : memref<1024xi32, #tpu.memory_space<vmem>>) semaphore(%arg19 : memref<!tpu.dma_semaphore, #tpu.memory_space<semaphore_mem>>) {add = true}
      %dma_wait3A_363 = arith.constant 0 : i32
      %dma_wait3A_364 = tpu.memref_slice %arg3[%dma_wait3A_363, %add3A_336] : memref<2x327680xi32, #tpu.memory_space<hbm>> -> memref<1x1024xi32, #tpu.memory_space<hbm>>
      %dma_wait3A_365 = tpu.memref_squeeze %dma_wait3A_364 : memref<1x1024xi32, #tpu.memory_space<hbm>> -> memref<1024xi32, #tpu.memory_space<hbm>>
      %dma_wait3A_366 = tpu.memref_slice %arg3[%dma_wait3A_363, %add3A_336] : memref<2x327680xi32, #tpu.memory_space<hbm>> -> memref<1x1024xi32, #tpu.memory_space<hbm>>
      %dma_wait3A_367 = tpu.memref_squeeze %dma_wait3A_366 : memref<1x1024xi32, #tpu.memory_space<hbm>> -> memref<1024xi32, #tpu.memory_space<hbm>>
      tpu.wait_dma2 semaphore(%arg16 : memref<!tpu.dma_semaphore, #tpu.memory_space<semaphore_mem>>) src(%dma_wait3A_367 : memref<1024xi32, #tpu.memory_space<hbm>>) dst(%arg5 : memref<1024xi32, #tpu.memory_space<vmem>>)
      %dma_wait3A_368 = arith.constant 1 : i32
      %dma_wait3A_369 = tpu.memref_slice %arg3[%dma_wait3A_368, %add3A_343] : memref<2x327680xi32, #tpu.memory_space<hbm>> -> memref<1x1024xi32, #tpu.memory_space<hbm>>
      %dma_wait3A_370 = tpu.memref_squeeze %dma_wait3A_369 : memref<1x1024xi32, #tpu.memory_space<hbm>> -> memref<1024xi32, #tpu.memory_space<hbm>>
      %dma_wait3A_371 = tpu.memref_slice %arg3[%dma_wait3A_368, %add3A_343] : memref<2x327680xi32, #tpu.memory_space<hbm>> -> memref<1x1024xi32, #tpu.memory_space<hbm>>
      %dma_wait3A_372 = tpu.memref_squeeze %dma_wait3A_371 : memref<1x1024xi32, #tpu.memory_space<hbm>> -> memref<1024xi32, #tpu.memory_space<hbm>>
      tpu.wait_dma2 semaphore(%arg16 : memref<!tpu.dma_semaphore, #tpu.memory_space<semaphore_mem>>) src(%dma_wait3A_372 : memref<1024xi32, #tpu.memory_space<hbm>>) dst(%arg6 : memref<1024xi32, #tpu.memory_space<vmem>>)
      %add3A_373 = arith.constant 7168 : i32
      %add3A_374 = arith.addi %mul3A_124, %add3A_373 : i32
      %dma_start3A_375 = arith.constant 0 : i32
      %dma_start3A_376 = tpu.memref_slice %arg3[%dma_start3A_375, %add3A_374] : memref<2x327680xi32, #tpu.memory_space<hbm>> -> memref<1x1024xi32, #tpu.memory_space<hbm>>
      %dma_start3A_377 = tpu.memref_squeeze %dma_start3A_376 : memref<1x1024xi32, #tpu.memory_space<hbm>> -> memref<1024xi32, #tpu.memory_space<hbm>>
      %dma_start3A_378 = tpu.memref_slice %arg3[%dma_start3A_375, %add3A_374] : memref<2x327680xi32, #tpu.memory_space<hbm>> -> memref<1x1024xi32, #tpu.memory_space<hbm>>
      %dma_start3A_379 = tpu.memref_squeeze %dma_start3A_378 : memref<1x1024xi32, #tpu.memory_space<hbm>> -> memref<1024xi32, #tpu.memory_space<hbm>>
      tpu.enqueue_dma source(%dma_start3A_379 : memref<1024xi32, #tpu.memory_space<hbm>>) target(%arg11 : memref<1024xi32, #tpu.memory_space<vmem>>) target_semaphore(%arg16 : memref<!tpu.dma_semaphore, #tpu.memory_space<semaphore_mem>>)
      %add3A_380 = arith.constant 7168 : i32
      %add3A_381 = arith.addi %mul3A_124, %add3A_380 : i32
      %dma_start3A_382 = arith.constant 1 : i32
      %dma_start3A_383 = tpu.memref_slice %arg3[%dma_start3A_382, %add3A_381] : memref<2x327680xi32, #tpu.memory_space<hbm>> -> memref<1x1024xi32, #tpu.memory_space<hbm>>
      %dma_start3A_384 = tpu.memref_squeeze %dma_start3A_383 : memref<1x1024xi32, #tpu.memory_space<hbm>> -> memref<1024xi32, #tpu.memory_space<hbm>>
      %dma_start3A_385 = tpu.memref_slice %arg3[%dma_start3A_382, %add3A_381] : memref<2x327680xi32, #tpu.memory_space<hbm>> -> memref<1x1024xi32, #tpu.memory_space<hbm>>
      %dma_start3A_386 = tpu.memref_squeeze %dma_start3A_385 : memref<1x1024xi32, #tpu.memory_space<hbm>> -> memref<1024xi32, #tpu.memory_space<hbm>>
      tpu.enqueue_dma source(%dma_start3A_386 : memref<1024xi32, #tpu.memory_space<hbm>>) target(%arg12 : memref<1024xi32, #tpu.memory_space<vmem>>) target_semaphore(%arg16 : memref<!tpu.dma_semaphore, #tpu.memory_space<semaphore_mem>>)
      %dma_wait3A_387 = arith.constant 0 : i32
      %dma_wait3A_388 = tpu.memref_slice %arg15[%dma_wait3A_387] : memref<1310720xf32, #tpu.memory_space<vmem_shared>> -> memref<1310720xf32, #tpu.memory_space<vmem_shared>>
      tpu.wait_indirect_dma semaphore(%arg19 : memref<!tpu.dma_semaphore, #tpu.memory_space<semaphore_mem>>) src(%arg9 : memref<1024xf32, #tpu.memory_space<vmem>>) dst(%dma_wait3A_388 : memref<1310720xf32, #tpu.memory_space<vmem_shared>>)
      %dma_start3A_389 = arith.constant 0 : i32
      %dma_start3A_390 = tpu.memref_slice %arg14[%dma_start3A_389] : memref<10240xi32, #tpu.memory_space<vmem_shared>> -> memref<10240xi32, #tpu.memory_space<vmem_shared>>
      tpu.enqueue_indirect_dma source(%dma_start3A_390 : memref<10240xi32, #tpu.memory_space<vmem_shared>>) target(%arg7 : memref<1024xi32, #tpu.memory_space<vmem>>) offsets(%arg5 : memref<1024xi32, #tpu.memory_space<vmem>>) semaphore(%arg18 : memref<!tpu.dma_semaphore, #tpu.memory_space<semaphore_mem>>)
      %dma_wait3A_391 = arith.constant 0 : i32
      %dma_wait3A_392 = tpu.memref_slice %arg14[%dma_wait3A_391] : memref<10240xi32, #tpu.memory_space<vmem_shared>> -> memref<10240xi32, #tpu.memory_space<vmem_shared>>
      tpu.wait_indirect_dma semaphore(%arg18 : memref<!tpu.dma_semaphore, #tpu.memory_space<semaphore_mem>>) src(%dma_wait3A_392 : memref<10240xi32, #tpu.memory_space<vmem_shared>>) dst(%arg7 : memref<1024xi32, #tpu.memory_space<vmem>>)
      %scan3A_393 = arith.constant 0 : i32
      %scan3A_394 = arith.constant 0 : i32
      %scan3A_395 = arith.constant 64 : i32
      %scan3A_396 = arith.addi %scan3A_394, %scan3A_395 : i32
      %scan3A_397 = arith.constant 1 : i32
      scf.for %scan3A_581 = %scan3A_394 to %scan3A_396 step %scan3A_397  : i32 {
        %mul3A_582 = arith.constant 16 : i32
        %mul3A_583 = arith.muli %scan3A_581, %mul3A_582 : i32
        %get3A = arith.index_cast %mul3A_583 : i32 to index
        %get3A_584 = tpu.vector_load %arg6[%get3A] {strides = array<i32>} : memref<1024xi32, #tpu.memory_space<vmem>>, vector<16xi32>,
        %get3A_585 = arith.index_cast %mul3A_583 : i32 to index
        %get3A_586 = tpu.vector_load %arg7[%get3A_585] {strides = array<i32>} : memref<1024xi32, #tpu.memory_space<vmem>>, vector<16xi32>,
        %mul3A_587 = arith.constant 128 : i32
        %mul3A_588 = vector.broadcast %mul3A_587 : i32 to vector<16xi32>
        %mul3A_589 = arith.muli %get3A_584, %mul3A_588 : vector<16xi32>
        %add3A_590 = arith.addi %mul3A_589, %get3A_586 : vector<16xi32>
        %swap3A = arith.index_cast %mul3A_583 : i32 to index
        %swap3A_591 = tpu.vector_load %arg8[%swap3A] {strides = array<i32>} : memref<1024xi32, #tpu.memory_space<vmem>>, vector<16xi32>,
        tpu.vector_store %arg8[%swap3A], %add3A_590 {strides = array<i32>} : memref<1024xi32, #tpu.memory_space<vmem>>, vector<16xi32>,
      }
      %scan3A_398 = arith.constant 64 : i32
      %dma_start3A_399 = arith.constant 0 : i32
      %dma_start3A_400 = tpu.memref_slice %arg15[%dma_start3A_399] : memref<1310720xf32, #tpu.memory_space<vmem_shared>> -> memref<1310720xf32, #tpu.memory_space<vmem_shared>>
      tpu.enqueue_indirect_dma source(%arg9 : memref<1024xf32, #tpu.memory_space<vmem>>) target(%dma_start3A_400 : memref<1310720xf32, #tpu.memory_space<vmem_shared>>) offsets(%arg8 : memref<1024xi32, #tpu.memory_space<vmem>>) semaphore(%arg19 : memref<!tpu.dma_semaphore, #tpu.memory_space<semaphore_mem>>) {add = true}
      %dma_wait3A_401 = arith.constant 0 : i32
      %dma_wait3A_402 = tpu.memref_slice %arg3[%dma_wait3A_401, %add3A_374] : memref<2x327680xi32, #tpu.memory_space<hbm>> -> memref<1x1024xi32, #tpu.memory_space<hbm>>
      %dma_wait3A_403 = tpu.memref_squeeze %dma_wait3A_402 : memref<1x1024xi32, #tpu.memory_space<hbm>> -> memref<1024xi32, #tpu.memory_space<hbm>>
      %dma_wait3A_404 = tpu.memref_slice %arg3[%dma_wait3A_401, %add3A_374] : memref<2x327680xi32, #tpu.memory_space<hbm>> -> memref<1x1024xi32, #tpu.memory_space<hbm>>
      %dma_wait3A_405 = tpu.memref_squeeze %dma_wait3A_404 : memref<1x1024xi32, #tpu.memory_space<hbm>> -> memref<1024xi32, #tpu.memory_space<hbm>>
      tpu.wait_dma2 semaphore(%arg16 : memref<!tpu.dma_semaphore, #tpu.memory_space<semaphore_mem>>) src(%dma_wait3A_405 : memref<1024xi32, #tpu.memory_space<hbm>>) dst(%arg11 : memref<1024xi32, #tpu.memory_space<vmem>>)
      %dma_wait3A_406 = arith.constant 1 : i32
      %dma_wait3A_407 = tpu.memref_slice %arg3[%dma_wait3A_406, %add3A_381] : memref<2x327680xi32, #tpu.memory_space<hbm>> -> memref<1x1024xi32, #tpu.memory_space<hbm>>
      %dma_wait3A_408 = tpu.memref_squeeze %dma_wait3A_407 : memref<1x1024xi32, #tpu.memory_space<hbm>> -> memref<1024xi32, #tpu.memory_space<hbm>>
      %dma_wait3A_409 = tpu.memref_slice %arg3[%dma_wait3A_406, %add3A_381] : memref<2x327680xi32, #tpu.memory_space<hbm>> -> memref<1x1024xi32, #tpu.memory_space<hbm>>
      %dma_wait3A_410 = tpu.memref_squeeze %dma_wait3A_409 : memref<1x1024xi32, #tpu.memory_space<hbm>> -> memref<1024xi32, #tpu.memory_space<hbm>>
      tpu.wait_dma2 semaphore(%arg16 : memref<!tpu.dma_semaphore, #tpu.memory_space<semaphore_mem>>) src(%dma_wait3A_410 : memref<1024xi32, #tpu.memory_space<hbm>>) dst(%arg12 : memref<1024xi32, #tpu.memory_space<vmem>>)
      %add3A_411 = arith.constant 8192 : i32
      %add3A_412 = arith.addi %mul3A_124, %add3A_411 : i32
      %dma_start3A_413 = arith.constant 0 : i32
      %dma_start3A_414 = tpu.memref_slice %arg3[%dma_start3A_413, %add3A_412] : memref<2x327680xi32, #tpu.memory_space<hbm>> -> memref<1x1024xi32, #tpu.memory_space<hbm>>
      %dma_start3A_415 = tpu.memref_squeeze %dma_start3A_414 : memref<1x1024xi32, #tpu.memory_space<hbm>> -> memref<1024xi32, #tpu.memory_space<hbm>>
      %dma_start3A_416 = tpu.memref_slice %arg3[%dma_start3A_413, %add3A_412] : memref<2x327680xi32, #tpu.memory_space<hbm>> -> memref<1x1024xi32, #tpu.memory_space<hbm>>
      %dma_start3A_417 = tpu.memref_squeeze %dma_start3A_416 : memref<1x1024xi32, #tpu.memory_space<hbm>> -> memref<1024xi32, #tpu.memory_space<hbm>>
      tpu.enqueue_dma source(%dma_start3A_417 : memref<1024xi32, #tpu.memory_space<hbm>>) target(%arg5 : memref<1024xi32, #tpu.memory_space<vmem>>) target_semaphore(%arg16 : memref<!tpu.dma_semaphore, #tpu.memory_space<semaphore_mem>>)
      %add3A_418 = arith.constant 8192 : i32
      %add3A_419 = arith.addi %mul3A_124, %add3A_418 : i32
      %dma_start3A_420 = arith.constant 1 : i32
      %dma_start3A_421 = tpu.memref_slice %arg3[%dma_start3A_420, %add3A_419] : memref<2x327680xi32, #tpu.memory_space<hbm>> -> memref<1x1024xi32, #tpu.memory_space<hbm>>
      %dma_start3A_422 = tpu.memref_squeeze %dma_start3A_421 : memref<1x1024xi32, #tpu.memory_space<hbm>> -> memref<1024xi32, #tpu.memory_space<hbm>>
      %dma_start3A_423 = tpu.memref_slice %arg3[%dma_start3A_420, %add3A_419] : memref<2x327680xi32, #tpu.memory_space<hbm>> -> memref<1x1024xi32, #tpu.memory_space<hbm>>
      %dma_start3A_424 = tpu.memref_squeeze %dma_start3A_423 : memref<1x1024xi32, #tpu.memory_space<hbm>> -> memref<1024xi32, #tpu.memory_space<hbm>>
      tpu.enqueue_dma source(%dma_start3A_424 : memref<1024xi32, #tpu.memory_space<hbm>>) target(%arg6 : memref<1024xi32, #tpu.memory_space<vmem>>) target_semaphore(%arg16 : memref<!tpu.dma_semaphore, #tpu.memory_space<semaphore_mem>>)
      %dma_wait3A_425 = arith.constant 0 : i32
      %dma_wait3A_426 = tpu.memref_slice %arg15[%dma_wait3A_425] : memref<1310720xf32, #tpu.memory_space<vmem_shared>> -> memref<1310720xf32, #tpu.memory_space<vmem_shared>>
      tpu.wait_indirect_dma semaphore(%arg19 : memref<!tpu.dma_semaphore, #tpu.memory_space<semaphore_mem>>) src(%arg9 : memref<1024xf32, #tpu.memory_space<vmem>>) dst(%dma_wait3A_426 : memref<1310720xf32, #tpu.memory_space<vmem_shared>>)
      %dma_start3A_427 = arith.constant 0 : i32
      %dma_start3A_428 = tpu.memref_slice %arg14[%dma_start3A_427] : memref<10240xi32, #tpu.memory_space<vmem_shared>> -> memref<10240xi32, #tpu.memory_space<vmem_shared>>
      tpu.enqueue_indirect_dma source(%dma_start3A_428 : memref<10240xi32, #tpu.memory_space<vmem_shared>>) target(%arg7 : memref<1024xi32, #tpu.memory_space<vmem>>) offsets(%arg11 : memref<1024xi32, #tpu.memory_space<vmem>>) semaphore(%arg18 : memref<!tpu.dma_semaphore, #tpu.memory_space<semaphore_mem>>)
      %dma_wait3A_429 = arith.constant 0 : i32
      %dma_wait3A_430 = tpu.memref_slice %arg14[%dma_wait3A_429] : memref<10240xi32, #tpu.memory_space<vmem_shared>> -> memref<10240xi32, #tpu.memory_space<vmem_shared>>
      tpu.wait_indirect_dma semaphore(%arg18 : memref<!tpu.dma_semaphore, #tpu.memory_space<semaphore_mem>>) src(%dma_wait3A_430 : memref<10240xi32, #tpu.memory_space<vmem_shared>>) dst(%arg7 : memref<1024xi32, #tpu.memory_space<vmem>>)
      %scan3A_431 = arith.constant 0 : i32
      %scan3A_432 = arith.constant 0 : i32
      %scan3A_433 = arith.constant 64 : i32
      %scan3A_434 = arith.addi %scan3A_432, %scan3A_433 : i32
      %scan3A_435 = arith.constant 1 : i32
      scf.for %scan3A_581 = %scan3A_432 to %scan3A_434 step %scan3A_435  : i32 {
        %mul3A_582 = arith.constant 16 : i32
        %mul3A_583 = arith.muli %scan3A_581, %mul3A_582 : i32
        %get3A = arith.index_cast %mul3A_583 : i32 to index
        %get3A_584 = tpu.vector_load %arg12[%get3A] {strides = array<i32>} : memref<1024xi32, #tpu.memory_space<vmem>>, vector<16xi32>,
        %get3A_585 = arith.index_cast %mul3A_583 : i32 to index
        %get3A_586 = tpu.vector_load %arg7[%get3A_585] {strides = array<i32>} : memref<1024xi32, #tpu.memory_space<vmem>>, vector<16xi32>,
        %mul3A_587 = arith.constant 128 : i32
        %mul3A_588 = vector.broadcast %mul3A_587 : i32 to vector<16xi32>
        %mul3A_589 = arith.muli %get3A_584, %mul3A_588 : vector<16xi32>
        %add3A_590 = arith.addi %mul3A_589, %get3A_586 : vector<16xi32>
        %swap3A = arith.index_cast %mul3A_583 : i32 to index
        %swap3A_591 = tpu.vector_load %arg13[%swap3A] {strides = array<i32>} : memref<1024xi32, #tpu.memory_space<vmem>>, vector<16xi32>,
        tpu.vector_store %arg13[%swap3A], %add3A_590 {strides = array<i32>} : memref<1024xi32, #tpu.memory_space<vmem>>, vector<16xi32>,
      }
      %scan3A_436 = arith.constant 64 : i32
      %dma_start3A_437 = arith.constant 0 : i32
      %dma_start3A_438 = tpu.memref_slice %arg15[%dma_start3A_437] : memref<1310720xf32, #tpu.memory_space<vmem_shared>> -> memref<1310720xf32, #tpu.memory_space<vmem_shared>>
      tpu.enqueue_indirect_dma source(%arg9 : memref<1024xf32, #tpu.memory_space<vmem>>) target(%dma_start3A_438 : memref<1310720xf32, #tpu.memory_space<vmem_shared>>) offsets(%arg13 : memref<1024xi32, #tpu.memory_space<vmem>>) semaphore(%arg19 : memref<!tpu.dma_semaphore, #tpu.memory_space<semaphore_mem>>) {add = true}
      %dma_wait3A_439 = arith.constant 0 : i32
      %dma_wait3A_440 = tpu.memref_slice %arg3[%dma_wait3A_439, %add3A_412] : memref<2x327680xi32, #tpu.memory_space<hbm>> -> memref<1x1024xi32, #tpu.memory_space<hbm>>
      %dma_wait3A_441 = tpu.memref_squeeze %dma_wait3A_440 : memref<1x1024xi32, #tpu.memory_space<hbm>> -> memref<1024xi32, #tpu.memory_space<hbm>>
      %dma_wait3A_442 = tpu.memref_slice %arg3[%dma_wait3A_439, %add3A_412] : memref<2x327680xi32, #tpu.memory_space<hbm>> -> memref<1x1024xi32, #tpu.memory_space<hbm>>
      %dma_wait3A_443 = tpu.memref_squeeze %dma_wait3A_442 : memref<1x1024xi32, #tpu.memory_space<hbm>> -> memref<1024xi32, #tpu.memory_space<hbm>>
      tpu.wait_dma2 semaphore(%arg16 : memref<!tpu.dma_semaphore, #tpu.memory_space<semaphore_mem>>) src(%dma_wait3A_443 : memref<1024xi32, #tpu.memory_space<hbm>>) dst(%arg5 : memref<1024xi32, #tpu.memory_space<vmem>>)
      %dma_wait3A_444 = arith.constant 1 : i32
      %dma_wait3A_445 = tpu.memref_slice %arg3[%dma_wait3A_444, %add3A_419] : memref<2x327680xi32, #tpu.memory_space<hbm>> -> memref<1x1024xi32, #tpu.memory_space<hbm>>
      %dma_wait3A_446 = tpu.memref_squeeze %dma_wait3A_445 : memref<1x1024xi32, #tpu.memory_space<hbm>> -> memref<1024xi32, #tpu.memory_space<hbm>>
      %dma_wait3A_447 = tpu.memref_slice %arg3[%dma_wait3A_444, %add3A_419] : memref<2x327680xi32, #tpu.memory_space<hbm>> -> memref<1x1024xi32, #tpu.memory_space<hbm>>
      %dma_wait3A_448 = tpu.memref_squeeze %dma_wait3A_447 : memref<1x1024xi32, #tpu.memory_space<hbm>> -> memref<1024xi32, #tpu.memory_space<hbm>>
      tpu.wait_dma2 semaphore(%arg16 : memref<!tpu.dma_semaphore, #tpu.memory_space<semaphore_mem>>) src(%dma_wait3A_448 : memref<1024xi32, #tpu.memory_space<hbm>>) dst(%arg6 : memref<1024xi32, #tpu.memory_space<vmem>>)
      %add3A_449 = arith.constant 9216 : i32
      %add3A_450 = arith.addi %mul3A_124, %add3A_449 : i32
      %dma_start3A_451 = arith.constant 0 : i32
      %dma_start3A_452 = tpu.memref_slice %arg3[%dma_start3A_451, %add3A_450] : memref<2x327680xi32, #tpu.memory_space<hbm>> -> memref<1x1024xi32, #tpu.memory_space<hbm>>
      %dma_start3A_453 = tpu.memref_squeeze %dma_start3A_452 : memref<1x1024xi32, #tpu.memory_space<hbm>> -> memref<1024xi32, #tpu.memory_space<hbm>>
      %dma_start3A_454 = tpu.memref_slice %arg3[%dma_start3A_451, %add3A_450] : memref<2x327680xi32, #tpu.memory_space<hbm>> -> memref<1x1024xi32, #tpu.memory_space<hbm>>
      %dma_start3A_455 = tpu.memref_squeeze %dma_start3A_454 : memref<1x1024xi32, #tpu.memory_space<hbm>> -> memref<1024xi32, #tpu.memory_space<hbm>>
      tpu.enqueue_dma source(%dma_start3A_455 : memref<1024xi32, #tpu.memory_space<hbm>>) target(%arg11 : memref<1024xi32, #tpu.memory_space<vmem>>) target_semaphore(%arg16 : memref<!tpu.dma_semaphore, #tpu.memory_space<semaphore_mem>>)
      %add3A_456 = arith.constant 9216 : i32
      %add3A_457 = arith.addi %mul3A_124, %add3A_456 : i32
      %dma_start3A_458 = arith.constant 1 : i32
      %dma_start3A_459 = tpu.memref_slice %arg3[%dma_start3A_458, %add3A_457] : memref<2x327680xi32, #tpu.memory_space<hbm>> -> memref<1x1024xi32, #tpu.memory_space<hbm>>
      %dma_start3A_460 = tpu.memref_squeeze %dma_start3A_459 : memref<1x1024xi32, #tpu.memory_space<hbm>> -> memref<1024xi32, #tpu.memory_space<hbm>>
      %dma_start3A_461 = tpu.memref_slice %arg3[%dma_start3A_458, %add3A_457] : memref<2x327680xi32, #tpu.memory_space<hbm>> -> memref<1x1024xi32, #tpu.memory_space<hbm>>
      %dma_start3A_462 = tpu.memref_squeeze %dma_start3A_461 : memref<1x1024xi32, #tpu.memory_space<hbm>> -> memref<1024xi32, #tpu.memory_space<hbm>>
      tpu.enqueue_dma source(%dma_start3A_462 : memref<1024xi32, #tpu.memory_space<hbm>>) target(%arg12 : memref<1024xi32, #tpu.memory_space<vmem>>) target_semaphore(%arg16 : memref<!tpu.dma_semaphore, #tpu.memory_space<semaphore_mem>>)
      %dma_wait3A_463 = arith.constant 0 : i32
      %dma_wait3A_464 = tpu.memref_slice %arg15[%dma_wait3A_463] : memref<1310720xf32, #tpu.memory_space<vmem_shared>> -> memref<1310720xf32, #tpu.memory_space<vmem_shared>>
      tpu.wait_indirect_dma semaphore(%arg19 : memref<!tpu.dma_semaphore, #tpu.memory_space<semaphore_mem>>) src(%arg9 : memref<1024xf32, #tpu.memory_space<vmem>>) dst(%dma_wait3A_464 : memref<1310720xf32, #tpu.memory_space<vmem_shared>>)
      %dma_start3A_465 = arith.constant 0 : i32
      %dma_start3A_466 = tpu.memref_slice %arg14[%dma_start3A_465] : memref<10240xi32, #tpu.memory_space<vmem_shared>> -> memref<10240xi32, #tpu.memory_space<vmem_shared>>
      tpu.enqueue_indirect_dma source(%dma_start3A_466 : memref<10240xi32, #tpu.memory_space<vmem_shared>>) target(%arg7 : memref<1024xi32, #tpu.memory_space<vmem>>) offsets(%arg5 : memref<1024xi32, #tpu.memory_space<vmem>>) semaphore(%arg18 : memref<!tpu.dma_semaphore, #tpu.memory_space<semaphore_mem>>)
      %dma_wait3A_467 = arith.constant 0 : i32
      %dma_wait3A_468 = tpu.memref_slice %arg14[%dma_wait3A_467] : memref<10240xi32, #tpu.memory_space<vmem_shared>> -> memref<10240xi32, #tpu.memory_space<vmem_shared>>
      tpu.wait_indirect_dma semaphore(%arg18 : memref<!tpu.dma_semaphore, #tpu.memory_space<semaphore_mem>>) src(%dma_wait3A_468 : memref<10240xi32, #tpu.memory_space<vmem_shared>>) dst(%arg7 : memref<1024xi32, #tpu.memory_space<vmem>>)
      %scan3A_469 = arith.constant 0 : i32
      %scan3A_470 = arith.constant 0 : i32
      %scan3A_471 = arith.constant 64 : i32
      %scan3A_472 = arith.addi %scan3A_470, %scan3A_471 : i32
      %scan3A_473 = arith.constant 1 : i32
      scf.for %scan3A_581 = %scan3A_470 to %scan3A_472 step %scan3A_473  : i32 {
        %mul3A_582 = arith.constant 16 : i32
        %mul3A_583 = arith.muli %scan3A_581, %mul3A_582 : i32
        %get3A = arith.index_cast %mul3A_583 : i32 to index
        %get3A_584 = tpu.vector_load %arg6[%get3A] {strides = array<i32>} : memref<1024xi32, #tpu.memory_space<vmem>>, vector<16xi32>,
        %get3A_585 = arith.index_cast %mul3A_583 : i32 to index
        %get3A_586 = tpu.vector_load %arg7[%get3A_585] {strides = array<i32>} : memref<1024xi32, #tpu.memory_space<vmem>>, vector<16xi32>,
        %mul3A_587 = arith.constant 128 : i32
        %mul3A_588 = vector.broadcast %mul3A_587 : i32 to vector<16xi32>
        %mul3A_589 = arith.muli %get3A_584, %mul3A_588 : vector<16xi32>
        %add3A_590 = arith.addi %mul3A_589, %get3A_586 : vector<16xi32>
        %swap3A = arith.index_cast %mul3A_583 : i32 to index
        %swap3A_591 = tpu.vector_load %arg8[%swap3A] {strides = array<i32>} : memref<1024xi32, #tpu.memory_space<vmem>>, vector<16xi32>,
        tpu.vector_store %arg8[%swap3A], %add3A_590 {strides = array<i32>} : memref<1024xi32, #tpu.memory_space<vmem>>, vector<16xi32>,
      }
      %scan3A_474 = arith.constant 64 : i32
      %dma_start3A_475 = arith.constant 0 : i32
      %dma_start3A_476 = tpu.memref_slice %arg15[%dma_start3A_475] : memref<1310720xf32, #tpu.memory_space<vmem_shared>> -> memref<1310720xf32, #tpu.memory_space<vmem_shared>>
      tpu.enqueue_indirect_dma source(%arg9 : memref<1024xf32, #tpu.memory_space<vmem>>) target(%dma_start3A_476 : memref<1310720xf32, #tpu.memory_space<vmem_shared>>) offsets(%arg8 : memref<1024xi32, #tpu.memory_space<vmem>>) semaphore(%arg19 : memref<!tpu.dma_semaphore, #tpu.memory_space<semaphore_mem>>) {add = true}
      %dma_wait3A_477 = arith.constant 0 : i32
      %dma_wait3A_478 = tpu.memref_slice %arg3[%dma_wait3A_477, %add3A_450] : memref<2x327680xi32, #tpu.memory_space<hbm>> -> memref<1x1024xi32, #tpu.memory_space<hbm>>
      %dma_wait3A_479 = tpu.memref_squeeze %dma_wait3A_478 : memref<1x1024xi32, #tpu.memory_space<hbm>> -> memref<1024xi32, #tpu.memory_space<hbm>>
      %dma_wait3A_480 = tpu.memref_slice %arg3[%dma_wait3A_477, %add3A_450] : memref<2x327680xi32, #tpu.memory_space<hbm>> -> memref<1x1024xi32, #tpu.memory_space<hbm>>
      %dma_wait3A_481 = tpu.memref_squeeze %dma_wait3A_480 : memref<1x1024xi32, #tpu.memory_space<hbm>> -> memref<1024xi32, #tpu.memory_space<hbm>>
      tpu.wait_dma2 semaphore(%arg16 : memref<!tpu.dma_semaphore, #tpu.memory_space<semaphore_mem>>) src(%dma_wait3A_481 : memref<1024xi32, #tpu.memory_space<hbm>>) dst(%arg11 : memref<1024xi32, #tpu.memory_space<vmem>>)
      %dma_wait3A_482 = arith.constant 1 : i32
      %dma_wait3A_483 = tpu.memref_slice %arg3[%dma_wait3A_482, %add3A_457] : memref<2x327680xi32, #tpu.memory_space<hbm>> -> memref<1x1024xi32, #tpu.memory_space<hbm>>
      %dma_wait3A_484 = tpu.memref_squeeze %dma_wait3A_483 : memref<1x1024xi32, #tpu.memory_space<hbm>> -> memref<1024xi32, #tpu.memory_space<hbm>>
      %dma_wait3A_485 = tpu.memref_slice %arg3[%dma_wait3A_482, %add3A_457] : memref<2x327680xi32, #tpu.memory_space<hbm>> -> memref<1x1024xi32, #tpu.memory_space<hbm>>
      %dma_wait3A_486 = tpu.memref_squeeze %dma_wait3A_485 : memref<1x1024xi32, #tpu.memory_space<hbm>> -> memref<1024xi32, #tpu.memory_space<hbm>>
      tpu.wait_dma2 semaphore(%arg16 : memref<!tpu.dma_semaphore, #tpu.memory_space<semaphore_mem>>) src(%dma_wait3A_486 : memref<1024xi32, #tpu.memory_space<hbm>>) dst(%arg12 : memref<1024xi32, #tpu.memory_space<vmem>>)
      %add3A_487 = arith.constant 10240 : i32
      %add3A_488 = arith.addi %mul3A_124, %add3A_487 : i32
      %dma_start3A_489 = arith.constant 0 : i32
      %dma_start3A_490 = tpu.memref_slice %arg3[%dma_start3A_489, %add3A_488] : memref<2x327680xi32, #tpu.memory_space<hbm>> -> memref<1x1024xi32, #tpu.memory_space<hbm>>
      %dma_start3A_491 = tpu.memref_squeeze %dma_start3A_490 : memref<1x1024xi32, #tpu.memory_space<hbm>> -> memref<1024xi32, #tpu.memory_space<hbm>>
      %dma_start3A_492 = tpu.memref_slice %arg3[%dma_start3A_489, %add3A_488] : memref<2x327680xi32, #tpu.memory_space<hbm>> -> memref<1x1024xi32, #tpu.memory_space<hbm>>
      %dma_start3A_493 = tpu.memref_squeeze %dma_start3A_492 : memref<1x1024xi32, #tpu.memory_space<hbm>> -> memref<1024xi32, #tpu.memory_space<hbm>>
      tpu.enqueue_dma source(%dma_start3A_493 : memref<1024xi32, #tpu.memory_space<hbm>>) target(%arg5 : memref<1024xi32, #tpu.memory_space<vmem>>) target_semaphore(%arg16 : memref<!tpu.dma_semaphore, #tpu.memory_space<semaphore_mem>>)
      %add3A_494 = arith.constant 10240 : i32
      %add3A_495 = arith.addi %mul3A_124, %add3A_494 : i32
      %dma_start3A_496 = arith.constant 1 : i32
      %dma_start3A_497 = tpu.memref_slice %arg3[%dma_start3A_496, %add3A_495] : memref<2x327680xi32, #tpu.memory_space<hbm>> -> memref<1x1024xi32, #tpu.memory_space<hbm>>
      %dma_start3A_498 = tpu.memref_squeeze %dma_start3A_497 : memref<1x1024xi32, #tpu.memory_space<hbm>> -> memref<1024xi32, #tpu.memory_space<hbm>>
      %dma_start3A_499 = tpu.memref_slice %arg3[%dma_start3A_496, %add3A_495] : memref<2x327680xi32, #tpu.memory_space<hbm>> -> memref<1x1024xi32, #tpu.memory_space<hbm>>
      %dma_start3A_500 = tpu.memref_squeeze %dma_start3A_499 : memref<1x1024xi32, #tpu.memory_space<hbm>> -> memref<1024xi32, #tpu.memory_space<hbm>>
      tpu.enqueue_dma source(%dma_start3A_500 : memref<1024xi32, #tpu.memory_space<hbm>>) target(%arg6 : memref<1024xi32, #tpu.memory_space<vmem>>) target_semaphore(%arg16 : memref<!tpu.dma_semaphore, #tpu.memory_space<semaphore_mem>>)
      %dma_wait3A_501 = arith.constant 0 : i32
      %dma_wait3A_502 = tpu.memref_slice %arg15[%dma_wait3A_501] : memref<1310720xf32, #tpu.memory_space<vmem_shared>> -> memref<1310720xf32, #tpu.memory_space<vmem_shared>>
      tpu.wait_indirect_dma semaphore(%arg19 : memref<!tpu.dma_semaphore, #tpu.memory_space<semaphore_mem>>) src(%arg9 : memref<1024xf32, #tpu.memory_space<vmem>>) dst(%dma_wait3A_502 : memref<1310720xf32, #tpu.memory_space<vmem_shared>>)
      %dma_start3A_503 = arith.constant 0 : i32
      %dma_start3A_504 = tpu.memref_slice %arg14[%dma_start3A_503] : memref<10240xi32, #tpu.memory_space<vmem_shared>> -> memref<10240xi32, #tpu.memory_space<vmem_shared>>
      tpu.enqueue_indirect_dma source(%dma_start3A_504 : memref<10240xi32, #tpu.memory_space<vmem_shared>>) target(%arg7 : memref<1024xi32, #tpu.memory_space<vmem>>) offsets(%arg11 : memref<1024xi32, #tpu.memory_space<vmem>>) semaphore(%arg18 : memref<!tpu.dma_semaphore, #tpu.memory_space<semaphore_mem>>)
      %dma_wait3A_505 = arith.constant 0 : i32
      %dma_wait3A_506 = tpu.memref_slice %arg14[%dma_wait3A_505] : memref<10240xi32, #tpu.memory_space<vmem_shared>> -> memref<10240xi32, #tpu.memory_space<vmem_shared>>
      tpu.wait_indirect_dma semaphore(%arg18 : memref<!tpu.dma_semaphore, #tpu.memory_space<semaphore_mem>>) src(%dma_wait3A_506 : memref<10240xi32, #tpu.memory_space<vmem_shared>>) dst(%arg7 : memref<1024xi32, #tpu.memory_space<vmem>>)
      %scan3A_507 = arith.constant 0 : i32
      %scan3A_508 = arith.constant 0 : i32
      %scan3A_509 = arith.constant 64 : i32
      %scan3A_510 = arith.addi %scan3A_508, %scan3A_509 : i32
      %scan3A_511 = arith.constant 1 : i32
      scf.for %scan3A_581 = %scan3A_508 to %scan3A_510 step %scan3A_511  : i32 {
        %mul3A_582 = arith.constant 16 : i32
        %mul3A_583 = arith.muli %scan3A_581, %mul3A_582 : i32
        %get3A = arith.index_cast %mul3A_583 : i32 to index
        %get3A_584 = tpu.vector_load %arg12[%get3A] {strides = array<i32>} : memref<1024xi32, #tpu.memory_space<vmem>>, vector<16xi32>,
        %get3A_585 = arith.index_cast %mul3A_583 : i32 to index
        %get3A_586 = tpu.vector_load %arg7[%get3A_585] {strides = array<i32>} : memref<1024xi32, #tpu.memory_space<vmem>>, vector<16xi32>,
        %mul3A_587 = arith.constant 128 : i32
        %mul3A_588 = vector.broadcast %mul3A_587 : i32 to vector<16xi32>
        %mul3A_589 = arith.muli %get3A_584, %mul3A_588 : vector<16xi32>
        %add3A_590 = arith.addi %mul3A_589, %get3A_586 : vector<16xi32>
        %swap3A = arith.index_cast %mul3A_583 : i32 to index
        %swap3A_591 = tpu.vector_load %arg13[%swap3A] {strides = array<i32>} : memref<1024xi32, #tpu.memory_space<vmem>>, vector<16xi32>,
        tpu.vector_store %arg13[%swap3A], %add3A_590 {strides = array<i32>} : memref<1024xi32, #tpu.memory_space<vmem>>, vector<16xi32>,
      }
      %scan3A_512 = arith.constant 64 : i32
      %dma_start3A_513 = arith.constant 0 : i32
      %dma_start3A_514 = tpu.memref_slice %arg15[%dma_start3A_513] : memref<1310720xf32, #tpu.memory_space<vmem_shared>> -> memref<1310720xf32, #tpu.memory_space<vmem_shared>>
      tpu.enqueue_indirect_dma source(%arg9 : memref<1024xf32, #tpu.memory_space<vmem>>) target(%dma_start3A_514 : memref<1310720xf32, #tpu.memory_space<vmem_shared>>) offsets(%arg13 : memref<1024xi32, #tpu.memory_space<vmem>>) semaphore(%arg19 : memref<!tpu.dma_semaphore, #tpu.memory_space<semaphore_mem>>) {add = true}
      %dma_wait3A_515 = arith.constant 0 : i32
      %dma_wait3A_516 = tpu.memref_slice %arg3[%dma_wait3A_515, %add3A_488] : memref<2x327680xi32, #tpu.memory_space<hbm>> -> memref<1x1024xi32, #tpu.memory_space<hbm>>
      %dma_wait3A_517 = tpu.memref_squeeze %dma_wait3A_516 : memref<1x1024xi32, #tpu.memory_space<hbm>> -> memref<1024xi32, #tpu.memory_space<hbm>>
      %dma_wait3A_518 = tpu.memref_slice %arg3[%dma_wait3A_515, %add3A_488] : memref<2x327680xi32, #tpu.memory_space<hbm>> -> memref<1x1024xi32, #tpu.memory_space<hbm>>
      %dma_wait3A_519 = tpu.memref_squeeze %dma_wait3A_518 : memref<1x1024xi32, #tpu.memory_space<hbm>> -> memref<1024xi32, #tpu.memory_space<hbm>>
      tpu.wait_dma2 semaphore(%arg16 : memref<!tpu.dma_semaphore, #tpu.memory_space<semaphore_mem>>) src(%dma_wait3A_519 : memref<1024xi32, #tpu.memory_space<hbm>>) dst(%arg5 : memref<1024xi32, #tpu.memory_space<vmem>>)
      %dma_wait3A_520 = arith.constant 1 : i32
      %dma_wait3A_521 = tpu.memref_slice %arg3[%dma_wait3A_520, %add3A_495] : memref<2x327680xi32, #tpu.memory_space<hbm>> -> memref<1x1024xi32, #tpu.memory_space<hbm>>
      %dma_wait3A_522 = tpu.memref_squeeze %dma_wait3A_521 : memref<1x1024xi32, #tpu.memory_space<hbm>> -> memref<1024xi32, #tpu.memory_space<hbm>>
      %dma_wait3A_523 = tpu.memref_slice %arg3[%dma_wait3A_520, %add3A_495] : memref<2x327680xi32, #tpu.memory_space<hbm>> -> memref<1x1024xi32, #tpu.memory_space<hbm>>
      %dma_wait3A_524 = tpu.memref_squeeze %dma_wait3A_523 : memref<1x1024xi32, #tpu.memory_space<hbm>> -> memref<1024xi32, #tpu.memory_space<hbm>>
      tpu.wait_dma2 semaphore(%arg16 : memref<!tpu.dma_semaphore, #tpu.memory_space<semaphore_mem>>) src(%dma_wait3A_524 : memref<1024xi32, #tpu.memory_space<hbm>>) dst(%arg6 : memref<1024xi32, #tpu.memory_space<vmem>>)
      %add3A_525 = arith.constant 11264 : i32
      %add3A_526 = arith.addi %mul3A_124, %add3A_525 : i32
      %dma_start3A_527 = arith.constant 0 : i32
      %dma_start3A_528 = tpu.memref_slice %arg3[%dma_start3A_527, %add3A_526] : memref<2x327680xi32, #tpu.memory_space<hbm>> -> memref<1x1024xi32, #tpu.memory_space<hbm>>
      %dma_start3A_529 = tpu.memref_squeeze %dma_start3A_528 : memref<1x1024xi32, #tpu.memory_space<hbm>> -> memref<1024xi32, #tpu.memory_space<hbm>>
      %dma_start3A_530 = tpu.memref_slice %arg3[%dma_start3A_527, %add3A_526] : memref<2x327680xi32, #tpu.memory_space<hbm>> -> memref<1x1024xi32, #tpu.memory_space<hbm>>
      %dma_start3A_531 = tpu.memref_squeeze %dma_start3A_530 : memref<1x1024xi32, #tpu.memory_space<hbm>> -> memref<1024xi32, #tpu.memory_space<hbm>>
      tpu.enqueue_dma source(%dma_start3A_531 : memref<1024xi32, #tpu.memory_space<hbm>>) target(%arg11 : memref<1024xi32, #tpu.memory_space<vmem>>) target_semaphore(%arg16 : memref<!tpu.dma_semaphore, #tpu.memory_space<semaphore_mem>>)
      %add3A_532 = arith.constant 11264 : i32
      %add3A_533 = arith.addi %mul3A_124, %add3A_532 : i32
      %dma_start3A_534 = arith.constant 1 : i32
      %dma_start3A_535 = tpu.memref_slice %arg3[%dma_start3A_534, %add3A_533] : memref<2x327680xi32, #tpu.memory_space<hbm>> -> memref<1x1024xi32, #tpu.memory_space<hbm>>
      %dma_start3A_536 = tpu.memref_squeeze %dma_start3A_535 : memref<1x1024xi32, #tpu.memory_space<hbm>> -> memref<1024xi32, #tpu.memory_space<hbm>>
      %dma_start3A_537 = tpu.memref_slice %arg3[%dma_start3A_534, %add3A_533] : memref<2x327680xi32, #tpu.memory_space<hbm>> -> memref<1x1024xi32, #tpu.memory_space<hbm>>
      %dma_start3A_538 = tpu.memref_squeeze %dma_start3A_537 : memref<1x1024xi32, #tpu.memory_space<hbm>> -> memref<1024xi32, #tpu.memory_space<hbm>>
      tpu.enqueue_dma source(%dma_start3A_538 : memref<1024xi32, #tpu.memory_space<hbm>>) target(%arg12 : memref<1024xi32, #tpu.memory_space<vmem>>) target_semaphore(%arg16 : memref<!tpu.dma_semaphore, #tpu.memory_space<semaphore_mem>>)
      %dma_wait3A_539 = arith.constant 0 : i32
      %dma_wait3A_540 = tpu.memref_slice %arg15[%dma_wait3A_539] : memref<1310720xf32, #tpu.memory_space<vmem_shared>> -> memref<1310720xf32, #tpu.memory_space<vmem_shared>>
      tpu.wait_indirect_dma semaphore(%arg19 : memref<!tpu.dma_semaphore, #tpu.memory_space<semaphore_mem>>) src(%arg9 : memref<1024xf32, #tpu.memory_space<vmem>>) dst(%dma_wait3A_540 : memref<1310720xf32, #tpu.memory_space<vmem_shared>>)
      %dma_start3A_541 = arith.constant 0 : i32
      %dma_start3A_542 = tpu.memref_slice %arg14[%dma_start3A_541] : memref<10240xi32, #tpu.memory_space<vmem_shared>> -> memref<10240xi32, #tpu.memory_space<vmem_shared>>
      tpu.enqueue_indirect_dma source(%dma_start3A_542 : memref<10240xi32, #tpu.memory_space<vmem_shared>>) target(%arg7 : memref<1024xi32, #tpu.memory_space<vmem>>) offsets(%arg5 : memref<1024xi32, #tpu.memory_space<vmem>>) semaphore(%arg18 : memref<!tpu.dma_semaphore, #tpu.memory_space<semaphore_mem>>)
      %dma_wait3A_543 = arith.constant 0 : i32
      %dma_wait3A_544 = tpu.memref_slice %arg14[%dma_wait3A_543] : memref<10240xi32, #tpu.memory_space<vmem_shared>> -> memref<10240xi32, #tpu.memory_space<vmem_shared>>
      tpu.wait_indirect_dma semaphore(%arg18 : memref<!tpu.dma_semaphore, #tpu.memory_space<semaphore_mem>>) src(%dma_wait3A_544 : memref<10240xi32, #tpu.memory_space<vmem_shared>>) dst(%arg7 : memref<1024xi32, #tpu.memory_space<vmem>>)
      %scan3A_545 = arith.constant 0 : i32
      %scan3A_546 = arith.constant 0 : i32
      %scan3A_547 = arith.constant 64 : i32
      %scan3A_548 = arith.addi %scan3A_546, %scan3A_547 : i32
      %scan3A_549 = arith.constant 1 : i32
      scf.for %scan3A_581 = %scan3A_546 to %scan3A_548 step %scan3A_549  : i32 {
        %mul3A_582 = arith.constant 16 : i32
        %mul3A_583 = arith.muli %scan3A_581, %mul3A_582 : i32
        %get3A = arith.index_cast %mul3A_583 : i32 to index
        %get3A_584 = tpu.vector_load %arg6[%get3A] {strides = array<i32>} : memref<1024xi32, #tpu.memory_space<vmem>>, vector<16xi32>,
        %get3A_585 = arith.index_cast %mul3A_583 : i32 to index
        %get3A_586 = tpu.vector_load %arg7[%get3A_585] {strides = array<i32>} : memref<1024xi32, #tpu.memory_space<vmem>>, vector<16xi32>,
        %mul3A_587 = arith.constant 128 : i32
        %mul3A_588 = vector.broadcast %mul3A_587 : i32 to vector<16xi32>
        %mul3A_589 = arith.muli %get3A_584, %mul3A_588 : vector<16xi32>
        %add3A_590 = arith.addi %mul3A_589, %get3A_586 : vector<16xi32>
        %swap3A = arith.index_cast %mul3A_583 : i32 to index
        %swap3A_591 = tpu.vector_load %arg8[%swap3A] {strides = array<i32>} : memref<1024xi32, #tpu.memory_space<vmem>>, vector<16xi32>,
        tpu.vector_store %arg8[%swap3A], %add3A_590 {strides = array<i32>} : memref<1024xi32, #tpu.memory_space<vmem>>, vector<16xi32>,
      }
      %scan3A_550 = arith.constant 64 : i32
      %dma_start3A_551 = arith.constant 0 : i32
      %dma_start3A_552 = tpu.memref_slice %arg15[%dma_start3A_551] : memref<1310720xf32, #tpu.memory_space<vmem_shared>> -> memref<1310720xf32, #tpu.memory_space<vmem_shared>>
      tpu.enqueue_indirect_dma source(%arg9 : memref<1024xf32, #tpu.memory_space<vmem>>) target(%dma_start3A_552 : memref<1310720xf32, #tpu.memory_space<vmem_shared>>) offsets(%arg8 : memref<1024xi32, #tpu.memory_space<vmem>>) semaphore(%arg19 : memref<!tpu.dma_semaphore, #tpu.memory_space<semaphore_mem>>) {add = true}
      %dma_wait3A_553 = arith.constant 0 : i32
      %dma_wait3A_554 = tpu.memref_slice %arg3[%dma_wait3A_553, %add3A_526] : memref<2x327680xi32, #tpu.memory_space<hbm>> -> memref<1x1024xi32, #tpu.memory_space<hbm>>
      %dma_wait3A_555 = tpu.memref_squeeze %dma_wait3A_554 : memref<1x1024xi32, #tpu.memory_space<hbm>> -> memref<1024xi32, #tpu.memory_space<hbm>>
      %dma_wait3A_556 = tpu.memref_slice %arg3[%dma_wait3A_553, %add3A_526] : memref<2x327680xi32, #tpu.memory_space<hbm>> -> memref<1x1024xi32, #tpu.memory_space<hbm>>
      %dma_wait3A_557 = tpu.memref_squeeze %dma_wait3A_556 : memref<1x1024xi32, #tpu.memory_space<hbm>> -> memref<1024xi32, #tpu.memory_space<hbm>>
      tpu.wait_dma2 semaphore(%arg16 : memref<!tpu.dma_semaphore, #tpu.memory_space<semaphore_mem>>) src(%dma_wait3A_557 : memref<1024xi32, #tpu.memory_space<hbm>>) dst(%arg11 : memref<1024xi32, #tpu.memory_space<vmem>>)
      %dma_wait3A_558 = arith.constant 1 : i32
      %dma_wait3A_559 = tpu.memref_slice %arg3[%dma_wait3A_558, %add3A_533] : memref<2x327680xi32, #tpu.memory_space<hbm>> -> memref<1x1024xi32, #tpu.memory_space<hbm>>
      %dma_wait3A_560 = tpu.memref_squeeze %dma_wait3A_559 : memref<1x1024xi32, #tpu.memory_space<hbm>> -> memref<1024xi32, #tpu.memory_space<hbm>>
      %dma_wait3A_561 = tpu.memref_slice %arg3[%dma_wait3A_558, %add3A_533] : memref<2x327680xi32, #tpu.memory_space<hbm>> -> memref<1x1024xi32, #tpu.memory_space<hbm>>
      %dma_wait3A_562 = tpu.memref_squeeze %dma_wait3A_561 : memref<1x1024xi32, #tpu.memory_space<hbm>> -> memref<1024xi32, #tpu.memory_space<hbm>>
      tpu.wait_dma2 semaphore(%arg16 : memref<!tpu.dma_semaphore, #tpu.memory_space<semaphore_mem>>) src(%dma_wait3A_562 : memref<1024xi32, #tpu.memory_space<hbm>>) dst(%arg12 : memref<1024xi32, #tpu.memory_space<vmem>>)
      %dma_wait3A_563 = arith.constant 0 : i32
      %dma_wait3A_564 = tpu.memref_slice %arg15[%dma_wait3A_563] : memref<1310720xf32, #tpu.memory_space<vmem_shared>> -> memref<1310720xf32, #tpu.memory_space<vmem_shared>>
      tpu.wait_indirect_dma semaphore(%arg19 : memref<!tpu.dma_semaphore, #tpu.memory_space<semaphore_mem>>) src(%arg9 : memref<1024xf32, #tpu.memory_space<vmem>>) dst(%dma_wait3A_564 : memref<1310720xf32, #tpu.memory_space<vmem_shared>>)
      %dma_start3A_565 = arith.constant 0 : i32
      %dma_start3A_566 = tpu.memref_slice %arg14[%dma_start3A_565] : memref<10240xi32, #tpu.memory_space<vmem_shared>> -> memref<10240xi32, #tpu.memory_space<vmem_shared>>
      tpu.enqueue_indirect_dma source(%dma_start3A_566 : memref<10240xi32, #tpu.memory_space<vmem_shared>>) target(%arg7 : memref<1024xi32, #tpu.memory_space<vmem>>) offsets(%arg11 : memref<1024xi32, #tpu.memory_space<vmem>>) semaphore(%arg18 : memref<!tpu.dma_semaphore, #tpu.memory_space<semaphore_mem>>)
      %dma_wait3A_567 = arith.constant 0 : i32
      %dma_wait3A_568 = tpu.memref_slice %arg14[%dma_wait3A_567] : memref<10240xi32, #tpu.memory_space<vmem_shared>> -> memref<10240xi32, #tpu.memory_space<vmem_shared>>
      tpu.wait_indirect_dma semaphore(%arg18 : memref<!tpu.dma_semaphore, #tpu.memory_space<semaphore_mem>>) src(%dma_wait3A_568 : memref<10240xi32, #tpu.memory_space<vmem_shared>>) dst(%arg7 : memref<1024xi32, #tpu.memory_space<vmem>>)
      %scan3A_569 = arith.constant 0 : i32
      %scan3A_570 = arith.constant 0 : i32
      %scan3A_571 = arith.constant 64 : i32
      %scan3A_572 = arith.addi %scan3A_570, %scan3A_571 : i32
      %scan3A_573 = arith.constant 1 : i32
      scf.for %scan3A_581 = %scan3A_570 to %scan3A_572 step %scan3A_573  : i32 {
        %mul3A_582 = arith.constant 16 : i32
        %mul3A_583 = arith.muli %scan3A_581, %mul3A_582 : i32
        %get3A = arith.index_cast %mul3A_583 : i32 to index
        %get3A_584 = tpu.vector_load %arg12[%get3A] {strides = array<i32>} : memref<1024xi32, #tpu.memory_space<vmem>>, vector<16xi32>,
        %get3A_585 = arith.index_cast %mul3A_583 : i32 to index
        %get3A_586 = tpu.vector_load %arg7[%get3A_585] {strides = array<i32>} : memref<1024xi32, #tpu.memory_space<vmem>>, vector<16xi32>,
        %mul3A_587 = arith.constant 128 : i32
        %mul3A_588 = vector.broadcast %mul3A_587 : i32 to vector<16xi32>
        %mul3A_589 = arith.muli %get3A_584, %mul3A_588 : vector<16xi32>
        %add3A_590 = arith.addi %mul3A_589, %get3A_586 : vector<16xi32>
        %swap3A = arith.index_cast %mul3A_583 : i32 to index
        %swap3A_591 = tpu.vector_load %arg13[%swap3A] {strides = array<i32>} : memref<1024xi32, #tpu.memory_space<vmem>>, vector<16xi32>,
        tpu.vector_store %arg13[%swap3A], %add3A_590 {strides = array<i32>} : memref<1024xi32, #tpu.memory_space<vmem>>, vector<16xi32>,
      }
      %scan3A_574 = arith.constant 64 : i32
      %dma_start3A_575 = arith.constant 0 : i32
      %dma_start3A_576 = tpu.memref_slice %arg15[%dma_start3A_575] : memref<1310720xf32, #tpu.memory_space<vmem_shared>> -> memref<1310720xf32, #tpu.memory_space<vmem_shared>>
      tpu.enqueue_indirect_dma source(%arg9 : memref<1024xf32, #tpu.memory_space<vmem>>) target(%dma_start3A_576 : memref<1310720xf32, #tpu.memory_space<vmem_shared>>) offsets(%arg13 : memref<1024xi32, #tpu.memory_space<vmem>>) semaphore(%arg19 : memref<!tpu.dma_semaphore, #tpu.memory_space<semaphore_mem>>) {add = true}
      %dma_wait3A_577 = arith.constant 0 : i32
      %dma_wait3A_578 = tpu.memref_slice %arg15[%dma_wait3A_577] : memref<1310720xf32, #tpu.memory_space<vmem_shared>> -> memref<1310720xf32, #tpu.memory_space<vmem_shared>>
      tpu.wait_indirect_dma semaphore(%arg19 : memref<!tpu.dma_semaphore, #tpu.memory_space<semaphore_mem>>) src(%arg9 : memref<1024xf32, #tpu.memory_space<vmem>>) dst(%dma_wait3A_578 : memref<1310720xf32, #tpu.memory_space<vmem_shared>>)
      %dma_wait3A_579 = arith.constant 0 : i32
      %dma_wait3A_580 = tpu.memref_slice %arg15[%dma_wait3A_579] : memref<1310720xf32, #tpu.memory_space<vmem_shared>> -> memref<1310720xf32, #tpu.memory_space<vmem_shared>>
      tpu.wait_indirect_dma semaphore(%arg19 : memref<!tpu.dma_semaphore, #tpu.memory_space<semaphore_mem>>) src(%arg9 : memref<1024xf32, #tpu.memory_space<vmem>>) dst(%dma_wait3A_580 : memref<1310720xf32, #tpu.memory_space<vmem_shared>>)
    } else {
    }
    %eq3A_114 = arith.constant 1 : i32
    %eq3A_115 = arith.cmpi eq, %arg0, %eq3A_114 : i32
    %convert_element_type3A_116 = arith.extui %eq3A_115 : i1 to i32
    %cond3A_117 = arith.constant 0 : i32
    %cond3A_118 = arith.cmpi ne, %convert_element_type3A_116, %cond3A_117 : i32
    scf.if %cond3A_118 {
      %mul3A_123 = arith.constant 20480 : i32
      %mul3A_124 = arith.muli %arg1, %mul3A_123 : i32
      %add3A_125 = arith.constant 12288 : i32
      %add3A_126 = arith.addi %mul3A_124, %add3A_125 : i32
      %add3A_127 = arith.constant 0 : i32
      %add3A_128 = arith.addi %add3A_126, %add3A_127 : i32
      %dma_start3A_129 = arith.constant 0 : i32
      %dma_start3A_130 = tpu.memref_slice %arg3[%dma_start3A_129, %add3A_128] : memref<2x327680xi32, #tpu.memory_space<hbm>> -> memref<1x1024xi32, #tpu.memory_space<hbm>>
      %dma_start3A_131 = tpu.memref_squeeze %dma_start3A_130 : memref<1x1024xi32, #tpu.memory_space<hbm>> -> memref<1024xi32, #tpu.memory_space<hbm>>
      %dma_start3A_132 = tpu.memref_slice %arg3[%dma_start3A_129, %add3A_128] : memref<2x327680xi32, #tpu.memory_space<hbm>> -> memref<1x1024xi32, #tpu.memory_space<hbm>>
      %dma_start3A_133 = tpu.memref_squeeze %dma_start3A_132 : memref<1x1024xi32, #tpu.memory_space<hbm>> -> memref<1024xi32, #tpu.memory_space<hbm>>
      tpu.enqueue_dma source(%dma_start3A_133 : memref<1024xi32, #tpu.memory_space<hbm>>) target(%arg5 : memref<1024xi32, #tpu.memory_space<vmem>>) target_semaphore(%arg16 : memref<!tpu.dma_semaphore, #tpu.memory_space<semaphore_mem>>)
      %add3A_134 = arith.constant 0 : i32
      %add3A_135 = arith.addi %add3A_126, %add3A_134 : i32
      %dma_start3A_136 = arith.constant 1 : i32
      %dma_start3A_137 = tpu.memref_slice %arg3[%dma_start3A_136, %add3A_135] : memref<2x327680xi32, #tpu.memory_space<hbm>> -> memref<1x1024xi32, #tpu.memory_space<hbm>>
      %dma_start3A_138 = tpu.memref_squeeze %dma_start3A_137 : memref<1x1024xi32, #tpu.memory_space<hbm>> -> memref<1024xi32, #tpu.memory_space<hbm>>
      %dma_start3A_139 = tpu.memref_slice %arg3[%dma_start3A_136, %add3A_135] : memref<2x327680xi32, #tpu.memory_space<hbm>> -> memref<1x1024xi32, #tpu.memory_space<hbm>>
      %dma_start3A_140 = tpu.memref_squeeze %dma_start3A_139 : memref<1x1024xi32, #tpu.memory_space<hbm>> -> memref<1024xi32, #tpu.memory_space<hbm>>
      tpu.enqueue_dma source(%dma_start3A_140 : memref<1024xi32, #tpu.memory_space<hbm>>) target(%arg6 : memref<1024xi32, #tpu.memory_space<vmem>>) target_semaphore(%arg16 : memref<!tpu.dma_semaphore, #tpu.memory_space<semaphore_mem>>)
      %dma_wait3A_141 = arith.constant 0 : i32
      %dma_wait3A_142 = tpu.memref_slice %arg3[%dma_wait3A_141, %add3A_128] : memref<2x327680xi32, #tpu.memory_space<hbm>> -> memref<1x1024xi32, #tpu.memory_space<hbm>>
      %dma_wait3A_143 = tpu.memref_squeeze %dma_wait3A_142 : memref<1x1024xi32, #tpu.memory_space<hbm>> -> memref<1024xi32, #tpu.memory_space<hbm>>
      %dma_wait3A_144 = tpu.memref_slice %arg3[%dma_wait3A_141, %add3A_128] : memref<2x327680xi32, #tpu.memory_space<hbm>> -> memref<1x1024xi32, #tpu.memory_space<hbm>>
      %dma_wait3A_145 = tpu.memref_squeeze %dma_wait3A_144 : memref<1x1024xi32, #tpu.memory_space<hbm>> -> memref<1024xi32, #tpu.memory_space<hbm>>
      tpu.wait_dma2 semaphore(%arg16 : memref<!tpu.dma_semaphore, #tpu.memory_space<semaphore_mem>>) src(%dma_wait3A_145 : memref<1024xi32, #tpu.memory_space<hbm>>) dst(%arg5 : memref<1024xi32, #tpu.memory_space<vmem>>)
      %dma_wait3A_146 = arith.constant 1 : i32
      %dma_wait3A_147 = tpu.memref_slice %arg3[%dma_wait3A_146, %add3A_135] : memref<2x327680xi32, #tpu.memory_space<hbm>> -> memref<1x1024xi32, #tpu.memory_space<hbm>>
      %dma_wait3A_148 = tpu.memref_squeeze %dma_wait3A_147 : memref<1x1024xi32, #tpu.memory_space<hbm>> -> memref<1024xi32, #tpu.memory_space<hbm>>
      %dma_wait3A_149 = tpu.memref_slice %arg3[%dma_wait3A_146, %add3A_135] : memref<2x327680xi32, #tpu.memory_space<hbm>> -> memref<1x1024xi32, #tpu.memory_space<hbm>>
      %dma_wait3A_150 = tpu.memref_squeeze %dma_wait3A_149 : memref<1x1024xi32, #tpu.memory_space<hbm>> -> memref<1024xi32, #tpu.memory_space<hbm>>
      tpu.wait_dma2 semaphore(%arg16 : memref<!tpu.dma_semaphore, #tpu.memory_space<semaphore_mem>>) src(%dma_wait3A_150 : memref<1024xi32, #tpu.memory_space<hbm>>) dst(%arg6 : memref<1024xi32, #tpu.memory_space<vmem>>)
      %add3A_151 = arith.constant 1024 : i32
      %add3A_152 = arith.addi %add3A_126, %add3A_151 : i32
      %dma_start3A_153 = arith.constant 0 : i32
      %dma_start3A_154 = tpu.memref_slice %arg3[%dma_start3A_153, %add3A_152] : memref<2x327680xi32, #tpu.memory_space<hbm>> -> memref<1x1024xi32, #tpu.memory_space<hbm>>
      %dma_start3A_155 = tpu.memref_squeeze %dma_start3A_154 : memref<1x1024xi32, #tpu.memory_space<hbm>> -> memref<1024xi32, #tpu.memory_space<hbm>>
      %dma_start3A_156 = tpu.memref_slice %arg3[%dma_start3A_153, %add3A_152] : memref<2x327680xi32, #tpu.memory_space<hbm>> -> memref<1x1024xi32, #tpu.memory_space<hbm>>
      %dma_start3A_157 = tpu.memref_squeeze %dma_start3A_156 : memref<1x1024xi32, #tpu.memory_space<hbm>> -> memref<1024xi32, #tpu.memory_space<hbm>>
      tpu.enqueue_dma source(%dma_start3A_157 : memref<1024xi32, #tpu.memory_space<hbm>>) target(%arg11 : memref<1024xi32, #tpu.memory_space<vmem>>) target_semaphore(%arg16 : memref<!tpu.dma_semaphore, #tpu.memory_space<semaphore_mem>>)
      %add3A_158 = arith.constant 1024 : i32
      %add3A_159 = arith.addi %add3A_126, %add3A_158 : i32
      %dma_start3A_160 = arith.constant 1 : i32
      %dma_start3A_161 = tpu.memref_slice %arg3[%dma_start3A_160, %add3A_159] : memref<2x327680xi32, #tpu.memory_space<hbm>> -> memref<1x1024xi32, #tpu.memory_space<hbm>>
      %dma_start3A_162 = tpu.memref_squeeze %dma_start3A_161 : memref<1x1024xi32, #tpu.memory_space<hbm>> -> memref<1024xi32, #tpu.memory_space<hbm>>
      %dma_start3A_163 = tpu.memref_slice %arg3[%dma_start3A_160, %add3A_159] : memref<2x327680xi32, #tpu.memory_space<hbm>> -> memref<1x1024xi32, #tpu.memory_space<hbm>>
      %dma_start3A_164 = tpu.memref_squeeze %dma_start3A_163 : memref<1x1024xi32, #tpu.memory_space<hbm>> -> memref<1024xi32, #tpu.memory_space<hbm>>
      tpu.enqueue_dma source(%dma_start3A_164 : memref<1024xi32, #tpu.memory_space<hbm>>) target(%arg12 : memref<1024xi32, #tpu.memory_space<vmem>>) target_semaphore(%arg16 : memref<!tpu.dma_semaphore, #tpu.memory_space<semaphore_mem>>)
      %dma_start3A_165 = arith.constant 0 : i32
      %dma_start3A_166 = tpu.memref_slice %arg14[%dma_start3A_165] : memref<10240xi32, #tpu.memory_space<vmem_shared>> -> memref<10240xi32, #tpu.memory_space<vmem_shared>>
      tpu.enqueue_indirect_dma source(%dma_start3A_166 : memref<10240xi32, #tpu.memory_space<vmem_shared>>) target(%arg7 : memref<1024xi32, #tpu.memory_space<vmem>>) offsets(%arg5 : memref<1024xi32, #tpu.memory_space<vmem>>) semaphore(%arg18 : memref<!tpu.dma_semaphore, #tpu.memory_space<semaphore_mem>>)
      %dma_wait3A_167 = arith.constant 0 : i32
      %dma_wait3A_168 = tpu.memref_slice %arg14[%dma_wait3A_167] : memref<10240xi32, #tpu.memory_space<vmem_shared>> -> memref<10240xi32, #tpu.memory_space<vmem_shared>>
      tpu.wait_indirect_dma semaphore(%arg18 : memref<!tpu.dma_semaphore, #tpu.memory_space<semaphore_mem>>) src(%dma_wait3A_168 : memref<10240xi32, #tpu.memory_space<vmem_shared>>) dst(%arg7 : memref<1024xi32, #tpu.memory_space<vmem>>)
      %scan3A_169 = arith.constant 0 : i32
      %scan3A_170 = arith.constant 0 : i32
      %scan3A_171 = arith.constant 64 : i32
      %scan3A_172 = arith.addi %scan3A_170, %scan3A_171 : i32
      %scan3A_173 = arith.constant 1 : i32
      scf.for %scan3A_431 = %scan3A_170 to %scan3A_172 step %scan3A_173  : i32 {
        %mul3A_432 = arith.constant 16 : i32
        %mul3A_433 = arith.muli %scan3A_431, %mul3A_432 : i32
        %get3A = arith.index_cast %mul3A_433 : i32 to index
        %get3A_434 = tpu.vector_load %arg6[%get3A] {strides = array<i32>} : memref<1024xi32, #tpu.memory_space<vmem>>, vector<16xi32>,
        %get3A_435 = arith.index_cast %mul3A_433 : i32 to index
        %get3A_436 = tpu.vector_load %arg7[%get3A_435] {strides = array<i32>} : memref<1024xi32, #tpu.memory_space<vmem>>, vector<16xi32>,
        %mul3A_437 = arith.constant 128 : i32
        %mul3A_438 = vector.broadcast %mul3A_437 : i32 to vector<16xi32>
        %mul3A_439 = arith.muli %get3A_434, %mul3A_438 : vector<16xi32>
        %add3A_440 = arith.addi %mul3A_439, %get3A_436 : vector<16xi32>
        %swap3A = arith.index_cast %mul3A_433 : i32 to index
        %swap3A_441 = tpu.vector_load %arg8[%swap3A] {strides = array<i32>} : memref<1024xi32, #tpu.memory_space<vmem>>, vector<16xi32>,
        tpu.vector_store %arg8[%swap3A], %add3A_440 {strides = array<i32>} : memref<1024xi32, #tpu.memory_space<vmem>>, vector<16xi32>,
      }
      %scan3A_174 = arith.constant 64 : i32
      %dma_start3A_175 = arith.constant 0 : i32
      %dma_start3A_176 = tpu.memref_slice %arg15[%dma_start3A_175] : memref<1310720xf32, #tpu.memory_space<vmem_shared>> -> memref<1310720xf32, #tpu.memory_space<vmem_shared>>
      tpu.enqueue_indirect_dma source(%arg9 : memref<1024xf32, #tpu.memory_space<vmem>>) target(%dma_start3A_176 : memref<1310720xf32, #tpu.memory_space<vmem_shared>>) offsets(%arg8 : memref<1024xi32, #tpu.memory_space<vmem>>) semaphore(%arg19 : memref<!tpu.dma_semaphore, #tpu.memory_space<semaphore_mem>>) {add = true}
      %dma_wait3A_177 = arith.constant 0 : i32
      %dma_wait3A_178 = tpu.memref_slice %arg3[%dma_wait3A_177, %add3A_152] : memref<2x327680xi32, #tpu.memory_space<hbm>> -> memref<1x1024xi32, #tpu.memory_space<hbm>>
      %dma_wait3A_179 = tpu.memref_squeeze %dma_wait3A_178 : memref<1x1024xi32, #tpu.memory_space<hbm>> -> memref<1024xi32, #tpu.memory_space<hbm>>
      %dma_wait3A_180 = tpu.memref_slice %arg3[%dma_wait3A_177, %add3A_152] : memref<2x327680xi32, #tpu.memory_space<hbm>> -> memref<1x1024xi32, #tpu.memory_space<hbm>>
      %dma_wait3A_181 = tpu.memref_squeeze %dma_wait3A_180 : memref<1x1024xi32, #tpu.memory_space<hbm>> -> memref<1024xi32, #tpu.memory_space<hbm>>
      tpu.wait_dma2 semaphore(%arg16 : memref<!tpu.dma_semaphore, #tpu.memory_space<semaphore_mem>>) src(%dma_wait3A_181 : memref<1024xi32, #tpu.memory_space<hbm>>) dst(%arg11 : memref<1024xi32, #tpu.memory_space<vmem>>)
      %dma_wait3A_182 = arith.constant 1 : i32
      %dma_wait3A_183 = tpu.memref_slice %arg3[%dma_wait3A_182, %add3A_159] : memref<2x327680xi32, #tpu.memory_space<hbm>> -> memref<1x1024xi32, #tpu.memory_space<hbm>>
      %dma_wait3A_184 = tpu.memref_squeeze %dma_wait3A_183 : memref<1x1024xi32, #tpu.memory_space<hbm>> -> memref<1024xi32, #tpu.memory_space<hbm>>
      %dma_wait3A_185 = tpu.memref_slice %arg3[%dma_wait3A_182, %add3A_159] : memref<2x327680xi32, #tpu.memory_space<hbm>> -> memref<1x1024xi32, #tpu.memory_space<hbm>>
      %dma_wait3A_186 = tpu.memref_squeeze %dma_wait3A_185 : memref<1x1024xi32, #tpu.memory_space<hbm>> -> memref<1024xi32, #tpu.memory_space<hbm>>
      tpu.wait_dma2 semaphore(%arg16 : memref<!tpu.dma_semaphore, #tpu.memory_space<semaphore_mem>>) src(%dma_wait3A_186 : memref<1024xi32, #tpu.memory_space<hbm>>) dst(%arg12 : memref<1024xi32, #tpu.memory_space<vmem>>)
      %add3A_187 = arith.constant 2048 : i32
      %add3A_188 = arith.addi %add3A_126, %add3A_187 : i32
      %dma_start3A_189 = arith.constant 0 : i32
      %dma_start3A_190 = tpu.memref_slice %arg3[%dma_start3A_189, %add3A_188] : memref<2x327680xi32, #tpu.memory_space<hbm>> -> memref<1x1024xi32, #tpu.memory_space<hbm>>
      %dma_start3A_191 = tpu.memref_squeeze %dma_start3A_190 : memref<1x1024xi32, #tpu.memory_space<hbm>> -> memref<1024xi32, #tpu.memory_space<hbm>>
      %dma_start3A_192 = tpu.memref_slice %arg3[%dma_start3A_189, %add3A_188] : memref<2x327680xi32, #tpu.memory_space<hbm>> -> memref<1x1024xi32, #tpu.memory_space<hbm>>
      %dma_start3A_193 = tpu.memref_squeeze %dma_start3A_192 : memref<1x1024xi32, #tpu.memory_space<hbm>> -> memref<1024xi32, #tpu.memory_space<hbm>>
      tpu.enqueue_dma source(%dma_start3A_193 : memref<1024xi32, #tpu.memory_space<hbm>>) target(%arg5 : memref<1024xi32, #tpu.memory_space<vmem>>) target_semaphore(%arg16 : memref<!tpu.dma_semaphore, #tpu.memory_space<semaphore_mem>>)
      %add3A_194 = arith.constant 2048 : i32
      %add3A_195 = arith.addi %add3A_126, %add3A_194 : i32
      %dma_start3A_196 = arith.constant 1 : i32
      %dma_start3A_197 = tpu.memref_slice %arg3[%dma_start3A_196, %add3A_195] : memref<2x327680xi32, #tpu.memory_space<hbm>> -> memref<1x1024xi32, #tpu.memory_space<hbm>>
      %dma_start3A_198 = tpu.memref_squeeze %dma_start3A_197 : memref<1x1024xi32, #tpu.memory_space<hbm>> -> memref<1024xi32, #tpu.memory_space<hbm>>
      %dma_start3A_199 = tpu.memref_slice %arg3[%dma_start3A_196, %add3A_195] : memref<2x327680xi32, #tpu.memory_space<hbm>> -> memref<1x1024xi32, #tpu.memory_space<hbm>>
      %dma_start3A_200 = tpu.memref_squeeze %dma_start3A_199 : memref<1x1024xi32, #tpu.memory_space<hbm>> -> memref<1024xi32, #tpu.memory_space<hbm>>
      tpu.enqueue_dma source(%dma_start3A_200 : memref<1024xi32, #tpu.memory_space<hbm>>) target(%arg6 : memref<1024xi32, #tpu.memory_space<vmem>>) target_semaphore(%arg16 : memref<!tpu.dma_semaphore, #tpu.memory_space<semaphore_mem>>)
      %dma_start3A_201 = arith.constant 0 : i32
      %dma_start3A_202 = tpu.memref_slice %arg14[%dma_start3A_201] : memref<10240xi32, #tpu.memory_space<vmem_shared>> -> memref<10240xi32, #tpu.memory_space<vmem_shared>>
      tpu.enqueue_indirect_dma source(%dma_start3A_202 : memref<10240xi32, #tpu.memory_space<vmem_shared>>) target(%arg7 : memref<1024xi32, #tpu.memory_space<vmem>>) offsets(%arg11 : memref<1024xi32, #tpu.memory_space<vmem>>) semaphore(%arg18 : memref<!tpu.dma_semaphore, #tpu.memory_space<semaphore_mem>>)
      %dma_wait3A_203 = arith.constant 0 : i32
      %dma_wait3A_204 = tpu.memref_slice %arg14[%dma_wait3A_203] : memref<10240xi32, #tpu.memory_space<vmem_shared>> -> memref<10240xi32, #tpu.memory_space<vmem_shared>>
      tpu.wait_indirect_dma semaphore(%arg18 : memref<!tpu.dma_semaphore, #tpu.memory_space<semaphore_mem>>) src(%dma_wait3A_204 : memref<10240xi32, #tpu.memory_space<vmem_shared>>) dst(%arg7 : memref<1024xi32, #tpu.memory_space<vmem>>)
      %scan3A_205 = arith.constant 0 : i32
      %scan3A_206 = arith.constant 0 : i32
      %scan3A_207 = arith.constant 64 : i32
      %scan3A_208 = arith.addi %scan3A_206, %scan3A_207 : i32
      %scan3A_209 = arith.constant 1 : i32
      scf.for %scan3A_431 = %scan3A_206 to %scan3A_208 step %scan3A_209  : i32 {
        %mul3A_432 = arith.constant 16 : i32
        %mul3A_433 = arith.muli %scan3A_431, %mul3A_432 : i32
        %get3A = arith.index_cast %mul3A_433 : i32 to index
        %get3A_434 = tpu.vector_load %arg12[%get3A] {strides = array<i32>} : memref<1024xi32, #tpu.memory_space<vmem>>, vector<16xi32>,
        %get3A_435 = arith.index_cast %mul3A_433 : i32 to index
        %get3A_436 = tpu.vector_load %arg7[%get3A_435] {strides = array<i32>} : memref<1024xi32, #tpu.memory_space<vmem>>, vector<16xi32>,
        %mul3A_437 = arith.constant 128 : i32
        %mul3A_438 = vector.broadcast %mul3A_437 : i32 to vector<16xi32>
        %mul3A_439 = arith.muli %get3A_434, %mul3A_438 : vector<16xi32>
        %add3A_440 = arith.addi %mul3A_439, %get3A_436 : vector<16xi32>
        %swap3A = arith.index_cast %mul3A_433 : i32 to index
        %swap3A_441 = tpu.vector_load %arg13[%swap3A] {strides = array<i32>} : memref<1024xi32, #tpu.memory_space<vmem>>, vector<16xi32>,
        tpu.vector_store %arg13[%swap3A], %add3A_440 {strides = array<i32>} : memref<1024xi32, #tpu.memory_space<vmem>>, vector<16xi32>,
      }
      %scan3A_210 = arith.constant 64 : i32
      %dma_start3A_211 = arith.constant 0 : i32
      %dma_start3A_212 = tpu.memref_slice %arg15[%dma_start3A_211] : memref<1310720xf32, #tpu.memory_space<vmem_shared>> -> memref<1310720xf32, #tpu.memory_space<vmem_shared>>
      tpu.enqueue_indirect_dma source(%arg9 : memref<1024xf32, #tpu.memory_space<vmem>>) target(%dma_start3A_212 : memref<1310720xf32, #tpu.memory_space<vmem_shared>>) offsets(%arg13 : memref<1024xi32, #tpu.memory_space<vmem>>) semaphore(%arg19 : memref<!tpu.dma_semaphore, #tpu.memory_space<semaphore_mem>>) {add = true}
      %dma_wait3A_213 = arith.constant 0 : i32
      %dma_wait3A_214 = tpu.memref_slice %arg3[%dma_wait3A_213, %add3A_188] : memref<2x327680xi32, #tpu.memory_space<hbm>> -> memref<1x1024xi32, #tpu.memory_space<hbm>>
      %dma_wait3A_215 = tpu.memref_squeeze %dma_wait3A_214 : memref<1x1024xi32, #tpu.memory_space<hbm>> -> memref<1024xi32, #tpu.memory_space<hbm>>
      %dma_wait3A_216 = tpu.memref_slice %arg3[%dma_wait3A_213, %add3A_188] : memref<2x327680xi32, #tpu.memory_space<hbm>> -> memref<1x1024xi32, #tpu.memory_space<hbm>>
      %dma_wait3A_217 = tpu.memref_squeeze %dma_wait3A_216 : memref<1x1024xi32, #tpu.memory_space<hbm>> -> memref<1024xi32, #tpu.memory_space<hbm>>
      tpu.wait_dma2 semaphore(%arg16 : memref<!tpu.dma_semaphore, #tpu.memory_space<semaphore_mem>>) src(%dma_wait3A_217 : memref<1024xi32, #tpu.memory_space<hbm>>) dst(%arg5 : memref<1024xi32, #tpu.memory_space<vmem>>)
      %dma_wait3A_218 = arith.constant 1 : i32
      %dma_wait3A_219 = tpu.memref_slice %arg3[%dma_wait3A_218, %add3A_195] : memref<2x327680xi32, #tpu.memory_space<hbm>> -> memref<1x1024xi32, #tpu.memory_space<hbm>>
      %dma_wait3A_220 = tpu.memref_squeeze %dma_wait3A_219 : memref<1x1024xi32, #tpu.memory_space<hbm>> -> memref<1024xi32, #tpu.memory_space<hbm>>
      %dma_wait3A_221 = tpu.memref_slice %arg3[%dma_wait3A_218, %add3A_195] : memref<2x327680xi32, #tpu.memory_space<hbm>> -> memref<1x1024xi32, #tpu.memory_space<hbm>>
      %dma_wait3A_222 = tpu.memref_squeeze %dma_wait3A_221 : memref<1x1024xi32, #tpu.memory_space<hbm>> -> memref<1024xi32, #tpu.memory_space<hbm>>
      tpu.wait_dma2 semaphore(%arg16 : memref<!tpu.dma_semaphore, #tpu.memory_space<semaphore_mem>>) src(%dma_wait3A_222 : memref<1024xi32, #tpu.memory_space<hbm>>) dst(%arg6 : memref<1024xi32, #tpu.memory_space<vmem>>)
      %add3A_223 = arith.constant 3072 : i32
      %add3A_224 = arith.addi %add3A_126, %add3A_223 : i32
      %dma_start3A_225 = arith.constant 0 : i32
      %dma_start3A_226 = tpu.memref_slice %arg3[%dma_start3A_225, %add3A_224] : memref<2x327680xi32, #tpu.memory_space<hbm>> -> memref<1x1024xi32, #tpu.memory_space<hbm>>
      %dma_start3A_227 = tpu.memref_squeeze %dma_start3A_226 : memref<1x1024xi32, #tpu.memory_space<hbm>> -> memref<1024xi32, #tpu.memory_space<hbm>>
      %dma_start3A_228 = tpu.memref_slice %arg3[%dma_start3A_225, %add3A_224] : memref<2x327680xi32, #tpu.memory_space<hbm>> -> memref<1x1024xi32, #tpu.memory_space<hbm>>
      %dma_start3A_229 = tpu.memref_squeeze %dma_start3A_228 : memref<1x1024xi32, #tpu.memory_space<hbm>> -> memref<1024xi32, #tpu.memory_space<hbm>>
      tpu.enqueue_dma source(%dma_start3A_229 : memref<1024xi32, #tpu.memory_space<hbm>>) target(%arg11 : memref<1024xi32, #tpu.memory_space<vmem>>) target_semaphore(%arg16 : memref<!tpu.dma_semaphore, #tpu.memory_space<semaphore_mem>>)
      %add3A_230 = arith.constant 3072 : i32
      %add3A_231 = arith.addi %add3A_126, %add3A_230 : i32
      %dma_start3A_232 = arith.constant 1 : i32
      %dma_start3A_233 = tpu.memref_slice %arg3[%dma_start3A_232, %add3A_231] : memref<2x327680xi32, #tpu.memory_space<hbm>> -> memref<1x1024xi32, #tpu.memory_space<hbm>>
      %dma_start3A_234 = tpu.memref_squeeze %dma_start3A_233 : memref<1x1024xi32, #tpu.memory_space<hbm>> -> memref<1024xi32, #tpu.memory_space<hbm>>
      %dma_start3A_235 = tpu.memref_slice %arg3[%dma_start3A_232, %add3A_231] : memref<2x327680xi32, #tpu.memory_space<hbm>> -> memref<1x1024xi32, #tpu.memory_space<hbm>>
      %dma_start3A_236 = tpu.memref_squeeze %dma_start3A_235 : memref<1x1024xi32, #tpu.memory_space<hbm>> -> memref<1024xi32, #tpu.memory_space<hbm>>
      tpu.enqueue_dma source(%dma_start3A_236 : memref<1024xi32, #tpu.memory_space<hbm>>) target(%arg12 : memref<1024xi32, #tpu.memory_space<vmem>>) target_semaphore(%arg16 : memref<!tpu.dma_semaphore, #tpu.memory_space<semaphore_mem>>)
      %dma_wait3A_237 = arith.constant 0 : i32
      %dma_wait3A_238 = tpu.memref_slice %arg15[%dma_wait3A_237] : memref<1310720xf32, #tpu.memory_space<vmem_shared>> -> memref<1310720xf32, #tpu.memory_space<vmem_shared>>
      tpu.wait_indirect_dma semaphore(%arg19 : memref<!tpu.dma_semaphore, #tpu.memory_space<semaphore_mem>>) src(%arg9 : memref<1024xf32, #tpu.memory_space<vmem>>) dst(%dma_wait3A_238 : memref<1310720xf32, #tpu.memory_space<vmem_shared>>)
      %dma_start3A_239 = arith.constant 0 : i32
      %dma_start3A_240 = tpu.memref_slice %arg14[%dma_start3A_239] : memref<10240xi32, #tpu.memory_space<vmem_shared>> -> memref<10240xi32, #tpu.memory_space<vmem_shared>>
      tpu.enqueue_indirect_dma source(%dma_start3A_240 : memref<10240xi32, #tpu.memory_space<vmem_shared>>) target(%arg7 : memref<1024xi32, #tpu.memory_space<vmem>>) offsets(%arg5 : memref<1024xi32, #tpu.memory_space<vmem>>) semaphore(%arg18 : memref<!tpu.dma_semaphore, #tpu.memory_space<semaphore_mem>>)
      %dma_wait3A_241 = arith.constant 0 : i32
      %dma_wait3A_242 = tpu.memref_slice %arg14[%dma_wait3A_241] : memref<10240xi32, #tpu.memory_space<vmem_shared>> -> memref<10240xi32, #tpu.memory_space<vmem_shared>>
      tpu.wait_indirect_dma semaphore(%arg18 : memref<!tpu.dma_semaphore, #tpu.memory_space<semaphore_mem>>) src(%dma_wait3A_242 : memref<10240xi32, #tpu.memory_space<vmem_shared>>) dst(%arg7 : memref<1024xi32, #tpu.memory_space<vmem>>)
      %scan3A_243 = arith.constant 0 : i32
      %scan3A_244 = arith.constant 0 : i32
      %scan3A_245 = arith.constant 64 : i32
      %scan3A_246 = arith.addi %scan3A_244, %scan3A_245 : i32
      %scan3A_247 = arith.constant 1 : i32
      scf.for %scan3A_431 = %scan3A_244 to %scan3A_246 step %scan3A_247  : i32 {
        %mul3A_432 = arith.constant 16 : i32
        %mul3A_433 = arith.muli %scan3A_431, %mul3A_432 : i32
        %get3A = arith.index_cast %mul3A_433 : i32 to index
        %get3A_434 = tpu.vector_load %arg6[%get3A] {strides = array<i32>} : memref<1024xi32, #tpu.memory_space<vmem>>, vector<16xi32>,
        %get3A_435 = arith.index_cast %mul3A_433 : i32 to index
        %get3A_436 = tpu.vector_load %arg7[%get3A_435] {strides = array<i32>} : memref<1024xi32, #tpu.memory_space<vmem>>, vector<16xi32>,
        %mul3A_437 = arith.constant 128 : i32
        %mul3A_438 = vector.broadcast %mul3A_437 : i32 to vector<16xi32>
        %mul3A_439 = arith.muli %get3A_434, %mul3A_438 : vector<16xi32>
        %add3A_440 = arith.addi %mul3A_439, %get3A_436 : vector<16xi32>
        %swap3A = arith.index_cast %mul3A_433 : i32 to index
        %swap3A_441 = tpu.vector_load %arg8[%swap3A] {strides = array<i32>} : memref<1024xi32, #tpu.memory_space<vmem>>, vector<16xi32>,
        tpu.vector_store %arg8[%swap3A], %add3A_440 {strides = array<i32>} : memref<1024xi32, #tpu.memory_space<vmem>>, vector<16xi32>,
      }
      %scan3A_248 = arith.constant 64 : i32
      %dma_start3A_249 = arith.constant 0 : i32
      %dma_start3A_250 = tpu.memref_slice %arg15[%dma_start3A_249] : memref<1310720xf32, #tpu.memory_space<vmem_shared>> -> memref<1310720xf32, #tpu.memory_space<vmem_shared>>
      tpu.enqueue_indirect_dma source(%arg9 : memref<1024xf32, #tpu.memory_space<vmem>>) target(%dma_start3A_250 : memref<1310720xf32, #tpu.memory_space<vmem_shared>>) offsets(%arg8 : memref<1024xi32, #tpu.memory_space<vmem>>) semaphore(%arg19 : memref<!tpu.dma_semaphore, #tpu.memory_space<semaphore_mem>>) {add = true}
      %dma_wait3A_251 = arith.constant 0 : i32
      %dma_wait3A_252 = tpu.memref_slice %arg3[%dma_wait3A_251, %add3A_224] : memref<2x327680xi32, #tpu.memory_space<hbm>> -> memref<1x1024xi32, #tpu.memory_space<hbm>>
      %dma_wait3A_253 = tpu.memref_squeeze %dma_wait3A_252 : memref<1x1024xi32, #tpu.memory_space<hbm>> -> memref<1024xi32, #tpu.memory_space<hbm>>
      %dma_wait3A_254 = tpu.memref_slice %arg3[%dma_wait3A_251, %add3A_224] : memref<2x327680xi32, #tpu.memory_space<hbm>> -> memref<1x1024xi32, #tpu.memory_space<hbm>>
      %dma_wait3A_255 = tpu.memref_squeeze %dma_wait3A_254 : memref<1x1024xi32, #tpu.memory_space<hbm>> -> memref<1024xi32, #tpu.memory_space<hbm>>
      tpu.wait_dma2 semaphore(%arg16 : memref<!tpu.dma_semaphore, #tpu.memory_space<semaphore_mem>>) src(%dma_wait3A_255 : memref<1024xi32, #tpu.memory_space<hbm>>) dst(%arg11 : memref<1024xi32, #tpu.memory_space<vmem>>)
      %dma_wait3A_256 = arith.constant 1 : i32
      %dma_wait3A_257 = tpu.memref_slice %arg3[%dma_wait3A_256, %add3A_231] : memref<2x327680xi32, #tpu.memory_space<hbm>> -> memref<1x1024xi32, #tpu.memory_space<hbm>>
      %dma_wait3A_258 = tpu.memref_squeeze %dma_wait3A_257 : memref<1x1024xi32, #tpu.memory_space<hbm>> -> memref<1024xi32, #tpu.memory_space<hbm>>
      %dma_wait3A_259 = tpu.memref_slice %arg3[%dma_wait3A_256, %add3A_231] : memref<2x327680xi32, #tpu.memory_space<hbm>> -> memref<1x1024xi32, #tpu.memory_space<hbm>>
      %dma_wait3A_260 = tpu.memref_squeeze %dma_wait3A_259 : memref<1x1024xi32, #tpu.memory_space<hbm>> -> memref<1024xi32, #tpu.memory_space<hbm>>
      tpu.wait_dma2 semaphore(%arg16 : memref<!tpu.dma_semaphore, #tpu.memory_space<semaphore_mem>>) src(%dma_wait3A_260 : memref<1024xi32, #tpu.memory_space<hbm>>) dst(%arg12 : memref<1024xi32, #tpu.memory_space<vmem>>)
      %add3A_261 = arith.constant 4096 : i32
      %add3A_262 = arith.addi %add3A_126, %add3A_261 : i32
      %dma_start3A_263 = arith.constant 0 : i32
      %dma_start3A_264 = tpu.memref_slice %arg3[%dma_start3A_263, %add3A_262] : memref<2x327680xi32, #tpu.memory_space<hbm>> -> memref<1x1024xi32, #tpu.memory_space<hbm>>
      %dma_start3A_265 = tpu.memref_squeeze %dma_start3A_264 : memref<1x1024xi32, #tpu.memory_space<hbm>> -> memref<1024xi32, #tpu.memory_space<hbm>>
      %dma_start3A_266 = tpu.memref_slice %arg3[%dma_start3A_263, %add3A_262] : memref<2x327680xi32, #tpu.memory_space<hbm>> -> memref<1x1024xi32, #tpu.memory_space<hbm>>
      %dma_start3A_267 = tpu.memref_squeeze %dma_start3A_266 : memref<1x1024xi32, #tpu.memory_space<hbm>> -> memref<1024xi32, #tpu.memory_space<hbm>>
      tpu.enqueue_dma source(%dma_start3A_267 : memref<1024xi32, #tpu.memory_space<hbm>>) target(%arg5 : memref<1024xi32, #tpu.memory_space<vmem>>) target_semaphore(%arg16 : memref<!tpu.dma_semaphore, #tpu.memory_space<semaphore_mem>>)
      %add3A_268 = arith.constant 4096 : i32
      %add3A_269 = arith.addi %add3A_126, %add3A_268 : i32
      %dma_start3A_270 = arith.constant 1 : i32
      %dma_start3A_271 = tpu.memref_slice %arg3[%dma_start3A_270, %add3A_269] : memref<2x327680xi32, #tpu.memory_space<hbm>> -> memref<1x1024xi32, #tpu.memory_space<hbm>>
      %dma_start3A_272 = tpu.memref_squeeze %dma_start3A_271 : memref<1x1024xi32, #tpu.memory_space<hbm>> -> memref<1024xi32, #tpu.memory_space<hbm>>
      %dma_start3A_273 = tpu.memref_slice %arg3[%dma_start3A_270, %add3A_269] : memref<2x327680xi32, #tpu.memory_space<hbm>> -> memref<1x1024xi32, #tpu.memory_space<hbm>>
      %dma_start3A_274 = tpu.memref_squeeze %dma_start3A_273 : memref<1x1024xi32, #tpu.memory_space<hbm>> -> memref<1024xi32, #tpu.memory_space<hbm>>
      tpu.enqueue_dma source(%dma_start3A_274 : memref<1024xi32, #tpu.memory_space<hbm>>) target(%arg6 : memref<1024xi32, #tpu.memory_space<vmem>>) target_semaphore(%arg16 : memref<!tpu.dma_semaphore, #tpu.memory_space<semaphore_mem>>)
      %dma_wait3A_275 = arith.constant 0 : i32
      %dma_wait3A_276 = tpu.memref_slice %arg15[%dma_wait3A_275] : memref<1310720xf32, #tpu.memory_space<vmem_shared>> -> memref<1310720xf32, #tpu.memory_space<vmem_shared>>
      tpu.wait_indirect_dma semaphore(%arg19 : memref<!tpu.dma_semaphore, #tpu.memory_space<semaphore_mem>>) src(%arg9 : memref<1024xf32, #tpu.memory_space<vmem>>) dst(%dma_wait3A_276 : memref<1310720xf32, #tpu.memory_space<vmem_shared>>)
      %dma_start3A_277 = arith.constant 0 : i32
      %dma_start3A_278 = tpu.memref_slice %arg14[%dma_start3A_277] : memref<10240xi32, #tpu.memory_space<vmem_shared>> -> memref<10240xi32, #tpu.memory_space<vmem_shared>>
      tpu.enqueue_indirect_dma source(%dma_start3A_278 : memref<10240xi32, #tpu.memory_space<vmem_shared>>) target(%arg7 : memref<1024xi32, #tpu.memory_space<vmem>>) offsets(%arg11 : memref<1024xi32, #tpu.memory_space<vmem>>) semaphore(%arg18 : memref<!tpu.dma_semaphore, #tpu.memory_space<semaphore_mem>>)
      %dma_wait3A_279 = arith.constant 0 : i32
      %dma_wait3A_280 = tpu.memref_slice %arg14[%dma_wait3A_279] : memref<10240xi32, #tpu.memory_space<vmem_shared>> -> memref<10240xi32, #tpu.memory_space<vmem_shared>>
      tpu.wait_indirect_dma semaphore(%arg18 : memref<!tpu.dma_semaphore, #tpu.memory_space<semaphore_mem>>) src(%dma_wait3A_280 : memref<10240xi32, #tpu.memory_space<vmem_shared>>) dst(%arg7 : memref<1024xi32, #tpu.memory_space<vmem>>)
      %scan3A_281 = arith.constant 0 : i32
      %scan3A_282 = arith.constant 0 : i32
      %scan3A_283 = arith.constant 64 : i32
      %scan3A_284 = arith.addi %scan3A_282, %scan3A_283 : i32
      %scan3A_285 = arith.constant 1 : i32
      scf.for %scan3A_431 = %scan3A_282 to %scan3A_284 step %scan3A_285  : i32 {
        %mul3A_432 = arith.constant 16 : i32
        %mul3A_433 = arith.muli %scan3A_431, %mul3A_432 : i32
        %get3A = arith.index_cast %mul3A_433 : i32 to index
        %get3A_434 = tpu.vector_load %arg12[%get3A] {strides = array<i32>} : memref<1024xi32, #tpu.memory_space<vmem>>, vector<16xi32>,
        %get3A_435 = arith.index_cast %mul3A_433 : i32 to index
        %get3A_436 = tpu.vector_load %arg7[%get3A_435] {strides = array<i32>} : memref<1024xi32, #tpu.memory_space<vmem>>, vector<16xi32>,
        %mul3A_437 = arith.constant 128 : i32
        %mul3A_438 = vector.broadcast %mul3A_437 : i32 to vector<16xi32>
        %mul3A_439 = arith.muli %get3A_434, %mul3A_438 : vector<16xi32>
        %add3A_440 = arith.addi %mul3A_439, %get3A_436 : vector<16xi32>
        %swap3A = arith.index_cast %mul3A_433 : i32 to index
        %swap3A_441 = tpu.vector_load %arg13[%swap3A] {strides = array<i32>} : memref<1024xi32, #tpu.memory_space<vmem>>, vector<16xi32>,
        tpu.vector_store %arg13[%swap3A], %add3A_440 {strides = array<i32>} : memref<1024xi32, #tpu.memory_space<vmem>>, vector<16xi32>,
      }
      %scan3A_286 = arith.constant 64 : i32
      %dma_start3A_287 = arith.constant 0 : i32
      %dma_start3A_288 = tpu.memref_slice %arg15[%dma_start3A_287] : memref<1310720xf32, #tpu.memory_space<vmem_shared>> -> memref<1310720xf32, #tpu.memory_space<vmem_shared>>
      tpu.enqueue_indirect_dma source(%arg9 : memref<1024xf32, #tpu.memory_space<vmem>>) target(%dma_start3A_288 : memref<1310720xf32, #tpu.memory_space<vmem_shared>>) offsets(%arg13 : memref<1024xi32, #tpu.memory_space<vmem>>) semaphore(%arg19 : memref<!tpu.dma_semaphore, #tpu.memory_space<semaphore_mem>>) {add = true}
      %dma_wait3A_289 = arith.constant 0 : i32
      %dma_wait3A_290 = tpu.memref_slice %arg3[%dma_wait3A_289, %add3A_262] : memref<2x327680xi32, #tpu.memory_space<hbm>> -> memref<1x1024xi32, #tpu.memory_space<hbm>>
      %dma_wait3A_291 = tpu.memref_squeeze %dma_wait3A_290 : memref<1x1024xi32, #tpu.memory_space<hbm>> -> memref<1024xi32, #tpu.memory_space<hbm>>
      %dma_wait3A_292 = tpu.memref_slice %arg3[%dma_wait3A_289, %add3A_262] : memref<2x327680xi32, #tpu.memory_space<hbm>> -> memref<1x1024xi32, #tpu.memory_space<hbm>>
      %dma_wait3A_293 = tpu.memref_squeeze %dma_wait3A_292 : memref<1x1024xi32, #tpu.memory_space<hbm>> -> memref<1024xi32, #tpu.memory_space<hbm>>
      tpu.wait_dma2 semaphore(%arg16 : memref<!tpu.dma_semaphore, #tpu.memory_space<semaphore_mem>>) src(%dma_wait3A_293 : memref<1024xi32, #tpu.memory_space<hbm>>) dst(%arg5 : memref<1024xi32, #tpu.memory_space<vmem>>)
      %dma_wait3A_294 = arith.constant 1 : i32
      %dma_wait3A_295 = tpu.memref_slice %arg3[%dma_wait3A_294, %add3A_269] : memref<2x327680xi32, #tpu.memory_space<hbm>> -> memref<1x1024xi32, #tpu.memory_space<hbm>>
      %dma_wait3A_296 = tpu.memref_squeeze %dma_wait3A_295 : memref<1x1024xi32, #tpu.memory_space<hbm>> -> memref<1024xi32, #tpu.memory_space<hbm>>
      %dma_wait3A_297 = tpu.memref_slice %arg3[%dma_wait3A_294, %add3A_269] : memref<2x327680xi32, #tpu.memory_space<hbm>> -> memref<1x1024xi32, #tpu.memory_space<hbm>>
      %dma_wait3A_298 = tpu.memref_squeeze %dma_wait3A_297 : memref<1x1024xi32, #tpu.memory_space<hbm>> -> memref<1024xi32, #tpu.memory_space<hbm>>
      tpu.wait_dma2 semaphore(%arg16 : memref<!tpu.dma_semaphore, #tpu.memory_space<semaphore_mem>>) src(%dma_wait3A_298 : memref<1024xi32, #tpu.memory_space<hbm>>) dst(%arg6 : memref<1024xi32, #tpu.memory_space<vmem>>)
      %add3A_299 = arith.constant 5120 : i32
      %add3A_300 = arith.addi %add3A_126, %add3A_299 : i32
      %dma_start3A_301 = arith.constant 0 : i32
      %dma_start3A_302 = tpu.memref_slice %arg3[%dma_start3A_301, %add3A_300] : memref<2x327680xi32, #tpu.memory_space<hbm>> -> memref<1x1024xi32, #tpu.memory_space<hbm>>
      %dma_start3A_303 = tpu.memref_squeeze %dma_start3A_302 : memref<1x1024xi32, #tpu.memory_space<hbm>> -> memref<1024xi32, #tpu.memory_space<hbm>>
      %dma_start3A_304 = tpu.memref_slice %arg3[%dma_start3A_301, %add3A_300] : memref<2x327680xi32, #tpu.memory_space<hbm>> -> memref<1x1024xi32, #tpu.memory_space<hbm>>
      %dma_start3A_305 = tpu.memref_squeeze %dma_start3A_304 : memref<1x1024xi32, #tpu.memory_space<hbm>> -> memref<1024xi32, #tpu.memory_space<hbm>>
      tpu.enqueue_dma source(%dma_start3A_305 : memref<1024xi32, #tpu.memory_space<hbm>>) target(%arg11 : memref<1024xi32, #tpu.memory_space<vmem>>) target_semaphore(%arg16 : memref<!tpu.dma_semaphore, #tpu.memory_space<semaphore_mem>>)
      %add3A_306 = arith.constant 5120 : i32
      %add3A_307 = arith.addi %add3A_126, %add3A_306 : i32
      %dma_start3A_308 = arith.constant 1 : i32
      %dma_start3A_309 = tpu.memref_slice %arg3[%dma_start3A_308, %add3A_307] : memref<2x327680xi32, #tpu.memory_space<hbm>> -> memref<1x1024xi32, #tpu.memory_space<hbm>>
      %dma_start3A_310 = tpu.memref_squeeze %dma_start3A_309 : memref<1x1024xi32, #tpu.memory_space<hbm>> -> memref<1024xi32, #tpu.memory_space<hbm>>
      %dma_start3A_311 = tpu.memref_slice %arg3[%dma_start3A_308, %add3A_307] : memref<2x327680xi32, #tpu.memory_space<hbm>> -> memref<1x1024xi32, #tpu.memory_space<hbm>>
      %dma_start3A_312 = tpu.memref_squeeze %dma_start3A_311 : memref<1x1024xi32, #tpu.memory_space<hbm>> -> memref<1024xi32, #tpu.memory_space<hbm>>
      tpu.enqueue_dma source(%dma_start3A_312 : memref<1024xi32, #tpu.memory_space<hbm>>) target(%arg12 : memref<1024xi32, #tpu.memory_space<vmem>>) target_semaphore(%arg16 : memref<!tpu.dma_semaphore, #tpu.memory_space<semaphore_mem>>)
      %dma_wait3A_313 = arith.constant 0 : i32
      %dma_wait3A_314 = tpu.memref_slice %arg15[%dma_wait3A_313] : memref<1310720xf32, #tpu.memory_space<vmem_shared>> -> memref<1310720xf32, #tpu.memory_space<vmem_shared>>
      tpu.wait_indirect_dma semaphore(%arg19 : memref<!tpu.dma_semaphore, #tpu.memory_space<semaphore_mem>>) src(%arg9 : memref<1024xf32, #tpu.memory_space<vmem>>) dst(%dma_wait3A_314 : memref<1310720xf32, #tpu.memory_space<vmem_shared>>)
      %dma_start3A_315 = arith.constant 0 : i32
      %dma_start3A_316 = tpu.memref_slice %arg14[%dma_start3A_315] : memref<10240xi32, #tpu.memory_space<vmem_shared>> -> memref<10240xi32, #tpu.memory_space<vmem_shared>>
      tpu.enqueue_indirect_dma source(%dma_start3A_316 : memref<10240xi32, #tpu.memory_space<vmem_shared>>) target(%arg7 : memref<1024xi32, #tpu.memory_space<vmem>>) offsets(%arg5 : memref<1024xi32, #tpu.memory_space<vmem>>) semaphore(%arg18 : memref<!tpu.dma_semaphore, #tpu.memory_space<semaphore_mem>>)
      %dma_wait3A_317 = arith.constant 0 : i32
      %dma_wait3A_318 = tpu.memref_slice %arg14[%dma_wait3A_317] : memref<10240xi32, #tpu.memory_space<vmem_shared>> -> memref<10240xi32, #tpu.memory_space<vmem_shared>>
      tpu.wait_indirect_dma semaphore(%arg18 : memref<!tpu.dma_semaphore, #tpu.memory_space<semaphore_mem>>) src(%dma_wait3A_318 : memref<10240xi32, #tpu.memory_space<vmem_shared>>) dst(%arg7 : memref<1024xi32, #tpu.memory_space<vmem>>)
      %scan3A_319 = arith.constant 0 : i32
      %scan3A_320 = arith.constant 0 : i32
      %scan3A_321 = arith.constant 64 : i32
      %scan3A_322 = arith.addi %scan3A_320, %scan3A_321 : i32
      %scan3A_323 = arith.constant 1 : i32
      scf.for %scan3A_431 = %scan3A_320 to %scan3A_322 step %scan3A_323  : i32 {
        %mul3A_432 = arith.constant 16 : i32
        %mul3A_433 = arith.muli %scan3A_431, %mul3A_432 : i32
        %get3A = arith.index_cast %mul3A_433 : i32 to index
        %get3A_434 = tpu.vector_load %arg6[%get3A] {strides = array<i32>} : memref<1024xi32, #tpu.memory_space<vmem>>, vector<16xi32>,
        %get3A_435 = arith.index_cast %mul3A_433 : i32 to index
        %get3A_436 = tpu.vector_load %arg7[%get3A_435] {strides = array<i32>} : memref<1024xi32, #tpu.memory_space<vmem>>, vector<16xi32>,
        %mul3A_437 = arith.constant 128 : i32
        %mul3A_438 = vector.broadcast %mul3A_437 : i32 to vector<16xi32>
        %mul3A_439 = arith.muli %get3A_434, %mul3A_438 : vector<16xi32>
        %add3A_440 = arith.addi %mul3A_439, %get3A_436 : vector<16xi32>
        %swap3A = arith.index_cast %mul3A_433 : i32 to index
        %swap3A_441 = tpu.vector_load %arg8[%swap3A] {strides = array<i32>} : memref<1024xi32, #tpu.memory_space<vmem>>, vector<16xi32>,
        tpu.vector_store %arg8[%swap3A], %add3A_440 {strides = array<i32>} : memref<1024xi32, #tpu.memory_space<vmem>>, vector<16xi32>,
      }
      %scan3A_324 = arith.constant 64 : i32
      %dma_start3A_325 = arith.constant 0 : i32
      %dma_start3A_326 = tpu.memref_slice %arg15[%dma_start3A_325] : memref<1310720xf32, #tpu.memory_space<vmem_shared>> -> memref<1310720xf32, #tpu.memory_space<vmem_shared>>
      tpu.enqueue_indirect_dma source(%arg9 : memref<1024xf32, #tpu.memory_space<vmem>>) target(%dma_start3A_326 : memref<1310720xf32, #tpu.memory_space<vmem_shared>>) offsets(%arg8 : memref<1024xi32, #tpu.memory_space<vmem>>) semaphore(%arg19 : memref<!tpu.dma_semaphore, #tpu.memory_space<semaphore_mem>>) {add = true}
      %dma_wait3A_327 = arith.constant 0 : i32
      %dma_wait3A_328 = tpu.memref_slice %arg3[%dma_wait3A_327, %add3A_300] : memref<2x327680xi32, #tpu.memory_space<hbm>> -> memref<1x1024xi32, #tpu.memory_space<hbm>>
      %dma_wait3A_329 = tpu.memref_squeeze %dma_wait3A_328 : memref<1x1024xi32, #tpu.memory_space<hbm>> -> memref<1024xi32, #tpu.memory_space<hbm>>
      %dma_wait3A_330 = tpu.memref_slice %arg3[%dma_wait3A_327, %add3A_300] : memref<2x327680xi32, #tpu.memory_space<hbm>> -> memref<1x1024xi32, #tpu.memory_space<hbm>>
      %dma_wait3A_331 = tpu.memref_squeeze %dma_wait3A_330 : memref<1x1024xi32, #tpu.memory_space<hbm>> -> memref<1024xi32, #tpu.memory_space<hbm>>
      tpu.wait_dma2 semaphore(%arg16 : memref<!tpu.dma_semaphore, #tpu.memory_space<semaphore_mem>>) src(%dma_wait3A_331 : memref<1024xi32, #tpu.memory_space<hbm>>) dst(%arg11 : memref<1024xi32, #tpu.memory_space<vmem>>)
      %dma_wait3A_332 = arith.constant 1 : i32
      %dma_wait3A_333 = tpu.memref_slice %arg3[%dma_wait3A_332, %add3A_307] : memref<2x327680xi32, #tpu.memory_space<hbm>> -> memref<1x1024xi32, #tpu.memory_space<hbm>>
      %dma_wait3A_334 = tpu.memref_squeeze %dma_wait3A_333 : memref<1x1024xi32, #tpu.memory_space<hbm>> -> memref<1024xi32, #tpu.memory_space<hbm>>
      %dma_wait3A_335 = tpu.memref_slice %arg3[%dma_wait3A_332, %add3A_307] : memref<2x327680xi32, #tpu.memory_space<hbm>> -> memref<1x1024xi32, #tpu.memory_space<hbm>>
      %dma_wait3A_336 = tpu.memref_squeeze %dma_wait3A_335 : memref<1x1024xi32, #tpu.memory_space<hbm>> -> memref<1024xi32, #tpu.memory_space<hbm>>
      tpu.wait_dma2 semaphore(%arg16 : memref<!tpu.dma_semaphore, #tpu.memory_space<semaphore_mem>>) src(%dma_wait3A_336 : memref<1024xi32, #tpu.memory_space<hbm>>) dst(%arg12 : memref<1024xi32, #tpu.memory_space<vmem>>)
      %add3A_337 = arith.constant 6144 : i32
      %add3A_338 = arith.addi %add3A_126, %add3A_337 : i32
      %dma_start3A_339 = arith.constant 0 : i32
      %dma_start3A_340 = tpu.memref_slice %arg3[%dma_start3A_339, %add3A_338] : memref<2x327680xi32, #tpu.memory_space<hbm>> -> memref<1x1024xi32, #tpu.memory_space<hbm>>
      %dma_start3A_341 = tpu.memref_squeeze %dma_start3A_340 : memref<1x1024xi32, #tpu.memory_space<hbm>> -> memref<1024xi32, #tpu.memory_space<hbm>>
      %dma_start3A_342 = tpu.memref_slice %arg3[%dma_start3A_339, %add3A_338] : memref<2x327680xi32, #tpu.memory_space<hbm>> -> memref<1x1024xi32, #tpu.memory_space<hbm>>
      %dma_start3A_343 = tpu.memref_squeeze %dma_start3A_342 : memref<1x1024xi32, #tpu.memory_space<hbm>> -> memref<1024xi32, #tpu.memory_space<hbm>>
      tpu.enqueue_dma source(%dma_start3A_343 : memref<1024xi32, #tpu.memory_space<hbm>>) target(%arg5 : memref<1024xi32, #tpu.memory_space<vmem>>) target_semaphore(%arg16 : memref<!tpu.dma_semaphore, #tpu.memory_space<semaphore_mem>>)
      %add3A_344 = arith.constant 6144 : i32
      %add3A_345 = arith.addi %add3A_126, %add3A_344 : i32
      %dma_start3A_346 = arith.constant 1 : i32
      %dma_start3A_347 = tpu.memref_slice %arg3[%dma_start3A_346, %add3A_345] : memref<2x327680xi32, #tpu.memory_space<hbm>> -> memref<1x1024xi32, #tpu.memory_space<hbm>>
      %dma_start3A_348 = tpu.memref_squeeze %dma_start3A_347 : memref<1x1024xi32, #tpu.memory_space<hbm>> -> memref<1024xi32, #tpu.memory_space<hbm>>
      %dma_start3A_349 = tpu.memref_slice %arg3[%dma_start3A_346, %add3A_345] : memref<2x327680xi32, #tpu.memory_space<hbm>> -> memref<1x1024xi32, #tpu.memory_space<hbm>>
      %dma_start3A_350 = tpu.memref_squeeze %dma_start3A_349 : memref<1x1024xi32, #tpu.memory_space<hbm>> -> memref<1024xi32, #tpu.memory_space<hbm>>
      tpu.enqueue_dma source(%dma_start3A_350 : memref<1024xi32, #tpu.memory_space<hbm>>) target(%arg6 : memref<1024xi32, #tpu.memory_space<vmem>>) target_semaphore(%arg16 : memref<!tpu.dma_semaphore, #tpu.memory_space<semaphore_mem>>)
      %dma_wait3A_351 = arith.constant 0 : i32
      %dma_wait3A_352 = tpu.memref_slice %arg15[%dma_wait3A_351] : memref<1310720xf32, #tpu.memory_space<vmem_shared>> -> memref<1310720xf32, #tpu.memory_space<vmem_shared>>
      tpu.wait_indirect_dma semaphore(%arg19 : memref<!tpu.dma_semaphore, #tpu.memory_space<semaphore_mem>>) src(%arg9 : memref<1024xf32, #tpu.memory_space<vmem>>) dst(%dma_wait3A_352 : memref<1310720xf32, #tpu.memory_space<vmem_shared>>)
      %dma_start3A_353 = arith.constant 0 : i32
      %dma_start3A_354 = tpu.memref_slice %arg14[%dma_start3A_353] : memref<10240xi32, #tpu.memory_space<vmem_shared>> -> memref<10240xi32, #tpu.memory_space<vmem_shared>>
      tpu.enqueue_indirect_dma source(%dma_start3A_354 : memref<10240xi32, #tpu.memory_space<vmem_shared>>) target(%arg7 : memref<1024xi32, #tpu.memory_space<vmem>>) offsets(%arg11 : memref<1024xi32, #tpu.memory_space<vmem>>) semaphore(%arg18 : memref<!tpu.dma_semaphore, #tpu.memory_space<semaphore_mem>>)
      %dma_wait3A_355 = arith.constant 0 : i32
      %dma_wait3A_356 = tpu.memref_slice %arg14[%dma_wait3A_355] : memref<10240xi32, #tpu.memory_space<vmem_shared>> -> memref<10240xi32, #tpu.memory_space<vmem_shared>>
      tpu.wait_indirect_dma semaphore(%arg18 : memref<!tpu.dma_semaphore, #tpu.memory_space<semaphore_mem>>) src(%dma_wait3A_356 : memref<10240xi32, #tpu.memory_space<vmem_shared>>) dst(%arg7 : memref<1024xi32, #tpu.memory_space<vmem>>)
      %scan3A_357 = arith.constant 0 : i32
      %scan3A_358 = arith.constant 0 : i32
      %scan3A_359 = arith.constant 64 : i32
      %scan3A_360 = arith.addi %scan3A_358, %scan3A_359 : i32
      %scan3A_361 = arith.constant 1 : i32
      scf.for %scan3A_431 = %scan3A_358 to %scan3A_360 step %scan3A_361  : i32 {
        %mul3A_432 = arith.constant 16 : i32
        %mul3A_433 = arith.muli %scan3A_431, %mul3A_432 : i32
        %get3A = arith.index_cast %mul3A_433 : i32 to index
        %get3A_434 = tpu.vector_load %arg12[%get3A] {strides = array<i32>} : memref<1024xi32, #tpu.memory_space<vmem>>, vector<16xi32>,
        %get3A_435 = arith.index_cast %mul3A_433 : i32 to index
        %get3A_436 = tpu.vector_load %arg7[%get3A_435] {strides = array<i32>} : memref<1024xi32, #tpu.memory_space<vmem>>, vector<16xi32>,
        %mul3A_437 = arith.constant 128 : i32
        %mul3A_438 = vector.broadcast %mul3A_437 : i32 to vector<16xi32>
        %mul3A_439 = arith.muli %get3A_434, %mul3A_438 : vector<16xi32>
        %add3A_440 = arith.addi %mul3A_439, %get3A_436 : vector<16xi32>
        %swap3A = arith.index_cast %mul3A_433 : i32 to index
        %swap3A_441 = tpu.vector_load %arg13[%swap3A] {strides = array<i32>} : memref<1024xi32, #tpu.memory_space<vmem>>, vector<16xi32>,
        tpu.vector_store %arg13[%swap3A], %add3A_440 {strides = array<i32>} : memref<1024xi32, #tpu.memory_space<vmem>>, vector<16xi32>,
      }
      %scan3A_362 = arith.constant 64 : i32
      %dma_start3A_363 = arith.constant 0 : i32
      %dma_start3A_364 = tpu.memref_slice %arg15[%dma_start3A_363] : memref<1310720xf32, #tpu.memory_space<vmem_shared>> -> memref<1310720xf32, #tpu.memory_space<vmem_shared>>
      tpu.enqueue_indirect_dma source(%arg9 : memref<1024xf32, #tpu.memory_space<vmem>>) target(%dma_start3A_364 : memref<1310720xf32, #tpu.memory_space<vmem_shared>>) offsets(%arg13 : memref<1024xi32, #tpu.memory_space<vmem>>) semaphore(%arg19 : memref<!tpu.dma_semaphore, #tpu.memory_space<semaphore_mem>>) {add = true}
      %dma_wait3A_365 = arith.constant 0 : i32
      %dma_wait3A_366 = tpu.memref_slice %arg3[%dma_wait3A_365, %add3A_338] : memref<2x327680xi32, #tpu.memory_space<hbm>> -> memref<1x1024xi32, #tpu.memory_space<hbm>>
      %dma_wait3A_367 = tpu.memref_squeeze %dma_wait3A_366 : memref<1x1024xi32, #tpu.memory_space<hbm>> -> memref<1024xi32, #tpu.memory_space<hbm>>
      %dma_wait3A_368 = tpu.memref_slice %arg3[%dma_wait3A_365, %add3A_338] : memref<2x327680xi32, #tpu.memory_space<hbm>> -> memref<1x1024xi32, #tpu.memory_space<hbm>>
      %dma_wait3A_369 = tpu.memref_squeeze %dma_wait3A_368 : memref<1x1024xi32, #tpu.memory_space<hbm>> -> memref<1024xi32, #tpu.memory_space<hbm>>
      tpu.wait_dma2 semaphore(%arg16 : memref<!tpu.dma_semaphore, #tpu.memory_space<semaphore_mem>>) src(%dma_wait3A_369 : memref<1024xi32, #tpu.memory_space<hbm>>) dst(%arg5 : memref<1024xi32, #tpu.memory_space<vmem>>)
      %dma_wait3A_370 = arith.constant 1 : i32
      %dma_wait3A_371 = tpu.memref_slice %arg3[%dma_wait3A_370, %add3A_345] : memref<2x327680xi32, #tpu.memory_space<hbm>> -> memref<1x1024xi32, #tpu.memory_space<hbm>>
      %dma_wait3A_372 = tpu.memref_squeeze %dma_wait3A_371 : memref<1x1024xi32, #tpu.memory_space<hbm>> -> memref<1024xi32, #tpu.memory_space<hbm>>
      %dma_wait3A_373 = tpu.memref_slice %arg3[%dma_wait3A_370, %add3A_345] : memref<2x327680xi32, #tpu.memory_space<hbm>> -> memref<1x1024xi32, #tpu.memory_space<hbm>>
      %dma_wait3A_374 = tpu.memref_squeeze %dma_wait3A_373 : memref<1x1024xi32, #tpu.memory_space<hbm>> -> memref<1024xi32, #tpu.memory_space<hbm>>
      tpu.wait_dma2 semaphore(%arg16 : memref<!tpu.dma_semaphore, #tpu.memory_space<semaphore_mem>>) src(%dma_wait3A_374 : memref<1024xi32, #tpu.memory_space<hbm>>) dst(%arg6 : memref<1024xi32, #tpu.memory_space<vmem>>)
      %add3A_375 = arith.constant 7168 : i32
      %add3A_376 = arith.addi %add3A_126, %add3A_375 : i32
      %dma_start3A_377 = arith.constant 0 : i32
      %dma_start3A_378 = tpu.memref_slice %arg3[%dma_start3A_377, %add3A_376] : memref<2x327680xi32, #tpu.memory_space<hbm>> -> memref<1x1024xi32, #tpu.memory_space<hbm>>
      %dma_start3A_379 = tpu.memref_squeeze %dma_start3A_378 : memref<1x1024xi32, #tpu.memory_space<hbm>> -> memref<1024xi32, #tpu.memory_space<hbm>>
      %dma_start3A_380 = tpu.memref_slice %arg3[%dma_start3A_377, %add3A_376] : memref<2x327680xi32, #tpu.memory_space<hbm>> -> memref<1x1024xi32, #tpu.memory_space<hbm>>
      %dma_start3A_381 = tpu.memref_squeeze %dma_start3A_380 : memref<1x1024xi32, #tpu.memory_space<hbm>> -> memref<1024xi32, #tpu.memory_space<hbm>>
      tpu.enqueue_dma source(%dma_start3A_381 : memref<1024xi32, #tpu.memory_space<hbm>>) target(%arg11 : memref<1024xi32, #tpu.memory_space<vmem>>) target_semaphore(%arg16 : memref<!tpu.dma_semaphore, #tpu.memory_space<semaphore_mem>>)
      %add3A_382 = arith.constant 7168 : i32
      %add3A_383 = arith.addi %add3A_126, %add3A_382 : i32
      %dma_start3A_384 = arith.constant 1 : i32
      %dma_start3A_385 = tpu.memref_slice %arg3[%dma_start3A_384, %add3A_383] : memref<2x327680xi32, #tpu.memory_space<hbm>> -> memref<1x1024xi32, #tpu.memory_space<hbm>>
      %dma_start3A_386 = tpu.memref_squeeze %dma_start3A_385 : memref<1x1024xi32, #tpu.memory_space<hbm>> -> memref<1024xi32, #tpu.memory_space<hbm>>
      %dma_start3A_387 = tpu.memref_slice %arg3[%dma_start3A_384, %add3A_383] : memref<2x327680xi32, #tpu.memory_space<hbm>> -> memref<1x1024xi32, #tpu.memory_space<hbm>>
      %dma_start3A_388 = tpu.memref_squeeze %dma_start3A_387 : memref<1x1024xi32, #tpu.memory_space<hbm>> -> memref<1024xi32, #tpu.memory_space<hbm>>
      tpu.enqueue_dma source(%dma_start3A_388 : memref<1024xi32, #tpu.memory_space<hbm>>) target(%arg12 : memref<1024xi32, #tpu.memory_space<vmem>>) target_semaphore(%arg16 : memref<!tpu.dma_semaphore, #tpu.memory_space<semaphore_mem>>)
      %dma_wait3A_389 = arith.constant 0 : i32
      %dma_wait3A_390 = tpu.memref_slice %arg15[%dma_wait3A_389] : memref<1310720xf32, #tpu.memory_space<vmem_shared>> -> memref<1310720xf32, #tpu.memory_space<vmem_shared>>
      tpu.wait_indirect_dma semaphore(%arg19 : memref<!tpu.dma_semaphore, #tpu.memory_space<semaphore_mem>>) src(%arg9 : memref<1024xf32, #tpu.memory_space<vmem>>) dst(%dma_wait3A_390 : memref<1310720xf32, #tpu.memory_space<vmem_shared>>)
      %dma_start3A_391 = arith.constant 0 : i32
      %dma_start3A_392 = tpu.memref_slice %arg14[%dma_start3A_391] : memref<10240xi32, #tpu.memory_space<vmem_shared>> -> memref<10240xi32, #tpu.memory_space<vmem_shared>>
      tpu.enqueue_indirect_dma source(%dma_start3A_392 : memref<10240xi32, #tpu.memory_space<vmem_shared>>) target(%arg7 : memref<1024xi32, #tpu.memory_space<vmem>>) offsets(%arg5 : memref<1024xi32, #tpu.memory_space<vmem>>) semaphore(%arg18 : memref<!tpu.dma_semaphore, #tpu.memory_space<semaphore_mem>>)
      %dma_wait3A_393 = arith.constant 0 : i32
      %dma_wait3A_394 = tpu.memref_slice %arg14[%dma_wait3A_393] : memref<10240xi32, #tpu.memory_space<vmem_shared>> -> memref<10240xi32, #tpu.memory_space<vmem_shared>>
      tpu.wait_indirect_dma semaphore(%arg18 : memref<!tpu.dma_semaphore, #tpu.memory_space<semaphore_mem>>) src(%dma_wait3A_394 : memref<10240xi32, #tpu.memory_space<vmem_shared>>) dst(%arg7 : memref<1024xi32, #tpu.memory_space<vmem>>)
      %scan3A_395 = arith.constant 0 : i32
      %scan3A_396 = arith.constant 0 : i32
      %scan3A_397 = arith.constant 64 : i32
      %scan3A_398 = arith.addi %scan3A_396, %scan3A_397 : i32
      %scan3A_399 = arith.constant 1 : i32
      scf.for %scan3A_431 = %scan3A_396 to %scan3A_398 step %scan3A_399  : i32 {
        %mul3A_432 = arith.constant 16 : i32
        %mul3A_433 = arith.muli %scan3A_431, %mul3A_432 : i32
        %get3A = arith.index_cast %mul3A_433 : i32 to index
        %get3A_434 = tpu.vector_load %arg6[%get3A] {strides = array<i32>} : memref<1024xi32, #tpu.memory_space<vmem>>, vector<16xi32>,
        %get3A_435 = arith.index_cast %mul3A_433 : i32 to index
        %get3A_436 = tpu.vector_load %arg7[%get3A_435] {strides = array<i32>} : memref<1024xi32, #tpu.memory_space<vmem>>, vector<16xi32>,
        %mul3A_437 = arith.constant 128 : i32
        %mul3A_438 = vector.broadcast %mul3A_437 : i32 to vector<16xi32>
        %mul3A_439 = arith.muli %get3A_434, %mul3A_438 : vector<16xi32>
        %add3A_440 = arith.addi %mul3A_439, %get3A_436 : vector<16xi32>
        %swap3A = arith.index_cast %mul3A_433 : i32 to index
        %swap3A_441 = tpu.vector_load %arg8[%swap3A] {strides = array<i32>} : memref<1024xi32, #tpu.memory_space<vmem>>, vector<16xi32>,
        tpu.vector_store %arg8[%swap3A], %add3A_440 {strides = array<i32>} : memref<1024xi32, #tpu.memory_space<vmem>>, vector<16xi32>,
      }
      %scan3A_400 = arith.constant 64 : i32
      %dma_start3A_401 = arith.constant 0 : i32
      %dma_start3A_402 = tpu.memref_slice %arg15[%dma_start3A_401] : memref<1310720xf32, #tpu.memory_space<vmem_shared>> -> memref<1310720xf32, #tpu.memory_space<vmem_shared>>
      tpu.enqueue_indirect_dma source(%arg9 : memref<1024xf32, #tpu.memory_space<vmem>>) target(%dma_start3A_402 : memref<1310720xf32, #tpu.memory_space<vmem_shared>>) offsets(%arg8 : memref<1024xi32, #tpu.memory_space<vmem>>) semaphore(%arg19 : memref<!tpu.dma_semaphore, #tpu.memory_space<semaphore_mem>>) {add = true}
      %dma_wait3A_403 = arith.constant 0 : i32
      %dma_wait3A_404 = tpu.memref_slice %arg3[%dma_wait3A_403, %add3A_376] : memref<2x327680xi32, #tpu.memory_space<hbm>> -> memref<1x1024xi32, #tpu.memory_space<hbm>>
      %dma_wait3A_405 = tpu.memref_squeeze %dma_wait3A_404 : memref<1x1024xi32, #tpu.memory_space<hbm>> -> memref<1024xi32, #tpu.memory_space<hbm>>
      %dma_wait3A_406 = tpu.memref_slice %arg3[%dma_wait3A_403, %add3A_376] : memref<2x327680xi32, #tpu.memory_space<hbm>> -> memref<1x1024xi32, #tpu.memory_space<hbm>>
      %dma_wait3A_407 = tpu.memref_squeeze %dma_wait3A_406 : memref<1x1024xi32, #tpu.memory_space<hbm>> -> memref<1024xi32, #tpu.memory_space<hbm>>
      tpu.wait_dma2 semaphore(%arg16 : memref<!tpu.dma_semaphore, #tpu.memory_space<semaphore_mem>>) src(%dma_wait3A_407 : memref<1024xi32, #tpu.memory_space<hbm>>) dst(%arg11 : memref<1024xi32, #tpu.memory_space<vmem>>)
      %dma_wait3A_408 = arith.constant 1 : i32
      %dma_wait3A_409 = tpu.memref_slice %arg3[%dma_wait3A_408, %add3A_383] : memref<2x327680xi32, #tpu.memory_space<hbm>> -> memref<1x1024xi32, #tpu.memory_space<hbm>>
      %dma_wait3A_410 = tpu.memref_squeeze %dma_wait3A_409 : memref<1x1024xi32, #tpu.memory_space<hbm>> -> memref<1024xi32, #tpu.memory_space<hbm>>
      %dma_wait3A_411 = tpu.memref_slice %arg3[%dma_wait3A_408, %add3A_383] : memref<2x327680xi32, #tpu.memory_space<hbm>> -> memref<1x1024xi32, #tpu.memory_space<hbm>>
      %dma_wait3A_412 = tpu.memref_squeeze %dma_wait3A_411 : memref<1x1024xi32, #tpu.memory_space<hbm>> -> memref<1024xi32, #tpu.memory_space<hbm>>
      tpu.wait_dma2 semaphore(%arg16 : memref<!tpu.dma_semaphore, #tpu.memory_space<semaphore_mem>>) src(%dma_wait3A_412 : memref<1024xi32, #tpu.memory_space<hbm>>) dst(%arg12 : memref<1024xi32, #tpu.memory_space<vmem>>)
      %dma_wait3A_413 = arith.constant 0 : i32
      %dma_wait3A_414 = tpu.memref_slice %arg15[%dma_wait3A_413] : memref<1310720xf32, #tpu.memory_space<vmem_shared>> -> memref<1310720xf32, #tpu.memory_space<vmem_shared>>
      tpu.wait_indirect_dma semaphore(%arg19 : memref<!tpu.dma_semaphore, #tpu.memory_space<semaphore_mem>>) src(%arg9 : memref<1024xf32, #tpu.memory_space<vmem>>) dst(%dma_wait3A_414 : memref<1310720xf32, #tpu.memory_space<vmem_shared>>)
      %dma_start3A_415 = arith.constant 0 : i32
      %dma_start3A_416 = tpu.memref_slice %arg14[%dma_start3A_415] : memref<10240xi32, #tpu.memory_space<vmem_shared>> -> memref<10240xi32, #tpu.memory_space<vmem_shared>>
      tpu.enqueue_indirect_dma source(%dma_start3A_416 : memref<10240xi32, #tpu.memory_space<vmem_shared>>) target(%arg7 : memref<1024xi32, #tpu.memory_space<vmem>>) offsets(%arg11 : memref<1024xi32, #tpu.memory_space<vmem>>) semaphore(%arg18 : memref<!tpu.dma_semaphore, #tpu.memory_space<semaphore_mem>>)
      %dma_wait3A_417 = arith.constant 0 : i32
      %dma_wait3A_418 = tpu.memref_slice %arg14[%dma_wait3A_417] : memref<10240xi32, #tpu.memory_space<vmem_shared>> -> memref<10240xi32, #tpu.memory_space<vmem_shared>>
      tpu.wait_indirect_dma semaphore(%arg18 : memref<!tpu.dma_semaphore, #tpu.memory_space<semaphore_mem>>) src(%dma_wait3A_418 : memref<10240xi32, #tpu.memory_space<vmem_shared>>) dst(%arg7 : memref<1024xi32, #tpu.memory_space<vmem>>)
      %scan3A_419 = arith.constant 0 : i32
      %scan3A_420 = arith.constant 0 : i32
      %scan3A_421 = arith.constant 64 : i32
      %scan3A_422 = arith.addi %scan3A_420, %scan3A_421 : i32
      %scan3A_423 = arith.constant 1 : i32
      scf.for %scan3A_431 = %scan3A_420 to %scan3A_422 step %scan3A_423  : i32 {
        %mul3A_432 = arith.constant 16 : i32
        %mul3A_433 = arith.muli %scan3A_431, %mul3A_432 : i32
        %get3A = arith.index_cast %mul3A_433 : i32 to index
        %get3A_434 = tpu.vector_load %arg12[%get3A] {strides = array<i32>} : memref<1024xi32, #tpu.memory_space<vmem>>, vector<16xi32>,
        %get3A_435 = arith.index_cast %mul3A_433 : i32 to index
        %get3A_436 = tpu.vector_load %arg7[%get3A_435] {strides = array<i32>} : memref<1024xi32, #tpu.memory_space<vmem>>, vector<16xi32>,
        %mul3A_437 = arith.constant 128 : i32
        %mul3A_438 = vector.broadcast %mul3A_437 : i32 to vector<16xi32>
        %mul3A_439 = arith.muli %get3A_434, %mul3A_438 : vector<16xi32>
        %add3A_440 = arith.addi %mul3A_439, %get3A_436 : vector<16xi32>
        %swap3A = arith.index_cast %mul3A_433 : i32 to index
        %swap3A_441 = tpu.vector_load %arg13[%swap3A] {strides = array<i32>} : memref<1024xi32, #tpu.memory_space<vmem>>, vector<16xi32>,
        tpu.vector_store %arg13[%swap3A], %add3A_440 {strides = array<i32>} : memref<1024xi32, #tpu.memory_space<vmem>>, vector<16xi32>,
      }
      %scan3A_424 = arith.constant 64 : i32
      %dma_start3A_425 = arith.constant 0 : i32
      %dma_start3A_426 = tpu.memref_slice %arg15[%dma_start3A_425] : memref<1310720xf32, #tpu.memory_space<vmem_shared>> -> memref<1310720xf32, #tpu.memory_space<vmem_shared>>
      tpu.enqueue_indirect_dma source(%arg9 : memref<1024xf32, #tpu.memory_space<vmem>>) target(%dma_start3A_426 : memref<1310720xf32, #tpu.memory_space<vmem_shared>>) offsets(%arg13 : memref<1024xi32, #tpu.memory_space<vmem>>) semaphore(%arg19 : memref<!tpu.dma_semaphore, #tpu.memory_space<semaphore_mem>>) {add = true}
      %dma_wait3A_427 = arith.constant 0 : i32
      %dma_wait3A_428 = tpu.memref_slice %arg15[%dma_wait3A_427] : memref<1310720xf32, #tpu.memory_space<vmem_shared>> -> memref<1310720xf32, #tpu.memory_space<vmem_shared>>
      tpu.wait_indirect_dma semaphore(%arg19 : memref<!tpu.dma_semaphore, #tpu.memory_space<semaphore_mem>>) src(%arg9 : memref<1024xf32, #tpu.memory_space<vmem>>) dst(%dma_wait3A_428 : memref<1310720xf32, #tpu.memory_space<vmem_shared>>)
      %dma_wait3A_429 = arith.constant 0 : i32
      %dma_wait3A_430 = tpu.memref_slice %arg15[%dma_wait3A_429] : memref<1310720xf32, #tpu.memory_space<vmem_shared>> -> memref<1310720xf32, #tpu.memory_space<vmem_shared>>
      tpu.wait_indirect_dma semaphore(%arg19 : memref<!tpu.dma_semaphore, #tpu.memory_space<semaphore_mem>>) src(%arg9 : memref<1024xf32, #tpu.memory_space<vmem>>) dst(%dma_wait3A_430 : memref<1310720xf32, #tpu.memory_space<vmem_shared>>)
    } else {
    }
    %barrier3A_119 = arith.constant 0 : index
    tpu.barrier barrier_id(%barrier3A_119)
    %mul3A_120 = arith.constant 1310720 : i32
    %mul3A_121 = arith.muli %arg0, %mul3A_120 : i32
    %add3A_122 = arith.addi %mul3A_121, %mul3A_0 : i32
    "tpu.region"() ({
      %run_scoped3A = tpu.sem_alloc : memref<!tpu.dma_semaphore, #tpu.memory_space<semaphore_mem>>
      %dma_start3A_123 = tpu.memref_slice %arg4[%add3A_122] : memref<2621440xf32, #tpu.memory_space<hbm>> -> memref<81920xf32, #tpu.memory_space<hbm>>
      %dma_start3A_124 = tpu.memref_slice %arg15[%mul3A_0] : memref<1310720xf32, #tpu.memory_space<vmem_shared>> -> memref<81920xf32, #tpu.memory_space<vmem_shared>>
      tpu.enqueue_dma source(%dma_start3A_124 : memref<81920xf32, #tpu.memory_space<vmem_shared>>) target(%dma_start3A_123 : memref<81920xf32, #tpu.memory_space<hbm>>) target_semaphore(%run_scoped3A : memref<!tpu.dma_semaphore, #tpu.memory_space<semaphore_mem>>)
      %dma_wait3A_125 = tpu.memref_slice %arg4[%add3A_122] : memref<2621440xf32, #tpu.memory_space<hbm>> -> memref<81920xf32, #tpu.memory_space<hbm>>
      %dma_wait3A_126 = tpu.memref_slice %arg15[%mul3A_0] : memref<1310720xf32, #tpu.memory_space<vmem_shared>> -> memref<81920xf32, #tpu.memory_space<vmem_shared>>
      tpu.wait_dma2 semaphore(%run_scoped3A : memref<!tpu.dma_semaphore, #tpu.memory_space<semaphore_mem>>) src(%dma_wait3A_126 : memref<81920xf32, #tpu.memory_space<vmem_shared>>) dst(%dma_wait3A_125 : memref<81920xf32, #tpu.memory_space<hbm>>)
      tpu.yield
    }) : () -> ()
    return
  }
}

module attributes {stable_mosaic.version = 14 : i64} {
  func.func @_tc_body(%arg0: memref<2x10240x128xf32, #tpu.memory_space<any>>, %arg1: memref<5x1x2048xi32, #tpu.memory_space<vmem>>, %arg2: memref<5x1x2048xi32, #tpu.memory_space<vmem>>, %arg3: memref<128x128xf32, #tpu.memory_space<vmem>>, %arg4: memref<128x128xf32, #tpu.memory_space<vmem>>, %arg5: memref<128x128xf32, #tpu.memory_space<vmem>>, %arg6: memref<128x128xf32, #tpu.memory_space<vmem>>, %arg7: memref<8x128xf32, #tpu.memory_space<vmem>>, %arg8: memref<64x128xf32, #tpu.memory_space<vmem>>, %arg9: memref<2x2048x128xf32, #tpu.memory_space<vmem>>, %arg10: memref<2x2048x128xf32, #tpu.memory_space<vmem>>, %arg11: memref<!tpu.dma_semaphore, #tpu.memory_space<semaphore_mem>>, %arg12: memref<!tpu.dma_semaphore, #tpu.memory_space<semaphore_mem>>) attributes {dimension_semantics = [], scalar_prefetch = 0 : i64, scratch_operands = 4 : i64, tpu.core_type = #tpu.core_type<tc>} {
    %dma_start3A = arith.constant 0 : i32
    %dma_start3A_0 = arith.constant 0 : i32
    %dma_start3A_1 = arith.constant 0 : i32
    %dma_start3A_2 = tpu.memref_slice %arg0[%dma_start3A, %dma_start3A_0, %dma_start3A_1] : memref<2x10240x128xf32, #tpu.memory_space<any>> -> memref<2x2048x128xf32, #tpu.memory_space<any>>
    tpu.enqueue_dma source(%dma_start3A_2 : memref<2x2048x128xf32, #tpu.memory_space<any>>) target(%arg9 : memref<2x2048x128xf32, #tpu.memory_space<vmem>>) target_semaphore(%arg11 : memref<!tpu.dma_semaphore, #tpu.memory_space<semaphore_mem>>)
    %dma_start3A_3 = arith.constant 0 : i32
    %dma_start3A_4 = arith.constant 2048 : i32
    %dma_start3A_5 = arith.constant 0 : i32
    %dma_start3A_6 = tpu.memref_slice %arg0[%dma_start3A_3, %dma_start3A_4, %dma_start3A_5] : memref<2x10240x128xf32, #tpu.memory_space<any>> -> memref<2x2048x128xf32, #tpu.memory_space<any>>
    tpu.enqueue_dma source(%dma_start3A_6 : memref<2x2048x128xf32, #tpu.memory_space<any>>) target(%arg10 : memref<2x2048x128xf32, #tpu.memory_space<vmem>>) target_semaphore(%arg12 : memref<!tpu.dma_semaphore, #tpu.memory_space<semaphore_mem>>)
    %get3A = arith.constant 0 : index
    %get3A_7 = arith.constant 0 : index
    %get3A_8 = vector.load %arg3[%get3A, %get3A_7] : memref<128x128xf32, #tpu.memory_space<vmem>>, vector<128x128xf32>
    %get3A_9 = arith.constant 0 : index
    %get3A_10 = arith.constant 0 : index
    %get3A_11 = vector.load %arg5[%get3A_9, %get3A_10] : memref<128x128xf32, #tpu.memory_space<vmem>>, vector<128x128xf32>
    %dot_general3A = arith.constant dense<0.000000e+00> : vector<128x128xf32>
    %dot_general3A_12 = tpu.matmul %get3A_8, %get3A_11, %dot_general3A {dimension_numbers = #tpu.dot_dimension_numbers<[1], [0], [0], [1], [0, 0, 1, 1], [], []>, precision = #tpu.contract_precision<fp32>, transpose_lhs_hint = false} : vector<128x128xf32>, vector<128x128xf32>, vector<128x128xf32> -> vector<128x128xf32>
    %get3A_13 = arith.constant 0 : index
    %get3A_14 = arith.constant 0 : index
    %get3A_15 = vector.load %arg4[%get3A_13, %get3A_14] : memref<128x128xf32, #tpu.memory_space<vmem>>, vector<128x128xf32>
    %get3A_16 = arith.constant 0 : index
    %get3A_17 = arith.constant 0 : index
    %get3A_18 = vector.load %arg6[%get3A_16, %get3A_17] : memref<128x128xf32, #tpu.memory_space<vmem>>, vector<128x128xf32>
    %dot_general3A_19 = arith.constant dense<0.000000e+00> : vector<128x128xf32>
    %dot_general3A_20 = tpu.matmul %get3A_15, %get3A_18, %dot_general3A_19 {dimension_numbers = #tpu.dot_dimension_numbers<[1], [0], [0], [1], [0, 0, 1, 1], [], []>, precision = #tpu.contract_precision<fp32>, transpose_lhs_hint = false} : vector<128x128xf32>, vector<128x128xf32>, vector<128x128xf32> -> vector<128x128xf32>
    %get3A_21 = arith.constant 0 : index
    %get3A_22 = arith.constant 0 : index
    %get3A_23 = vector.load %arg3[%get3A_21, %get3A_22] : memref<128x128xf32, #tpu.memory_space<vmem>>, vector<128x128xf32>
    %dot_general3A_24 = arith.constant dense<0.000000e+00> : vector<128x128xf32>
    %dot_general3A_25 = tpu.matmul %get3A_23, %dot_general3A_20, %dot_general3A_24 {dimension_numbers = #tpu.dot_dimension_numbers<[1], [0], [0], [1], [0, 0, 1, 1], [], []>, precision = #tpu.contract_precision<fp32>, transpose_lhs_hint = false} : vector<128x128xf32>, vector<128x128xf32>, vector<128x128xf32> -> vector<128x128xf32>
    %broadcast_in_dim3A = arith.constant 0.000000e+00 : f32
    %broadcast_in_dim3A_26 = vector.broadcast %broadcast_in_dim3A : f32 to vector<64x128xf32>
    %broadcast_in_dim3A_27 = arith.constant 0.000000e+00 : f32
    %broadcast_in_dim3A_28 = vector.broadcast %broadcast_in_dim3A_27 : f32 to vector<64x1xf32>
    %iota3A = tpu.iota {dimensions = array<i32: 0>} : vector<128x1xi32>
    %iota3A_29 = tpu.iota {dimensions = array<i32: 0>} : vector<64x1xi32>
    %dma_wait3A = arith.constant 0 : i32
    %dma_wait3A_30 = arith.constant 0 : i32
    %dma_wait3A_31 = arith.constant 0 : i32
    %dma_wait3A_32 = tpu.memref_slice %arg0[%dma_wait3A, %dma_wait3A_30, %dma_wait3A_31] : memref<2x10240x128xf32, #tpu.memory_space<any>> -> memref<2x2048x128xf32, #tpu.memory_space<any>>
    tpu.wait_dma2 semaphore(%arg11 : memref<!tpu.dma_semaphore, #tpu.memory_space<semaphore_mem>>) src(%dma_wait3A_32 : memref<2x2048x128xf32, #tpu.memory_space<any>>) dst(%arg9 : memref<2x2048x128xf32, #tpu.memory_space<vmem>>)
    %get3A_33 = arith.constant 0 : index
    %get3A_34 = arith.constant 0 : index
    %get3A_35 = arith.constant 0 : index
    %get3A_36 = vector.load %arg9[%get3A_33, %get3A_34, %get3A_35] : memref<2x2048x128xf32, #tpu.memory_space<vmem>>, vector<1x2048x128xf32>
    %get3A_37 = vector.shape_cast %get3A_36 : vector<1x2048x128xf32> to vector<2048x128xf32>
    %get3A_38 = arith.constant 1 : index
    %get3A_39 = arith.constant 0 : index
    %get3A_40 = arith.constant 0 : index
    %get3A_41 = vector.load %arg9[%get3A_38, %get3A_39, %get3A_40] : memref<2x2048x128xf32, #tpu.memory_space<vmem>>, vector<1x2048x128xf32>
    %get3A_42 = vector.shape_cast %get3A_41 : vector<1x2048x128xf32> to vector<2048x128xf32>
    %add3A = arith.addf %get3A_37, %get3A_42 : vector<2048x128xf32>
    %dma_start3A_43 = arith.constant 0 : i32
    %dma_start3A_44 = arith.constant 4096 : i32
    %dma_start3A_45 = arith.constant 0 : i32
    %dma_start3A_46 = tpu.memref_slice %arg0[%dma_start3A_43, %dma_start3A_44, %dma_start3A_45] : memref<2x10240x128xf32, #tpu.memory_space<any>> -> memref<2x2048x128xf32, #tpu.memory_space<any>>
    tpu.enqueue_dma source(%dma_start3A_46 : memref<2x2048x128xf32, #tpu.memory_space<any>>) target(%arg9 : memref<2x2048x128xf32, #tpu.memory_space<vmem>>) target_semaphore(%arg11 : memref<!tpu.dma_semaphore, #tpu.memory_space<semaphore_mem>>)
    %reduce_sum3A = arith.constant dense<0.000000e+00> : vector<2048xf32>
    %reduce_sum3A_47 = vector.multi_reduction <add>, %add3A, %reduce_sum3A [1] : vector<2048x128xf32> to vector<2048xf32>
    %broadcast_in_dim3A_48 = vector.shape_cast %reduce_sum3A_47 : vector<2048xf32> to vector<2048x1xf32>
    %max3A = arith.constant 1.000000e+00 : f32
    %max3A_49 = vector.broadcast %max3A : f32 to vector<2048x1xf32>
    %max3A_50 = arith.maximumf %broadcast_in_dim3A_48, %max3A_49 : vector<2048x1xf32>
    %div3A = vector.broadcast %max3A_50 : vector<2048x1xf32> to vector<2048x128xf32>
    %div3A_51 = arith.divf %add3A, %div3A : vector<2048x128xf32>
    %dot_general3A_52 = arith.constant dense<0.000000e+00> : vector<2048x128xf32>
    %dot_general3A_53 = tpu.matmul %div3A_51, %dot_general3A_25, %dot_general3A_52 {dimension_numbers = #tpu.dot_dimension_numbers<[1], [0], [0], [1], [0, 0, 1, 1], [], []>, transpose_lhs_hint = false} : vector<2048x128xf32>, vector<128x128xf32>, vector<2048x128xf32> -> vector<2048x128xf32>
    %get3A_54 = arith.constant 0 : index
    %get3A_55 = arith.constant 0 : index
    %get3A_56 = arith.constant 0 : index
    %get3A_57 = vector.load %arg1[%get3A_54, %get3A_55, %get3A_56] : memref<5x1x2048xi32, #tpu.memory_space<vmem>>, vector<1x1x2048xi32>
    %get3A_58 = vector.shape_cast %get3A_57 : vector<1x1x2048xi32> to vector<1x2048xi32>
    %eq3A = vector.broadcast %iota3A : vector<128x1xi32> to vector<128x2048xi32>
    %eq3A_59 = vector.broadcast %get3A_58 : vector<1x2048xi32> to vector<128x2048xi32>
    %eq3A_60 = arith.cmpi eq, %eq3A, %eq3A_59 : vector<128x2048xi32>
    %convert_element_type3A = arith.extui %eq3A_60 : vector<128x2048xi1> to vector<128x2048xi32>
    %convert_element_type3A_61 = arith.sitofp %convert_element_type3A : vector<128x2048xi32> to vector<128x2048xf32>
    %dot_general3A_62 = arith.constant dense<0.000000e+00> : vector<2048x128xf32>
    %dot_general3A_63 = tpu.matmul %convert_element_type3A_61, %dot_general3A_12, %dot_general3A_62 {dimension_numbers = #tpu.dot_dimension_numbers<[0], [0], [1], [1], [0, 1, 1, 1], [], []>, transpose_lhs_hint = false} : vector<128x2048xf32>, vector<128x128xf32>, vector<2048x128xf32> -> vector<2048x128xf32>
    %add3A_64 = arith.addf %dot_general3A_63, %dot_general3A_53 : vector<2048x128xf32>
    %get3A_65 = arith.constant 0 : index
    %get3A_66 = arith.constant 0 : index
    %get3A_67 = vector.load %arg7[%get3A_65, %get3A_66] : memref<8x128xf32, #tpu.memory_space<vmem>>, vector<1x128xf32>
    %add3A_68 = vector.broadcast %get3A_67 : vector<1x128xf32> to vector<2048x128xf32>
    %add3A_69 = arith.addf %add3A_64, %add3A_68 : vector<2048x128xf32>
    %max3A_70 = arith.constant 0.000000e+00 : f32
    %max3A_71 = vector.broadcast %max3A_70 : f32 to vector<2048x128xf32>
    %max3A_72 = arith.maximumf %add3A_69, %max3A_71 : vector<2048x128xf32>
    %get3A_73 = arith.constant 0 : index
    %get3A_74 = arith.constant 0 : index
    %get3A_75 = arith.constant 0 : index
    %get3A_76 = vector.load %arg2[%get3A_73, %get3A_74, %get3A_75] : memref<5x1x2048xi32, #tpu.memory_space<vmem>>, vector<1x1x2048xi32>
    %get3A_77 = vector.shape_cast %get3A_76 : vector<1x1x2048xi32> to vector<1x2048xi32>
    %eq3A_78 = vector.broadcast %iota3A_29 : vector<64x1xi32> to vector<64x2048xi32>
    %eq3A_79 = vector.broadcast %get3A_77 : vector<1x2048xi32> to vector<64x2048xi32>
    %eq3A_80 = arith.cmpi eq, %eq3A_78, %eq3A_79 : vector<64x2048xi32>
    %convert_element_type3A_81 = arith.extui %eq3A_80 : vector<64x2048xi1> to vector<64x2048xi32>
    %convert_element_type3A_82 = arith.sitofp %convert_element_type3A_81 : vector<64x2048xi32> to vector<64x2048xf32>
    %dot_general3A_83 = arith.constant dense<0.000000e+00> : vector<64x128xf32>
    %dot_general3A_84 = tpu.matmul %convert_element_type3A_82, %max3A_72, %dot_general3A_83 {dimension_numbers = #tpu.dot_dimension_numbers<[1], [0], [0], [1], [0, 0, 1, 1], [], []>, transpose_lhs_hint = false} : vector<64x2048xf32>, vector<2048x128xf32>, vector<64x128xf32> -> vector<64x128xf32>
    %add3A_85 = arith.addf %broadcast_in_dim3A_26, %dot_general3A_84 : vector<64x128xf32>
    %reduce_sum3A_86 = arith.constant dense<0.000000e+00> : vector<64xf32>
    %reduce_sum3A_87 = vector.multi_reduction <add>, %convert_element_type3A_82, %reduce_sum3A_86 [1] : vector<64x2048xf32> to vector<64xf32>
    %broadcast_in_dim3A_88 = vector.shape_cast %reduce_sum3A_87 : vector<64xf32> to vector<64x1xf32>
    %add3A_89 = arith.addf %broadcast_in_dim3A_28, %broadcast_in_dim3A_88 : vector<64x1xf32>
    %dma_wait3A_90 = arith.constant 0 : i32
    %dma_wait3A_91 = arith.constant 2048 : i32
    %dma_wait3A_92 = arith.constant 0 : i32
    %dma_wait3A_93 = tpu.memref_slice %arg0[%dma_wait3A_90, %dma_wait3A_91, %dma_wait3A_92] : memref<2x10240x128xf32, #tpu.memory_space<any>> -> memref<2x2048x128xf32, #tpu.memory_space<any>>
    tpu.wait_dma2 semaphore(%arg12 : memref<!tpu.dma_semaphore, #tpu.memory_space<semaphore_mem>>) src(%dma_wait3A_93 : memref<2x2048x128xf32, #tpu.memory_space<any>>) dst(%arg10 : memref<2x2048x128xf32, #tpu.memory_space<vmem>>)
    %get3A_94 = arith.constant 0 : index
    %get3A_95 = arith.constant 0 : index
    %get3A_96 = arith.constant 0 : index
    %get3A_97 = vector.load %arg10[%get3A_94, %get3A_95, %get3A_96] : memref<2x2048x128xf32, #tpu.memory_space<vmem>>, vector<1x2048x128xf32>
    %get3A_98 = vector.shape_cast %get3A_97 : vector<1x2048x128xf32> to vector<2048x128xf32>
    %get3A_99 = arith.constant 1 : index
    %get3A_100 = arith.constant 0 : index
    %get3A_101 = arith.constant 0 : index
    %get3A_102 = vector.load %arg10[%get3A_99, %get3A_100, %get3A_101] : memref<2x2048x128xf32, #tpu.memory_space<vmem>>, vector<1x2048x128xf32>
    %get3A_103 = vector.shape_cast %get3A_102 : vector<1x2048x128xf32> to vector<2048x128xf32>
    %add3A_104 = arith.addf %get3A_98, %get3A_103 : vector<2048x128xf32>
    %dma_start3A_105 = arith.constant 0 : i32
    %dma_start3A_106 = arith.constant 6144 : i32
    %dma_start3A_107 = arith.constant 0 : i32
    %dma_start3A_108 = tpu.memref_slice %arg0[%dma_start3A_105, %dma_start3A_106, %dma_start3A_107] : memref<2x10240x128xf32, #tpu.memory_space<any>> -> memref<2x2048x128xf32, #tpu.memory_space<any>>
    tpu.enqueue_dma source(%dma_start3A_108 : memref<2x2048x128xf32, #tpu.memory_space<any>>) target(%arg10 : memref<2x2048x128xf32, #tpu.memory_space<vmem>>) target_semaphore(%arg12 : memref<!tpu.dma_semaphore, #tpu.memory_space<semaphore_mem>>)
    %reduce_sum3A_109 = arith.constant dense<0.000000e+00> : vector<2048xf32>
    %reduce_sum3A_110 = vector.multi_reduction <add>, %add3A_104, %reduce_sum3A_109 [1] : vector<2048x128xf32> to vector<2048xf32>
    %broadcast_in_dim3A_111 = vector.shape_cast %reduce_sum3A_110 : vector<2048xf32> to vector<2048x1xf32>
    %max3A_112 = arith.constant 1.000000e+00 : f32
    %max3A_113 = vector.broadcast %max3A_112 : f32 to vector<2048x1xf32>
    %max3A_114 = arith.maximumf %broadcast_in_dim3A_111, %max3A_113 : vector<2048x1xf32>
    %div3A_115 = vector.broadcast %max3A_114 : vector<2048x1xf32> to vector<2048x128xf32>
    %div3A_116 = arith.divf %add3A_104, %div3A_115 : vector<2048x128xf32>
    %dot_general3A_117 = arith.constant dense<0.000000e+00> : vector<2048x128xf32>
    %dot_general3A_118 = tpu.matmul %div3A_116, %dot_general3A_25, %dot_general3A_117 {dimension_numbers = #tpu.dot_dimension_numbers<[1], [0], [0], [1], [0, 0, 1, 1], [], []>, transpose_lhs_hint = false} : vector<2048x128xf32>, vector<128x128xf32>, vector<2048x128xf32> -> vector<2048x128xf32>
    %get3A_119 = arith.constant 1 : index
    %get3A_120 = arith.constant 0 : index
    %get3A_121 = arith.constant 0 : index
    %get3A_122 = vector.load %arg1[%get3A_119, %get3A_120, %get3A_121] : memref<5x1x2048xi32, #tpu.memory_space<vmem>>, vector<1x1x2048xi32>
    %get3A_123 = vector.shape_cast %get3A_122 : vector<1x1x2048xi32> to vector<1x2048xi32>
    %eq3A_124 = vector.broadcast %iota3A : vector<128x1xi32> to vector<128x2048xi32>
    %eq3A_125 = vector.broadcast %get3A_123 : vector<1x2048xi32> to vector<128x2048xi32>
    %eq3A_126 = arith.cmpi eq, %eq3A_124, %eq3A_125 : vector<128x2048xi32>
    %convert_element_type3A_127 = arith.extui %eq3A_126 : vector<128x2048xi1> to vector<128x2048xi32>
    %convert_element_type3A_128 = arith.sitofp %convert_element_type3A_127 : vector<128x2048xi32> to vector<128x2048xf32>
    %dot_general3A_129 = arith.constant dense<0.000000e+00> : vector<2048x128xf32>
    %dot_general3A_130 = tpu.matmul %convert_element_type3A_128, %dot_general3A_12, %dot_general3A_129 {dimension_numbers = #tpu.dot_dimension_numbers<[0], [0], [1], [1], [0, 1, 1, 1], [], []>, transpose_lhs_hint = false} : vector<128x2048xf32>, vector<128x128xf32>, vector<2048x128xf32> -> vector<2048x128xf32>
    %add3A_131 = arith.addf %dot_general3A_130, %dot_general3A_118 : vector<2048x128xf32>
    %get3A_132 = arith.constant 0 : index
    %get3A_133 = arith.constant 0 : index
    %get3A_134 = vector.load %arg7[%get3A_132, %get3A_133] : memref<8x128xf32, #tpu.memory_space<vmem>>, vector<1x128xf32>
    %add3A_135 = vector.broadcast %get3A_134 : vector<1x128xf32> to vector<2048x128xf32>
    %add3A_136 = arith.addf %add3A_131, %add3A_135 : vector<2048x128xf32>
    %max3A_137 = arith.constant 0.000000e+00 : f32
    %max3A_138 = vector.broadcast %max3A_137 : f32 to vector<2048x128xf32>
    %max3A_139 = arith.maximumf %add3A_136, %max3A_138 : vector<2048x128xf32>
    %get3A_140 = arith.constant 1 : index
    %get3A_141 = arith.constant 0 : index
    %get3A_142 = arith.constant 0 : index
    %get3A_143 = vector.load %arg2[%get3A_140, %get3A_141, %get3A_142] : memref<5x1x2048xi32, #tpu.memory_space<vmem>>, vector<1x1x2048xi32>
    %get3A_144 = vector.shape_cast %get3A_143 : vector<1x1x2048xi32> to vector<1x2048xi32>
    %eq3A_145 = vector.broadcast %iota3A_29 : vector<64x1xi32> to vector<64x2048xi32>
    %eq3A_146 = vector.broadcast %get3A_144 : vector<1x2048xi32> to vector<64x2048xi32>
    %eq3A_147 = arith.cmpi eq, %eq3A_145, %eq3A_146 : vector<64x2048xi32>
    %convert_element_type3A_148 = arith.extui %eq3A_147 : vector<64x2048xi1> to vector<64x2048xi32>
    %convert_element_type3A_149 = arith.sitofp %convert_element_type3A_148 : vector<64x2048xi32> to vector<64x2048xf32>
    %dot_general3A_150 = arith.constant dense<0.000000e+00> : vector<64x128xf32>
    %dot_general3A_151 = tpu.matmul %convert_element_type3A_149, %max3A_139, %dot_general3A_150 {dimension_numbers = #tpu.dot_dimension_numbers<[1], [0], [0], [1], [0, 0, 1, 1], [], []>, transpose_lhs_hint = false} : vector<64x2048xf32>, vector<2048x128xf32>, vector<64x128xf32> -> vector<64x128xf32>
    %add3A_152 = arith.addf %add3A_85, %dot_general3A_151 : vector<64x128xf32>
    %reduce_sum3A_153 = arith.constant dense<0.000000e+00> : vector<64xf32>
    %reduce_sum3A_154 = vector.multi_reduction <add>, %convert_element_type3A_149, %reduce_sum3A_153 [1] : vector<64x2048xf32> to vector<64xf32>
    %broadcast_in_dim3A_155 = vector.shape_cast %reduce_sum3A_154 : vector<64xf32> to vector<64x1xf32>
    %add3A_156 = arith.addf %add3A_89, %broadcast_in_dim3A_155 : vector<64x1xf32>
    %dma_wait3A_157 = arith.constant 0 : i32
    %dma_wait3A_158 = arith.constant 4096 : i32
    %dma_wait3A_159 = arith.constant 0 : i32
    %dma_wait3A_160 = tpu.memref_slice %arg0[%dma_wait3A_157, %dma_wait3A_158, %dma_wait3A_159] : memref<2x10240x128xf32, #tpu.memory_space<any>> -> memref<2x2048x128xf32, #tpu.memory_space<any>>
    tpu.wait_dma2 semaphore(%arg11 : memref<!tpu.dma_semaphore, #tpu.memory_space<semaphore_mem>>) src(%dma_wait3A_160 : memref<2x2048x128xf32, #tpu.memory_space<any>>) dst(%arg9 : memref<2x2048x128xf32, #tpu.memory_space<vmem>>)
    %get3A_161 = arith.constant 0 : index
    %get3A_162 = arith.constant 0 : index
    %get3A_163 = arith.constant 0 : index
    %get3A_164 = vector.load %arg9[%get3A_161, %get3A_162, %get3A_163] : memref<2x2048x128xf32, #tpu.memory_space<vmem>>, vector<1x2048x128xf32>
    %get3A_165 = vector.shape_cast %get3A_164 : vector<1x2048x128xf32> to vector<2048x128xf32>
    %get3A_166 = arith.constant 1 : index
    %get3A_167 = arith.constant 0 : index
    %get3A_168 = arith.constant 0 : index
    %get3A_169 = vector.load %arg9[%get3A_166, %get3A_167, %get3A_168] : memref<2x2048x128xf32, #tpu.memory_space<vmem>>, vector<1x2048x128xf32>
    %get3A_170 = vector.shape_cast %get3A_169 : vector<1x2048x128xf32> to vector<2048x128xf32>
    %add3A_171 = arith.addf %get3A_165, %get3A_170 : vector<2048x128xf32>
    %dma_start3A_172 = arith.constant 0 : i32
    %dma_start3A_173 = arith.constant 8192 : i32
    %dma_start3A_174 = arith.constant 0 : i32
    %dma_start3A_175 = tpu.memref_slice %arg0[%dma_start3A_172, %dma_start3A_173, %dma_start3A_174] : memref<2x10240x128xf32, #tpu.memory_space<any>> -> memref<2x2048x128xf32, #tpu.memory_space<any>>
    tpu.enqueue_dma source(%dma_start3A_175 : memref<2x2048x128xf32, #tpu.memory_space<any>>) target(%arg9 : memref<2x2048x128xf32, #tpu.memory_space<vmem>>) target_semaphore(%arg11 : memref<!tpu.dma_semaphore, #tpu.memory_space<semaphore_mem>>)
    %reduce_sum3A_176 = arith.constant dense<0.000000e+00> : vector<2048xf32>
    %reduce_sum3A_177 = vector.multi_reduction <add>, %add3A_171, %reduce_sum3A_176 [1] : vector<2048x128xf32> to vector<2048xf32>
    %broadcast_in_dim3A_178 = vector.shape_cast %reduce_sum3A_177 : vector<2048xf32> to vector<2048x1xf32>
    %max3A_179 = arith.constant 1.000000e+00 : f32
    %max3A_180 = vector.broadcast %max3A_179 : f32 to vector<2048x1xf32>
    %max3A_181 = arith.maximumf %broadcast_in_dim3A_178, %max3A_180 : vector<2048x1xf32>
    %div3A_182 = vector.broadcast %max3A_181 : vector<2048x1xf32> to vector<2048x128xf32>
    %div3A_183 = arith.divf %add3A_171, %div3A_182 : vector<2048x128xf32>
    %dot_general3A_184 = arith.constant dense<0.000000e+00> : vector<2048x128xf32>
    %dot_general3A_185 = tpu.matmul %div3A_183, %dot_general3A_25, %dot_general3A_184 {dimension_numbers = #tpu.dot_dimension_numbers<[1], [0], [0], [1], [0, 0, 1, 1], [], []>, transpose_lhs_hint = false} : vector<2048x128xf32>, vector<128x128xf32>, vector<2048x128xf32> -> vector<2048x128xf32>
    %get3A_186 = arith.constant 2 : index
    %get3A_187 = arith.constant 0 : index
    %get3A_188 = arith.constant 0 : index
    %get3A_189 = vector.load %arg1[%get3A_186, %get3A_187, %get3A_188] : memref<5x1x2048xi32, #tpu.memory_space<vmem>>, vector<1x1x2048xi32>
    %get3A_190 = vector.shape_cast %get3A_189 : vector<1x1x2048xi32> to vector<1x2048xi32>
    %eq3A_191 = vector.broadcast %iota3A : vector<128x1xi32> to vector<128x2048xi32>
    %eq3A_192 = vector.broadcast %get3A_190 : vector<1x2048xi32> to vector<128x2048xi32>
    %eq3A_193 = arith.cmpi eq, %eq3A_191, %eq3A_192 : vector<128x2048xi32>
    %convert_element_type3A_194 = arith.extui %eq3A_193 : vector<128x2048xi1> to vector<128x2048xi32>
    %convert_element_type3A_195 = arith.sitofp %convert_element_type3A_194 : vector<128x2048xi32> to vector<128x2048xf32>
    %dot_general3A_196 = arith.constant dense<0.000000e+00> : vector<2048x128xf32>
    %dot_general3A_197 = tpu.matmul %convert_element_type3A_195, %dot_general3A_12, %dot_general3A_196 {dimension_numbers = #tpu.dot_dimension_numbers<[0], [0], [1], [1], [0, 1, 1, 1], [], []>, transpose_lhs_hint = false} : vector<128x2048xf32>, vector<128x128xf32>, vector<2048x128xf32> -> vector<2048x128xf32>
    %add3A_198 = arith.addf %dot_general3A_197, %dot_general3A_185 : vector<2048x128xf32>
    %get3A_199 = arith.constant 0 : index
    %get3A_200 = arith.constant 0 : index
    %get3A_201 = vector.load %arg7[%get3A_199, %get3A_200] : memref<8x128xf32, #tpu.memory_space<vmem>>, vector<1x128xf32>
    %add3A_202 = vector.broadcast %get3A_201 : vector<1x128xf32> to vector<2048x128xf32>
    %add3A_203 = arith.addf %add3A_198, %add3A_202 : vector<2048x128xf32>
    %max3A_204 = arith.constant 0.000000e+00 : f32
    %max3A_205 = vector.broadcast %max3A_204 : f32 to vector<2048x128xf32>
    %max3A_206 = arith.maximumf %add3A_203, %max3A_205 : vector<2048x128xf32>
    %get3A_207 = arith.constant 2 : index
    %get3A_208 = arith.constant 0 : index
    %get3A_209 = arith.constant 0 : index
    %get3A_210 = vector.load %arg2[%get3A_207, %get3A_208, %get3A_209] : memref<5x1x2048xi32, #tpu.memory_space<vmem>>, vector<1x1x2048xi32>
    %get3A_211 = vector.shape_cast %get3A_210 : vector<1x1x2048xi32> to vector<1x2048xi32>
    %eq3A_212 = vector.broadcast %iota3A_29 : vector<64x1xi32> to vector<64x2048xi32>
    %eq3A_213 = vector.broadcast %get3A_211 : vector<1x2048xi32> to vector<64x2048xi32>
    %eq3A_214 = arith.cmpi eq, %eq3A_212, %eq3A_213 : vector<64x2048xi32>
    %convert_element_type3A_215 = arith.extui %eq3A_214 : vector<64x2048xi1> to vector<64x2048xi32>
    %convert_element_type3A_216 = arith.sitofp %convert_element_type3A_215 : vector<64x2048xi32> to vector<64x2048xf32>
    %dot_general3A_217 = arith.constant dense<0.000000e+00> : vector<64x128xf32>
    %dot_general3A_218 = tpu.matmul %convert_element_type3A_216, %max3A_206, %dot_general3A_217 {dimension_numbers = #tpu.dot_dimension_numbers<[1], [0], [0], [1], [0, 0, 1, 1], [], []>, transpose_lhs_hint = false} : vector<64x2048xf32>, vector<2048x128xf32>, vector<64x128xf32> -> vector<64x128xf32>
    %add3A_219 = arith.addf %add3A_152, %dot_general3A_218 : vector<64x128xf32>
    %reduce_sum3A_220 = arith.constant dense<0.000000e+00> : vector<64xf32>
    %reduce_sum3A_221 = vector.multi_reduction <add>, %convert_element_type3A_216, %reduce_sum3A_220 [1] : vector<64x2048xf32> to vector<64xf32>
    %broadcast_in_dim3A_222 = vector.shape_cast %reduce_sum3A_221 : vector<64xf32> to vector<64x1xf32>
    %add3A_223 = arith.addf %add3A_156, %broadcast_in_dim3A_222 : vector<64x1xf32>
    %dma_wait3A_224 = arith.constant 0 : i32
    %dma_wait3A_225 = arith.constant 6144 : i32
    %dma_wait3A_226 = arith.constant 0 : i32
    %dma_wait3A_227 = tpu.memref_slice %arg0[%dma_wait3A_224, %dma_wait3A_225, %dma_wait3A_226] : memref<2x10240x128xf32, #tpu.memory_space<any>> -> memref<2x2048x128xf32, #tpu.memory_space<any>>
    tpu.wait_dma2 semaphore(%arg12 : memref<!tpu.dma_semaphore, #tpu.memory_space<semaphore_mem>>) src(%dma_wait3A_227 : memref<2x2048x128xf32, #tpu.memory_space<any>>) dst(%arg10 : memref<2x2048x128xf32, #tpu.memory_space<vmem>>)
    %get3A_228 = arith.constant 0 : index
    %get3A_229 = arith.constant 0 : index
    %get3A_230 = arith.constant 0 : index
    %get3A_231 = vector.load %arg10[%get3A_228, %get3A_229, %get3A_230] : memref<2x2048x128xf32, #tpu.memory_space<vmem>>, vector<1x2048x128xf32>
    %get3A_232 = vector.shape_cast %get3A_231 : vector<1x2048x128xf32> to vector<2048x128xf32>
    %get3A_233 = arith.constant 1 : index
    %get3A_234 = arith.constant 0 : index
    %get3A_235 = arith.constant 0 : index
    %get3A_236 = vector.load %arg10[%get3A_233, %get3A_234, %get3A_235] : memref<2x2048x128xf32, #tpu.memory_space<vmem>>, vector<1x2048x128xf32>
    %get3A_237 = vector.shape_cast %get3A_236 : vector<1x2048x128xf32> to vector<2048x128xf32>
    %add3A_238 = arith.addf %get3A_232, %get3A_237 : vector<2048x128xf32>
    %reduce_sum3A_239 = arith.constant dense<0.000000e+00> : vector<2048xf32>
    %reduce_sum3A_240 = vector.multi_reduction <add>, %add3A_238, %reduce_sum3A_239 [1] : vector<2048x128xf32> to vector<2048xf32>
    %broadcast_in_dim3A_241 = vector.shape_cast %reduce_sum3A_240 : vector<2048xf32> to vector<2048x1xf32>
    %max3A_242 = arith.constant 1.000000e+00 : f32
    %max3A_243 = vector.broadcast %max3A_242 : f32 to vector<2048x1xf32>
    %max3A_244 = arith.maximumf %broadcast_in_dim3A_241, %max3A_243 : vector<2048x1xf32>
    %div3A_245 = vector.broadcast %max3A_244 : vector<2048x1xf32> to vector<2048x128xf32>
    %div3A_246 = arith.divf %add3A_238, %div3A_245 : vector<2048x128xf32>
    %dot_general3A_247 = arith.constant dense<0.000000e+00> : vector<2048x128xf32>
    %dot_general3A_248 = tpu.matmul %div3A_246, %dot_general3A_25, %dot_general3A_247 {dimension_numbers = #tpu.dot_dimension_numbers<[1], [0], [0], [1], [0, 0, 1, 1], [], []>, transpose_lhs_hint = false} : vector<2048x128xf32>, vector<128x128xf32>, vector<2048x128xf32> -> vector<2048x128xf32>
    %get3A_249 = arith.constant 3 : index
    %get3A_250 = arith.constant 0 : index
    %get3A_251 = arith.constant 0 : index
    %get3A_252 = vector.load %arg1[%get3A_249, %get3A_250, %get3A_251] : memref<5x1x2048xi32, #tpu.memory_space<vmem>>, vector<1x1x2048xi32>
    %get3A_253 = vector.shape_cast %get3A_252 : vector<1x1x2048xi32> to vector<1x2048xi32>
    %eq3A_254 = vector.broadcast %iota3A : vector<128x1xi32> to vector<128x2048xi32>
    %eq3A_255 = vector.broadcast %get3A_253 : vector<1x2048xi32> to vector<128x2048xi32>
    %eq3A_256 = arith.cmpi eq, %eq3A_254, %eq3A_255 : vector<128x2048xi32>
    %convert_element_type3A_257 = arith.extui %eq3A_256 : vector<128x2048xi1> to vector<128x2048xi32>
    %convert_element_type3A_258 = arith.sitofp %convert_element_type3A_257 : vector<128x2048xi32> to vector<128x2048xf32>
    %dot_general3A_259 = arith.constant dense<0.000000e+00> : vector<2048x128xf32>
    %dot_general3A_260 = tpu.matmul %convert_element_type3A_258, %dot_general3A_12, %dot_general3A_259 {dimension_numbers = #tpu.dot_dimension_numbers<[0], [0], [1], [1], [0, 1, 1, 1], [], []>, transpose_lhs_hint = false} : vector<128x2048xf32>, vector<128x128xf32>, vector<2048x128xf32> -> vector<2048x128xf32>
    %add3A_261 = arith.addf %dot_general3A_260, %dot_general3A_248 : vector<2048x128xf32>
    %get3A_262 = arith.constant 0 : index
    %get3A_263 = arith.constant 0 : index
    %get3A_264 = vector.load %arg7[%get3A_262, %get3A_263] : memref<8x128xf32, #tpu.memory_space<vmem>>, vector<1x128xf32>
    %add3A_265 = vector.broadcast %get3A_264 : vector<1x128xf32> to vector<2048x128xf32>
    %add3A_266 = arith.addf %add3A_261, %add3A_265 : vector<2048x128xf32>
    %max3A_267 = arith.constant 0.000000e+00 : f32
    %max3A_268 = vector.broadcast %max3A_267 : f32 to vector<2048x128xf32>
    %max3A_269 = arith.maximumf %add3A_266, %max3A_268 : vector<2048x128xf32>
    %get3A_270 = arith.constant 3 : index
    %get3A_271 = arith.constant 0 : index
    %get3A_272 = arith.constant 0 : index
    %get3A_273 = vector.load %arg2[%get3A_270, %get3A_271, %get3A_272] : memref<5x1x2048xi32, #tpu.memory_space<vmem>>, vector<1x1x2048xi32>
    %get3A_274 = vector.shape_cast %get3A_273 : vector<1x1x2048xi32> to vector<1x2048xi32>
    %eq3A_275 = vector.broadcast %iota3A_29 : vector<64x1xi32> to vector<64x2048xi32>
    %eq3A_276 = vector.broadcast %get3A_274 : vector<1x2048xi32> to vector<64x2048xi32>
    %eq3A_277 = arith.cmpi eq, %eq3A_275, %eq3A_276 : vector<64x2048xi32>
    %convert_element_type3A_278 = arith.extui %eq3A_277 : vector<64x2048xi1> to vector<64x2048xi32>
    %convert_element_type3A_279 = arith.sitofp %convert_element_type3A_278 : vector<64x2048xi32> to vector<64x2048xf32>
    %dot_general3A_280 = arith.constant dense<0.000000e+00> : vector<64x128xf32>
    %dot_general3A_281 = tpu.matmul %convert_element_type3A_279, %max3A_269, %dot_general3A_280 {dimension_numbers = #tpu.dot_dimension_numbers<[1], [0], [0], [1], [0, 0, 1, 1], [], []>, transpose_lhs_hint = false} : vector<64x2048xf32>, vector<2048x128xf32>, vector<64x128xf32> -> vector<64x128xf32>
    %add3A_282 = arith.addf %add3A_219, %dot_general3A_281 : vector<64x128xf32>
    %reduce_sum3A_283 = arith.constant dense<0.000000e+00> : vector<64xf32>
    %reduce_sum3A_284 = vector.multi_reduction <add>, %convert_element_type3A_279, %reduce_sum3A_283 [1] : vector<64x2048xf32> to vector<64xf32>
    %broadcast_in_dim3A_285 = vector.shape_cast %reduce_sum3A_284 : vector<64xf32> to vector<64x1xf32>
    %add3A_286 = arith.addf %add3A_223, %broadcast_in_dim3A_285 : vector<64x1xf32>
    %dma_wait3A_287 = arith.constant 0 : i32
    %dma_wait3A_288 = arith.constant 8192 : i32
    %dma_wait3A_289 = arith.constant 0 : i32
    %dma_wait3A_290 = tpu.memref_slice %arg0[%dma_wait3A_287, %dma_wait3A_288, %dma_wait3A_289] : memref<2x10240x128xf32, #tpu.memory_space<any>> -> memref<2x2048x128xf32, #tpu.memory_space<any>>
    tpu.wait_dma2 semaphore(%arg11 : memref<!tpu.dma_semaphore, #tpu.memory_space<semaphore_mem>>) src(%dma_wait3A_290 : memref<2x2048x128xf32, #tpu.memory_space<any>>) dst(%arg9 : memref<2x2048x128xf32, #tpu.memory_space<vmem>>)
    %get3A_291 = arith.constant 0 : index
    %get3A_292 = arith.constant 0 : index
    %get3A_293 = arith.constant 0 : index
    %get3A_294 = vector.load %arg9[%get3A_291, %get3A_292, %get3A_293] : memref<2x2048x128xf32, #tpu.memory_space<vmem>>, vector<1x2048x128xf32>
    %get3A_295 = vector.shape_cast %get3A_294 : vector<1x2048x128xf32> to vector<2048x128xf32>
    %get3A_296 = arith.constant 1 : index
    %get3A_297 = arith.constant 0 : index
    %get3A_298 = arith.constant 0 : index
    %get3A_299 = vector.load %arg9[%get3A_296, %get3A_297, %get3A_298] : memref<2x2048x128xf32, #tpu.memory_space<vmem>>, vector<1x2048x128xf32>
    %get3A_300 = vector.shape_cast %get3A_299 : vector<1x2048x128xf32> to vector<2048x128xf32>
    %add3A_301 = arith.addf %get3A_295, %get3A_300 : vector<2048x128xf32>
    %reduce_sum3A_302 = arith.constant dense<0.000000e+00> : vector<2048xf32>
    %reduce_sum3A_303 = vector.multi_reduction <add>, %add3A_301, %reduce_sum3A_302 [1] : vector<2048x128xf32> to vector<2048xf32>
    %broadcast_in_dim3A_304 = vector.shape_cast %reduce_sum3A_303 : vector<2048xf32> to vector<2048x1xf32>
    %max3A_305 = arith.constant 1.000000e+00 : f32
    %max3A_306 = vector.broadcast %max3A_305 : f32 to vector<2048x1xf32>
    %max3A_307 = arith.maximumf %broadcast_in_dim3A_304, %max3A_306 : vector<2048x1xf32>
    %div3A_308 = vector.broadcast %max3A_307 : vector<2048x1xf32> to vector<2048x128xf32>
    %div3A_309 = arith.divf %add3A_301, %div3A_308 : vector<2048x128xf32>
    %dot_general3A_310 = arith.constant dense<0.000000e+00> : vector<2048x128xf32>
    %dot_general3A_311 = tpu.matmul %div3A_309, %dot_general3A_25, %dot_general3A_310 {dimension_numbers = #tpu.dot_dimension_numbers<[1], [0], [0], [1], [0, 0, 1, 1], [], []>, transpose_lhs_hint = false} : vector<2048x128xf32>, vector<128x128xf32>, vector<2048x128xf32> -> vector<2048x128xf32>
    %get3A_312 = arith.constant 4 : index
    %get3A_313 = arith.constant 0 : index
    %get3A_314 = arith.constant 0 : index
    %get3A_315 = vector.load %arg1[%get3A_312, %get3A_313, %get3A_314] : memref<5x1x2048xi32, #tpu.memory_space<vmem>>, vector<1x1x2048xi32>
    %get3A_316 = vector.shape_cast %get3A_315 : vector<1x1x2048xi32> to vector<1x2048xi32>
    %eq3A_317 = vector.broadcast %iota3A : vector<128x1xi32> to vector<128x2048xi32>
    %eq3A_318 = vector.broadcast %get3A_316 : vector<1x2048xi32> to vector<128x2048xi32>
    %eq3A_319 = arith.cmpi eq, %eq3A_317, %eq3A_318 : vector<128x2048xi32>
    %convert_element_type3A_320 = arith.extui %eq3A_319 : vector<128x2048xi1> to vector<128x2048xi32>
    %convert_element_type3A_321 = arith.sitofp %convert_element_type3A_320 : vector<128x2048xi32> to vector<128x2048xf32>
    %dot_general3A_322 = arith.constant dense<0.000000e+00> : vector<2048x128xf32>
    %dot_general3A_323 = tpu.matmul %convert_element_type3A_321, %dot_general3A_12, %dot_general3A_322 {dimension_numbers = #tpu.dot_dimension_numbers<[0], [0], [1], [1], [0, 1, 1, 1], [], []>, transpose_lhs_hint = false} : vector<128x2048xf32>, vector<128x128xf32>, vector<2048x128xf32> -> vector<2048x128xf32>
    %add3A_324 = arith.addf %dot_general3A_323, %dot_general3A_311 : vector<2048x128xf32>
    %get3A_325 = arith.constant 0 : index
    %get3A_326 = arith.constant 0 : index
    %get3A_327 = vector.load %arg7[%get3A_325, %get3A_326] : memref<8x128xf32, #tpu.memory_space<vmem>>, vector<1x128xf32>
    %add3A_328 = vector.broadcast %get3A_327 : vector<1x128xf32> to vector<2048x128xf32>
    %add3A_329 = arith.addf %add3A_324, %add3A_328 : vector<2048x128xf32>
    %max3A_330 = arith.constant 0.000000e+00 : f32
    %max3A_331 = vector.broadcast %max3A_330 : f32 to vector<2048x128xf32>
    %max3A_332 = arith.maximumf %add3A_329, %max3A_331 : vector<2048x128xf32>
    %get3A_333 = arith.constant 4 : index
    %get3A_334 = arith.constant 0 : index
    %get3A_335 = arith.constant 0 : index
    %get3A_336 = vector.load %arg2[%get3A_333, %get3A_334, %get3A_335] : memref<5x1x2048xi32, #tpu.memory_space<vmem>>, vector<1x1x2048xi32>
    %get3A_337 = vector.shape_cast %get3A_336 : vector<1x1x2048xi32> to vector<1x2048xi32>
    %eq3A_338 = vector.broadcast %iota3A_29 : vector<64x1xi32> to vector<64x2048xi32>
    %eq3A_339 = vector.broadcast %get3A_337 : vector<1x2048xi32> to vector<64x2048xi32>
    %eq3A_340 = arith.cmpi eq, %eq3A_338, %eq3A_339 : vector<64x2048xi32>
    %convert_element_type3A_341 = arith.extui %eq3A_340 : vector<64x2048xi1> to vector<64x2048xi32>
    %convert_element_type3A_342 = arith.sitofp %convert_element_type3A_341 : vector<64x2048xi32> to vector<64x2048xf32>
    %dot_general3A_343 = arith.constant dense<0.000000e+00> : vector<64x128xf32>
    %dot_general3A_344 = tpu.matmul %convert_element_type3A_342, %max3A_332, %dot_general3A_343 {dimension_numbers = #tpu.dot_dimension_numbers<[1], [0], [0], [1], [0, 0, 1, 1], [], []>, transpose_lhs_hint = false} : vector<64x2048xf32>, vector<2048x128xf32>, vector<64x128xf32> -> vector<64x128xf32>
    %add3A_345 = arith.addf %add3A_282, %dot_general3A_344 : vector<64x128xf32>
    %reduce_sum3A_346 = arith.constant dense<0.000000e+00> : vector<64xf32>
    %reduce_sum3A_347 = vector.multi_reduction <add>, %convert_element_type3A_342, %reduce_sum3A_346 [1] : vector<64x2048xf32> to vector<64xf32>
    %broadcast_in_dim3A_348 = vector.shape_cast %reduce_sum3A_347 : vector<64xf32> to vector<64x1xf32>
    %add3A_349 = arith.addf %add3A_286, %broadcast_in_dim3A_348 : vector<64x1xf32>
    %max3A_350 = arith.constant 1.000000e+00 : f32
    %max3A_351 = vector.broadcast %max3A_350 : f32 to vector<64x1xf32>
    %max3A_352 = arith.maximumf %add3A_349, %max3A_351 : vector<64x1xf32>
    %div3A_353 = vector.broadcast %max3A_352 : vector<64x1xf32> to vector<64x128xf32>
    %div3A_354 = arith.divf %add3A_345, %div3A_353 : vector<64x128xf32>
    %swap3A = arith.constant 0 : index
    %swap3A_355 = arith.constant 0 : index
    %swap3A_356 = vector.load %arg8[%swap3A, %swap3A_355] : memref<64x128xf32, #tpu.memory_space<vmem>>, vector<64x128xf32>
    tpu.vector_store %arg8[%swap3A, %swap3A_355], %div3A_354 {strides = array<i32>} : memref<64x128xf32, #tpu.memory_space<vmem>>, vector<64x128xf32>,
    return
  }
}

</mosaic_0001>

<sc_bundles>
// kernel: kernel.4.cloned.1.call-start
scs
__scs_entry_jumppad:
0x0: {  	(pc) =	sbr.rel $0x88, $3  }
0x1: {  	(tag) =	ssettag $0x0;
	lr =	simm.s32 $0x1  }
0x2: {  	[smem:$0x3F99] =	sst lr;
	_ =	strace $0xD0000000  }
0x3: {  	_ = 	snop  }
0x4: {  	_ = 	snop  }
0x5: {  	_ = 	snop  }
0x6: {  	_ = 	snop  }
0x7: {  	_ = 	snop  }
__scs_overlays_trampoline_lowered:
0x8: {  	[smem:$0x3FA8] =	sst s0  }
0x9: {  	[smem:$0x3FA9] =	sst s1  }
0xa: {  	[smem:$0x3FAA] =	sst s2  }
0xb: {  	[smem:$0x3FAB] =	sst s3  }
0xc: {  	[smem:$0x3FAC] =	sst s4  }
0xd: {  	[smem:$0x3FAD] =	sst s5  }
0xe: {  	[smem:$0x3FAE] =	sst s6  }
0xf: {  	[smem:$0x3FAF] =	sst s7  }
0x10: {  	[smem:$0x3FB0] =	sst s8  }
0x11: {  	[smem:$0x3FB1] =	sst s9;
	s0 =	simm.s32 @!p0 $0x0  }
0x12: {  	s1 =	sld [smem:$0x3F97];
	s0 =	simm.s32 @p0 $0x1  }
0x13: {  	[smem:$0x3FB2] =	sst s0;
	s0 =	simm.s32 @!p1 $0x0  }
0x14: {  	s2 =	sld [smem:$0x3F96];
	s0 =	simm.s32 @p1 $0x1  }
0x15: {  	[smem:$0x3FB3] =	sst s0;
	s0 =	simm.s32 @!p2 $0x0  }
0x16: {  	s3 =	sld [smem:$0x3FDB];
	s0 =	simm.s32 @p2 $0x1  }
0x17: {  	s4 =	simm.s32 $0x1BF5;
	[smem:$0x3FB5] =	sst s0  }
0x18: {  	s0 =	sld [smem:$0x3F98];
	_ =	swait.ge [sflag:s4], $0x0  }
0x19: {  	s7 =	sld [smem:$0x3F99]  }
0x1a: {  	s8 =	sadd.s32 $0xFFFFE003, lr  }
0x1b: {  	s9 =	sadd.s32 $0xFFFFFEF7, lr;
	s5 =	simm.s32 $0xFFFFFFFF;
	p2 =	slt.u32 s8, $0xFFFFF086  }
0x1c: {  	p1 =	slt.u32 s9, $0xF7A;
	s5 =	simm.s32 @!p2 $0x0  }
0x1d: {  	s5 =	simm.s32 @p1 $0x1;
	p0 =	seq.s32 s7, s2  }
0x1e: {  	s7 =	smul.u32 @!p0 $0xF7A, s2;
	p2 =	seq.s32 @!p0 s5, $0x0  }
0x1f: {  	s9 =	smul.u32 $0xF7A, s1;
	s8 =	simm.s32 @!p0 $0x1BF5;
	p2 =	por !p2, p0  }
0x20: {  	[sflag:s8] =	ssyncset.s32 @!p0 $0xFFFFF086;
	s6 =	sadd.s32 @!p0 s3, s7;
	s7 =	simm.s32 @!p0 $0x108  }
0x21: {  	s3 =	sadd.s32 s3, s9;
	s6 =	sadd.s32 @!p0 $0x88, s6;
	s7 =	simm.s32 @p2 $0x1082  }
0x22: {  	[simem:s7], [sflag:s8] =	dma.local @!p0 [hbm:s6], $0xF7A  }
0x23: {  	s9 =	sor.u32 $0xD0000000, s2;
	s6 =	simm.s32 $0x108;
	_ =	swait.ge @!p0 [sflag:s8], $0x0  }
0x24: {  	s3 =	sadd.s32 $0x88, s3;
	s6 =	simm.s32 @!p1 $0x1082;
	[sflag:s4] =	ssyncset.s32 $0xFFFFF086  }
0x25: {  	[simem:s6], [sflag:s4] =	dma.local [hbm:s3], $0xF7A  }
0x26: {  	[smem:$0x3F99] =	sst s1;
	(tag) =	ssettag s2;
	_ =	strace s9  }
0x27: {  	s1 =	sld [smem:$0x3FA9]  }
0x28: {  	s2 =	sld [smem:$0x3FAA]  }
0x29: {  	s4 =	sld [smem:$0x3FAC]  }
0x2a: {  	p0 =	seq.s32 s5, $0x0;
	s5 =	sld [smem:$0x3FAD]  }
0x2b: {  	s6 =	sld [smem:$0x3FAE]  }
0x2c: {  	s7 =	sld [smem:$0x3FAF]  }
0x2d: {  	s3 =	simm.s32 $0x108;
	s8 =	sld [smem:$0x3FB0]  }
0x2e: {  	s3 =	simm.s32 @!p0 $0x1082;
	s9 =	sld [smem:$0x3FB1]  }
0x2f: {  	lr =	sadd.s32 s0, s3;
	s0 =	sld [smem:$0x3FA8]  }
0x30: {  	s3 =	sld [smem:$0x3FAB]  }
0x31: {  	[smem:$0x3FB4] =	sst s10  }
0x32: {  	s10 =	sld [smem:$0x3FB2];
	_ =	sdelay $0x3  }
0x33: {  	p0 =	seq.s32 s10, $0x1;
	s10 =	sld [smem:$0x3FB4];
	_ =	sdelay $0x3  }
0x34: {  	[smem:$0x3FB4] =	sst s10  }
0x35: {  	s10 =	sld [smem:$0x3FB3];
	_ =	sdelay $0x3  }
0x36: {  	p1 =	seq.s32 s10, $0x1;
	s10 =	sld [smem:$0x3FB4];
	_ =	sdelay $0x3  }
0x37: {  	[smem:$0x3FB4] =	sst s10  }
0x38: {  	s10 =	sld [smem:$0x3FB5]  }
0x39: {  	_ = 	snop;
	(pc) =	sbr.ind lr, $3  }
0x3a: {  	_ = 	snop  }
0x3b: {  	_ = 	snop  }
0x3c: {  	p2 =	seq.s32 s10, $0x1;
	s10 =	sld [smem:$0x3FB4]  }
0x3d: {  	_ =	shalt  }
0x3e: {  	_ =	shalt  }
0x3f: {  	_ =	shalt  }
0x40: {  	_ =	shalt  }
0x41: {  	_ =	shalt  }
0x42: {  	_ =	shalt  }
0x43: {  	_ =	shalt  }
0x44: {  	_ =	shalt  }
0x45: {  	_ =	shalt  }
0x46: {  	_ =	shalt  }
0x47: {  	_ =	shalt  }
0x48: {  	_ =	shalt  }
0x49: {  	_ =	shalt  }
0x4a: {  	_ =	shalt  }
0x4b: {  	_ =	shalt  }
0x4c: {  	_ =	shalt  }
0x4d: {  	_ =	shalt  }
0x4e: {  	_ =	shalt  }
0x4f: {  	_ =	shalt  }
0x50: {  	_ =	shalt  }
0x51: {  	_ =	shalt  }
0x52: {  	_ =	shalt  }
0x53: {  	_ =	shalt  }
0x54: {  	_ =	shalt  }
0x55: {  	_ =	shalt  }
0x56: {  	_ =	shalt  }
0x57: {  	_ =	shalt  }
0x58: {  	_ =	shalt  }
0x59: {  	_ =	shalt  }
0x5a: {  	_ =	shalt  }
0x5b: {  	_ =	shalt  }
0x5c: {  	_ =	shalt  }
0x5d: {  	_ =	shalt  }
0x5e: {  	_ =	shalt  }
0x5f: {  	_ =	shalt  }
0x60: {  	_ =	shalt  }
0x61: {  	_ =	shalt  }
0x62: {  	_ =	shalt  }
0x63: {  	_ =	shalt  }
0x64: {  	_ =	shalt  }
0x65: {  	_ =	shalt  }
0x66: {  	_ =	shalt  }
0x67: {  	_ =	shalt  }
0x68: {  	_ =	shalt  }
0x69: {  	_ =	shalt  }
0x6a: {  	_ =	shalt  }
0x6b: {  	_ =	shalt  }
0x6c: {  	_ =	shalt  }
0x6d: {  	_ =	shalt  }
0x6e: {  	_ =	shalt  }
0x6f: {  	_ =	shalt  }
0x70: {  	_ =	shalt  }
0x71: {  	_ =	shalt  }
0x72: {  	_ =	shalt  }
0x73: {  	_ =	shalt  }
0x74: {  	_ =	shalt  }
0x75: {  	_ =	shalt  }
0x76: {  	_ =	shalt  }
0x77: {  	_ =	shalt  }
0x78: {  	_ =	shalt  }
0x79: {  	_ =	shalt  }
0x7a: {  	_ =	shalt  }
0x7b: {  	_ =	shalt  }
0x7c: {  	_ =	shalt  }
0x7d: {  	_ =	shalt  }
0x7e: {  	_ =	shalt  }
0x7f: {  	_ =	shalt  }
0x80: {  	_ =	shalt  }
0x81: {  	_ =	shalt  }
0x82: {  	_ =	shalt  }
0x83: {  	_ =	shalt  }
0x84: {  	_ =	shalt  }
0x85: {  	_ =	shalt  }
0x86: {  	_ =	shalt  }
0x87: {  	_ =	shalt  }
.Lfunc_end0:
.L_simem_size_0:
called_computation_lowered:
.L_overlay_start_0:
0x88: {  	s2 =	sld [smem:$0x3FD9]  }
0x89: {  	s3 =	sld [smem:$0x3FFE];
	_ =	sdelay $0x1  }
0x8a: {  	s1 =	srdreg.scid  }
0x8b: {  	s0 =	sand.u32 $0x1, s1  }
0x8c: {  	s16 =	sshll.u32 s0, $0xA;
	s2 =	sadd.s32 s3, s2  }
0x8d: {  	s2 =	sadd.s32 s2, s16  }
0x8e: {  	[smem:$0x3FC0] =	sst s2  }
0x8f: {  	_ = 	snop  }
0x90: {  	(tm) =	ssettm $0x1  }
0x91: {  	s17 =	sld [smem:$0x3FFB];
	_ =	sdelay $0x3  }
0x92: {  	_ =	strace s17  }
0x93: {  	s2 =	sld [smem:$0x3FFC];
	_ =	sdelay $0x3  }
0x94: {  	_ =	strace s2  }
0x95: {  	s2 =	sld [smem:$0x3FFD];
	_ =	sdelay $0x3  }
0x96: {  	_ =	strace s2  }
0x97: {  	_ =	strace $0x8FFFFFFF  }
0x98: {  	s18 =	sld [smem:$0x3FDB];
	_ =	sdelay $0x1  }
0x99: {  	s19 =	simm.s32 $_scs_section_size  }
0x9a: {  	s4 =	simm.s32 $_size__tile_overlayer_lowered;
	s5 =	simm.s32 $_tile_overlayer_lowered  }
0x9b: {  	s22 =	simm.s32 $0x1BFF;
	s21 =	sshll.u32 s5, $0x1;
	s2 =	sadd.s32 s19, s18  }
0x9c: {  	s6 =	simm.s32 $0x0;
	s20 =	sshll.u32 s4, $0x1;
	s4 =	sadd.s32 s21, s2  }
0x9d: {  	[timem:s6], [sflag:s22] =	dma.local [hbm:s4], s20  }
0x9e: {  	_ =	swait.ge [sflag:s22], s20  }
0x9f: {  	s3 =	ssub.s32 $0x0, s20;
	[sflag:s22] =	ssyncset.done $0x0  }
0xa0: {  	[sflag:s22] =	ssyncadd.s32 s3;
	_ =	sdelay $0x1  }
0xa1: {  	s23 =	simm.s32 $0x1B8B  }
0xa2: {  	_ =	swait.ge [sflag:s23], $0x1  }
0xa3: {  	[sflag:s23] =	ssyncset.done $0x0  }
0xa4: {  	s25 =	simm.s32 $0x1B8E;
	s24 =	sld [smem:$0x3FFE];
	[sflag:s23] =	ssyncadd.s32 $0xFFFFFFFF  }
0xa5: {  	s26 =	simm.s32 $execute0_lowered;
	[smem:$0x3FD2] =	sst s25  }
0xa6: {  	s4 =	sshll.u32 s26, $0x1;
	_ =	strace $0x80000046;
	[dreg:$0x1] =	wrdreg $0xFFFFFFFF  }
0xa7: {  	s28 =	simm.s32 $_size_execute0_lowered;
	s2 =	sadd.s32 s2, s4;
	[dreg:$0x0] =	wrdreg $0x0  }
0xa8: {  	s4 =	sshll.u32 s28, $0x1;
	[dreg:$0x2] =	wrdreg s2  }
0xa9: {  	[dreg:$0x3] =	wrdreg s4  }
0xaa: {  	[dreg:$0x4] =	wrdreg $0xC0  }
0xab: {  	_ =	task [dreg:s6], $0x5FFFF  }
0xac: {  	[dreg:$0x1] =	wrdreg $0xFFFFFFFF  }
0xad: {  	[dreg:$0x0] =	wrdreg $0x60  }
0xae: {  	[dreg:$0x2] =	wrdreg s24  }
0xaf: {  	[dreg:$0x3] =	wrdreg $0x36800  }
0xb0: {  	[dreg:$0x4] =	wrdreg $0x34000  }
0xb1: {  	[dreg:$0x5] =	wrdreg $0x9  }
0xb2: {  	_ =	task.clear_ibuf [dreg:s6], $0x6FFFF;
	_ =	strace $0x90000046  }
0xb3: {  	s29 =	simm.s32 $0x9;
	_ =	strace $0x80000048  }
0xb4: {  	_ =	swait.ge [sflag:s29], $0x1  }
0xb5: {  	[sflag:s29] =	ssyncadd.s32 $0xFFFFFFFF  }
0xb6: {  	_ =	strace $0x90000048  }
0xb7: {  	_ =	sfence  }
0xb8: {  	s30 =	sld [smem:$0x0];
	_ =	sdelay $0x2  }
0xb9: {  	s31 =	sshll.u32 s1, $0xD;
	s1 =	sshrl.u32 s1, $0x2  }
0xba: {  	s3 =	sand.u32 $0x4000, s31;
	s1 =	sadd.s32 s1, s30  }
0xbb: {  	s0 =	sor.u32 s3, s0;
	s1 =	sshll.u32 s1, $0x11  }
0xbc: {  	s0 =	sor.u32 s1, s0  }
0xbd: {  	s0 =	sadd.s32 $0x8F2B, s0  }
0xbe: {  	[sflag:s0] =	ssyncadd.remote.s32 $0x1  }
0xbf: {  	_ =	sfence.sel $0xFFFF  }
0xc0: {  	[dreg:$0x0] =	wrdreg $0xFFFFFFFF;
	(pc) =	sbr.abs _section_cstart, $3  }
0xc1: {  	[dreg:$0x1] =	wrdreg $0xFFFFFFFF  }
0xc2: {  	_ =	task.clear_ibuf [dreg:s6], $0x2FFFF;
	_ =	strace $0x9FFFFFFF  }
0xc3: {  	(tm) =	ssettm $0x7FFFFFFF  }
tec
execute0_lowered:
.L_overlay_start_1:
0x0: {  	(tag) =	ssettag $0x1  }
0x1: {  	s12 =	stileid.u32  }
0x2: {  	s0 =	rddreg [dreg:$0x0];
	s1 =	smul.u32 $0x280, s12  }
0x3: {  	s2 =	rddreg [dreg:$0x1];
	s5 =	smul.u32 $0xA000, s12  }
0x4: {  	s3 =	rddreg [dreg:$0x2];
	s8 =	sshrl.u32 s1, $0x3  }
0x5: {  	s4 =	simm.s32 $0x0;
	s5 =	sshrl.u32 s5, $0x3;
	s8 =	sadd.s32 s8, s0  }
0x6: {  	[smem:$0x7FF] =	sst s4;
	s11 =	sadd.s32 s5, s0;
	s13 =	sadd.s32 $0x1400, s8  }
0x7: {  	_ =	strace $0x80000047;
	s15 =	sadd.s32 $0x1A00, s11;
	[dreg:$0x4] =	wrdreg s13  }
0x8: {  	s16 =	sadd.s32 $0x1A10, s11;
	[dreg:$0x5] =	wrdreg s15  }
0x9: {  	s17 =	sadd.s32 $0x1B00, s11;
	[dreg:$0x6] =	wrdreg s16  }
0xa: {  	s6 =	srdreg.scid;
	s18 =	sadd.s32 $0x1B10, s11;
	[dreg:$0x7] =	wrdreg s17  }
0xb: {  	s6 =	sand.u32 $0x1, s6;
	s19 =	sadd.s32 $0x1C00, s11;
	[dreg:$0x8] =	wrdreg s18  }
0xc: {  	s7 =	smul.u32 $0x14000, s12;
	s20 =	sadd.s32 $0x1C10, s11;
	[dreg:$0x9] =	wrdreg s19  }
0xd: {  	s9 =	smul.u32 $0x140000, s6;
	s21 =	sadd.s32 $0x1D00, s11;
	[dreg:$0xa] =	wrdreg s20  }
0xe: {  	s10 =	ssub.s32 $0x2, s6;
	s22 =	sadd.s32 $0x1D10, s11;
	[dreg:$0xb] =	wrdreg s21  }
0xf: {  	s31 =	sshrl.u32 s10, $0x1;
	s23 =	sadd.s32 $0x1E00, s11;
	[dreg:$0xc] =	wrdreg s22  }
0x10: {  	s9 =	sadd.s32 s7, s9;
	s24 =	sadd.s32 $0x1E10, s11;
	[dreg:$0xd] =	wrdreg s23  }
0x11: {  	s26 =	sshrl.u32 s9, $0x3;
	s25 =	sadd.s32 $0x1F00, s11;
	[dreg:$0xe] =	wrdreg s24  }
0x12: {  	s9 =	ssub.s32 s10, s31;
	s31 =	sadd.s32 $0x2000, s11;
	[dreg:$0xf] =	wrdreg s25  }
0x13: {  	s8 =	sadd.s32 $0x2010, s11;
	[dreg:$0x11] =	wrdreg s31  }
0x14: {  	s14 =	sshll.u32 s12, $0x6;
	s10 =	sadd.s32 $0x2100, s11;
	[dreg:$0x12] =	wrdreg s8  }
0x15: {  	s5 =	sadd.s32 s7, s2;
	s12 =	sadd.s32 $0x2110, s11;
	[dreg:$0x13] =	wrdreg s10  }
0x16: {  	s7 =	sor.u32 $0x1C05, s14;
	s14 =	sadd.s32 $0x2210, s11;
	[dreg:$0x14] =	wrdreg s12  }
0x17: {  	s0 =	sadd.s32 s26, s0;
	s26 =	sadd.s32 $0x1F10, s11;
	[dreg:$0x16] =	wrdreg s14  }
0x18: {  	s13 =	sadd.s32 $0x2200, s11;
	[dreg:$0x10] =	wrdreg s26  }
0x19: {  	s15 =	sadd.s32 $0x2300, s11;
	[dreg:$0x15] =	wrdreg s13  }
0x1a: {  	s16 =	sadd.s32 $0x2310, s11;
	[dreg:$0x17] =	wrdreg s15  }
0x1b: {  	s17 =	sadd.s32 $0x2400, s11;
	[dreg:$0x18] =	wrdreg s16  }
0x1c: {  	s18 =	sadd.s32 $0x2410, s11;
	[dreg:$0x19] =	wrdreg s17  }
0x1d: {  	s19 =	sadd.s32 $0x2500, s11;
	[dreg:$0x1a] =	wrdreg s18  }
0x1e: {  	s20 =	sadd.s32 $0x2510, s11;
	[dreg:$0x1b] =	wrdreg s19  }
0x1f: {  	s21 =	sadd.s32 $0x2600, s11;
	[dreg:$0x1c] =	wrdreg s20  }
0x20: {  	s22 =	sadd.s32 $0x2610, s11;
	[dreg:$0x1d] =	wrdreg s21  }
0x21: {  	s23 =	sadd.s32 $0x2700, s11;
	[dreg:$0x1e] =	wrdreg s22  }
0x22: {  	s24 =	sadd.s32 $0x2710, s11;
	[dreg:$0x1f] =	wrdreg s23  }
0x23: {  	s25 =	sadd.s32 $0x2800, s11;
	[smem:$0x7E7] =	sst s24  }
0x24: {  	s31 =	sadd.s32 $0x2900, s11;
	[smem:$0x7E8] =	sst s25  }
0x25: {  	s8 =	sadd.s32 $0x2910, s11;
	[smem:$0x7EA] =	sst s31  }
0x26: {  	s10 =	sadd.s32 $0x2A00, s11;
	[smem:$0x7EB] =	sst s8  }
0x27: {  	s12 =	sadd.s32 $0x2A10, s11;
	[smem:$0x7EC] =	sst s10  }
0x28: {  	s14 =	sadd.s32 $0x2B10, s11;
	[smem:$0x7ED] =	sst s12  }
0x29: {  	s26 =	sadd.s32 $0x2810, s11;
	[smem:$0x7EF] =	sst s14  }
0x2a: {  	s13 =	sadd.s32 $0x2B00, s11;
	[smem:$0x7E9] =	sst s26  }
0x2b: {  	s15 =	sadd.s32 $0x2C00, s11;
	[smem:$0x7EE] =	sst s13  }
0x2c: {  	s16 =	sadd.s32 $0x2C10, s11;
	[smem:$0x7F0] =	sst s15  }
0x2d: {  	s28 =	simm.s32 $0x1000;
	s17 =	sadd.s32 $0x2D00, s11;
	[smem:$0x7F1] =	sst s16  }
0x2e: {  	s29 =	simm.s32 $0x3000;
	s18 =	sadd.s32 $0x2D10, s11;
	[smem:$0x7F2] =	sst s17  }
0x2f: {  	s30 =	simm.s32 $0x4;
	s0 =	sadd.s32 $0x15A00, s0;
	[smem:$0x7F3] =	sst s18  }
0x30: {  	s1 =	sadd.s32 s1, s3;
	s19 =	smax.u32 s9, $0x1;
	[smem:$0x7F4] =	sst s0  }
0x31: {  	p0 =	seq.s32 s6, $0x1;
	s20 =	sshrl.u32 s1, $0x3;
	[smem:$0x7F5] =	sst s19  }
0x32: {  	s6 =	simm.s32 $0x2800;
	s21 =	sadd.s32 $0x1400, s5;
	[smem:$0x7F6] =	sst s20  }
0x33: {  	s22 =	sadd.s32 $0x2800, s5;
	s23 =	sadd.s32 $0x3C00, s5;
	[smem:$0x7F7] =	sst s21  }
0x34: {  	s24 =	sadd.s32 $0x5000, s5;
	s25 =	sadd.s32 $0x6400, s5;
	[smem:$0x7F8] =	sst s22  }
0x35: {  	s31 =	sadd.s32 $0x8C00, s5;
	s8 =	sadd.s32 $0xA000, s5;
	[smem:$0x7F9] =	sst s23  }
0x36: {  	s9 =	sadd.s32 $0xB400, s5;
	s10 =	sadd.s32 $0xC800, s5;
	[smem:$0x7FA] =	sst s24  }
0x37: {  	s11 =	sadd.s32 $0xDC00, s5;
	s12 =	sadd.s32 $0xF000, s5;
	[smem:$0x7FB] =	sst s25  }
0x38: {  	s14 =	sadd.s32 $0x11800, s5;
	s26 =	sadd.s32 $0x7800, s5;
	[smem:$0x7FD] =	sst s31  }
.Ltmp0:
0x39: {  	s13 =	sadd.s32 $0x10400, s5;
	s15 =	sadd.s32 $0x12C00, s5;
	(pc) =	sbr.rel .LBB2_1-.Ltmp0, $4  }
0x3a: {  	s16 =	simm.s32 $0x1400;
	s17 =	simm.s32 $0x5;
	s18 =	simm.s32 $0x2  }
0x3b: {  	s19 =	simm.s32 $0x80;
	s20 =	simm.s32 $0x100;
	s21 =	simm.s32 $0x400  }
0x3c: {  	s22 =	simm.s32 $0x1;
	s23 =	simm.s32 $0x2C00;
	s24 =	simm.s32 $0x800  }
0x3d: {  	v0 =	vimm.f32 $0.0e+00;
	v1 =	vimm.f32 $1.000000000e+00;
	s25 =	simm.s32 $0x3;
	[smem:$0x7FC] =	sst s26;
	s26 =	simm.s32 $0xC00  }
.LBB2_30:
0x3e: {  	v2 =	vshll.u32 v2, $0x7  }
0x3f: {  	v2 =	vadd.s32 v3, v2  }
0x40: {  	[tilespmem:s31+$0x3000] =	vst v2  }
.LBB2_48:
0x41: {  	[spmem:s2] =	stream.indirect.scatter.add.f32 [tilespmem:s28], [sflag:$0x4], $0x1, s29, s21, $0xb8;
	[tilespmem:$0x17680] =	vst v63  }
0x42: {  	_ =	swait.ge [sflag:s30], $0x400  }
0x43: {  	[sflag:s30] =	ssyncset.done $0x0  }
0x44: {  	[sflag:s30] =	ssyncadd.s32 $0xFFFFFC00  }
0x45: {  	_ =	swait.ge [sflag:s30], $0x400  }
0x46: {  	[sflag:s30] =	ssyncset.done $0x0  }
0x47: {  	[sflag:s30] =	ssyncadd.s32 $0xFFFFFC00  }
0x48: {  	[bflag:$0x0] =	sbarrier.arrive $0xFFFF  }
0x49: {  	s1 =	sld [smem:$0x7F4];
	_ =	sdelay $0x1  }
0x4a: {  	s0 =	sshrl.u32 s5, $0x3  }
0x4b: {  	[hbm:s1], [sflag:s7] =	dma.local [spmem:s0], $0x2800  }
0x4c: {  	_ =	swait.ge [sflag:s17], $0x2800  }
0x4d: {  	s31 =	sld [smem:$0x7F5];
	_ =	sdelay $0x1  }
0x4e: {  	s4 =	sadd.s32 $0x1, s4  }
0x4f: {  	p1 =	sne.s32 s4, s31  }
.Ltmp1:
0x50: {  	_ = 	snop;
	(pc) =	sbr.rel @!p1 .LBB2_49-.Ltmp1, $3  }
0x51: {  	_ =	sdelay $0x1  }
0x52: {  	[sflag:s17] =	ssyncset.done $0x0  }
0x53: {  	[sflag:s17] =	ssyncadd.s32 $0xFFFFD800  }
.LBB2_1:
0x54: {  	s0 =	simm.s32 $0x40;
	s31 =	simm.s32 $0x0  }
.LBB2_2:
0x55: {  	p1 =	sne.s32 s0, $0x4FC0;
	[tilespmem:s31+$0x1400] =	vst v0;
	s31 =	smov.u32 s0;
	s0 =	sadd.s32 $0x40, s0  }
.Ltmp2:
0x56: {  	(pc) =	sbr.rel @p1 .LBB2_2-.Ltmp2, $2  }
0x57: {  	_ =	sdelay $0x2  }
0x58: {  	s31 =	sshra.s32 s31, $0x2  }
0x59: {  	[tilespmem:s31+$0x1400] =	vst v0;
	s0 =	sld [smem:$0x7F7]  }
0x5a: {  	[spmem:s5] =	stream.linear.scatter [tilespmem:s16], [sflag:$0x2], $0x1400, $0x38;
	[tilespmem:$0x17680] =	vst v63  }
0x5b: {  	s1 =	sld [smem:$0x7F8]  }
0x5c: {  	[spmem:s0] =	stream.linear.scatter [tilespmem:s16], [sflag:$0x2], $0x1400, $0x38;
	[tilespmem:$0x17680] =	vst v63  }
0x5d: {  	_ = 	snop  }
0x5e: {  	[spmem:s1] =	stream.linear.scatter [tilespmem:s16], [sflag:$0x2], $0x1400, $0x38;
	[tilespmem:$0x17680] =	vst v63  }
0x5f: {  	s1 =	sld [smem:$0x7F9];
	_ =	sdelay $0x2  }
0x60: {  	[spmem:s1] =	stream.linear.scatter [tilespmem:s16], [sflag:$0x2], $0x1400, $0x38;
	[tilespmem:$0x17680] =	vst v63  }
0x61: {  	s1 =	sld [smem:$0x7FA];
	_ =	sdelay $0x2  }
0x62: {  	[spmem:s1] =	stream.linear.scatter [tilespmem:s16], [sflag:$0x2], $0x1400, $0x38;
	[tilespmem:$0x17680] =	vst v63  }
0x63: {  	s1 =	sld [smem:$0x7FB];
	_ =	sdelay $0x2  }
0x64: {  	[spmem:s1] =	stream.linear.scatter [tilespmem:s16], [sflag:$0x2], $0x1400, $0x38;
	[tilespmem:$0x17680] =	vst v63  }
0x65: {  	s1 =	sld [smem:$0x7FC];
	_ =	sdelay $0x2  }
0x66: {  	[spmem:s1] =	stream.linear.scatter [tilespmem:s16], [sflag:$0x2], $0x1400, $0x38;
	[tilespmem:$0x17680] =	vst v63  }
0x67: {  	s1 =	sld [smem:$0x7FD];
	_ =	sdelay $0x2  }
0x68: {  	[spmem:s1] =	stream.linear.scatter [tilespmem:s16], [sflag:$0x2], $0x1400, $0x38;
	[tilespmem:$0x17680] =	vst v63  }
0x69: {  	_ = 	snop  }
0x6a: {  	[spmem:s8] =	stream.linear.scatter [tilespmem:s16], [sflag:$0x2], $0x1400, $0x38;
	[tilespmem:$0x17680] =	vst v63  }
0x6b: {  	_ = 	snop  }
0x6c: {  	[spmem:s9] =	stream.linear.scatter [tilespmem:s16], [sflag:$0x2], $0x1400, $0x38;
	[tilespmem:$0x17680] =	vst v63  }
0x6d: {  	_ = 	snop  }
0x6e: {  	[spmem:s10] =	stream.linear.scatter [tilespmem:s16], [sflag:$0x2], $0x1400, $0x38;
	[tilespmem:$0x17680] =	vst v63  }
0x6f: {  	_ = 	snop  }
0x70: {  	[spmem:s11] =	stream.linear.scatter [tilespmem:s16], [sflag:$0x2], $0x1400, $0x38;
	[tilespmem:$0x17680] =	vst v63  }
0x71: {  	_ = 	snop  }
0x72: {  	[spmem:s12] =	stream.linear.scatter [tilespmem:s16], [sflag:$0x2], $0x1400, $0x38;
	[tilespmem:$0x17680] =	vst v63  }
0x73: {  	_ = 	snop  }
0x74: {  	[spmem:s13] =	stream.linear.scatter [tilespmem:s16], [sflag:$0x2], $0x1400, $0x38;
	[tilespmem:$0x17680] =	vst v63  }
0x75: {  	s1 =	sld [smem:$0x7F6]  }
0x76: {  	[spmem:s14] =	stream.linear.scatter [tilespmem:s16], [sflag:$0x2], $0x1400, $0x38;
	[tilespmem:$0x17680] =	vst v63  }
0x77: {  	s0 =	rddreg [dreg:$0x4]  }
0x78: {  	[spmem:s15] =	stream.linear.scatter [tilespmem:s16], [sflag:$0x2], $0x1400, $0x38;
	[tilespmem:$0x17680] =	vst v63  }
0x79: {  	[spmem:s1], [sflag:s7] =	dma.local [hbm:s0], $0x50  }
0x7a: {  	_ =	swait.ge [sflag:s17], $0x50  }
0x7b: {  	[sflag:s17] =	ssyncset.done $0x0  }
0x7c: {  	s31 =	simm.s32 $0x0;
	s0 =	simm.s32 $0x40;
	[sflag:s17] =	ssyncadd.s32 $0xFFFFFFB0  }
.LBB2_4:
0x7d: {  	p1 =	sne.s32 s0, $0xFC0;
	[tilespmem:s31+$0x1000] =	vst v1;
	s31 =	smov.u32 s0;
	s0 =	sadd.s32 $0x40, s0  }
.Ltmp3:
0x7e: {  	(pc) =	sbr.rel @p1 .LBB2_4-.Ltmp3, $2  }
0x7f: {  	_ =	sdelay $0x2  }
0x80: {  	s31 =	sshra.s32 s31, $0x2  }
0x81: {  	[tilespmem:s31+$0x1000] =	vst v1  }
0x82: {  	_ =	swait.ge [sflag:s18], $0x1400  }
0x83: {  	[sflag:s18] =	ssyncset.done $0x0  }
0x84: {  	[sflag:s18] =	ssyncadd.s32 $0xFFFFEC00  }
0x85: {  	_ =	swait.ge [sflag:s18], $0x1400  }
0x86: {  	[sflag:s18] =	ssyncset.done $0x0  }
0x87: {  	[sflag:s18] =	ssyncadd.s32 $0xFFFFEC00  }
0x88: {  	_ =	swait.ge [sflag:s18], $0x1400  }
0x89: {  	[sflag:s18] =	ssyncset.done $0x0  }
0x8a: {  	[sflag:s18] =	ssyncadd.s32 $0xFFFFEC00  }
0x8b: {  	_ =	swait.ge [sflag:s18], $0x1400  }
0x8c: {  	[sflag:s18] =	ssyncset.done $0x0  }
0x8d: {  	[sflag:s18] =	ssyncadd.s32 $0xFFFFEC00  }
0x8e: {  	_ =	swait.ge [sflag:s18], $0x1400  }
0x8f: {  	[sflag:s18] =	ssyncset.done $0x0  }
0x90: {  	[sflag:s18] =	ssyncadd.s32 $0xFFFFEC00  }
0x91: {  	_ =	swait.ge [sflag:s18], $0x1400  }
0x92: {  	[sflag:s18] =	ssyncset.done $0x0  }
0x93: {  	[sflag:s18] =	ssyncadd.s32 $0xFFFFEC00  }
0x94: {  	_ =	swait.ge [sflag:s18], $0x1400  }
0x95: {  	[sflag:s18] =	ssyncset.done $0x0  }
0x96: {  	[sflag:s18] =	ssyncadd.s32 $0xFFFFEC00  }
0x97: {  	_ =	swait.ge [sflag:s18], $0x1400  }
0x98: {  	[sflag:s18] =	ssyncset.done $0x0  }
0x99: {  	[sflag:s18] =	ssyncadd.s32 $0xFFFFEC00  }
0x9a: {  	_ =	swait.ge [sflag:s18], $0x1400  }
0x9b: {  	[sflag:s18] =	ssyncset.done $0x0  }
0x9c: {  	[sflag:s18] =	ssyncadd.s32 $0xFFFFEC00  }
0x9d: {  	_ =	swait.ge [sflag:s18], $0x1400  }
0x9e: {  	[sflag:s18] =	ssyncset.done $0x0  }
0x9f: {  	[sflag:s18] =	ssyncadd.s32 $0xFFFFEC00  }
0xa0: {  	_ =	swait.ge [sflag:s18], $0x1400  }
0xa1: {  	[sflag:s18] =	ssyncset.done $0x0  }
0xa2: {  	[sflag:s18] =	ssyncadd.s32 $0xFFFFEC00  }
0xa3: {  	_ =	swait.ge [sflag:s18], $0x1400  }
0xa4: {  	[sflag:s18] =	ssyncset.done $0x0  }
0xa5: {  	[sflag:s18] =	ssyncadd.s32 $0xFFFFEC00  }
0xa6: {  	_ =	swait.ge [sflag:s18], $0x1400  }
0xa7: {  	[sflag:s18] =	ssyncset.done $0x0  }
0xa8: {  	[sflag:s18] =	ssyncadd.s32 $0xFFFFEC00  }
0xa9: {  	_ =	swait.ge [sflag:s18], $0x1400  }
0xaa: {  	[sflag:s18] =	ssyncset.done $0x0  }
0xab: {  	[sflag:s18] =	ssyncadd.s32 $0xFFFFEC00  }
0xac: {  	_ =	swait.ge [sflag:s18], $0x1400  }
0xad: {  	[sflag:s18] =	ssyncset.done $0x0  }
0xae: {  	[sflag:s18] =	ssyncadd.s32 $0xFFFFEC00  }
.Ltmp4:
0xaf: {  	_ =	swait.ge [sflag:s18], $0x1400;
	(pc) =	sbr.rel @!p0 .LBB2_6-.Ltmp4, $4  }
0xb0: {  	[sflag:s18] =	ssyncset.done $0x0  }
0xb1: {  	[sflag:s18] =	ssyncadd.s32 $0xFFFFEC00  }
0xb2: {  	[bflag:$0x0] =	sbarrier.arrive $0xFFFF  }
0xb3: {  	s0 =	simm.s32 $0x0  }
0xb4: {  	s1 =	rddreg [dreg:$0x1d]  }
0xb5: {  	[tilespmem:s0], [sflag:$0x1] =	stream.strided.gather [hbm4b:s1+s19], $0x400, s20, s19, $0x38;
	[tilespmem:$0x17680] =	vst v63  }
0xb6: {  	s1 =	rddreg [dreg:$0x1e]  }
0xb7: {  	[tilespmem:s21], [sflag:$0x1] =	stream.strided.gather [hbm4b:s1+s19], $0x400, s20, s19, $0x38;
	[tilespmem:$0x17680] =	vst v63  }
0xb8: {  	_ =	swait.ge [sflag:s22], $0x400  }
0xb9: {  	[sflag:s22] =	ssyncset.done $0x0  }
0xba: {  	[sflag:s22] =	ssyncadd.s32 $0xFFFFFC00  }
0xbb: {  	_ =	swait.ge [sflag:s22], $0x400  }
0xbc: {  	[sflag:s22] =	ssyncset.done $0x0  }
0xbd: {  	s1 =	rddreg [dreg:$0x1f];
	[sflag:s22] =	ssyncadd.s32 $0xFFFFFC00  }
0xbe: {  	[tilespmem:s6], [sflag:$0x1] =	stream.strided.gather [hbm4b:s1+s19], $0x400, s20, s19, $0x38;
	[tilespmem:$0x17680] =	vst v63  }
0xbf: {  	s1 =	sld [smem:$0x7E7];
	_ =	sdelay $0x2  }
0xc0: {  	[tilespmem:s23], [sflag:$0x1] =	stream.strided.gather [hbm4b:s1+s19], $0x400, s20, s19, $0x38;
	[tilespmem:$0x17680] =	vst v63  }
0xc1: {  	_ = 	snop  }
0xc2: {  	[tilespmem:s24], [sflag:$0x3] =	stream.indirect.gather [spmem:s3], $0x1, s0, s21, $0xb8;
	[tilespmem:$0x17680] =	vst v63  }
0xc3: {  	_ =	swait.ge [sflag:s25], $0x400  }
0xc4: {  	[sflag:s25] =	ssyncset.done $0x0  }
0xc5: {  	s31 =	simm.s32 $0x0;
	[sflag:s25] =	ssyncadd.s32 $0xFFFFFC00  }
0xc6: {  	v2 =	vld [tilespmem:s31+$0x400]  }
0xc7: {  	s0 =	simm.s32 $0x40;
	v3 =	vld [tilespmem:s31+$0x800]  }
.LBB2_32:
0xc8: {  	p1 =	sne.s32 s0, $0xFC0  }
.Ltmp5:
0xc9: {  	_ = 	snop;
	(pc) =	sbr.rel @p1 .LBB2_32-.Ltmp5, $4  }
0xca: {  	_ = 	snop  }
0xcb: {  	s1 =	sshra.s32 s0, $0x2;
	s0 =	sadd.s32 $0x40, s0;
	v4 =	vshll.u32 v2, $0x7  }
0xcc: {  	v2 =	vld [tilespmem:s1+$0x400];
	v4 =	vadd.s32 v3, v4  }
0xcd: {  	v3 =	vld [tilespmem:s1+$0x800];
	[tilespmem:s31+$0xC00] =	vst v4;
	s31 =	smov.u32 s1  }
0xce: {  	_ =	sdelay $0x2  }
0xcf: {  	v2 =	vshll.u32 v2, $0x7  }
0xd0: {  	v2 =	vadd.s32 v3, v2  }
0xd1: {  	[tilespmem:s31+$0xC00] =	vst v2  }
0xd2: {  	[spmem:s2] =	stream.indirect.scatter.add.f32 [tilespmem:s28], [sflag:$0x4], $0x1, s26, s21, $0xb8;
	[tilespmem:$0x17680] =	vst v63  }
0xd3: {  	_ =	swait.ge [sflag:s22], $0x400  }
0xd4: {  	[sflag:s22] =	ssyncset.done $0x0  }
0xd5: {  	[sflag:s22] =	ssyncadd.s32 $0xFFFFFC00  }
0xd6: {  	_ =	swait.ge [sflag:s22], $0x400  }
0xd7: {  	s1 =	sld [smem:$0x7E8]  }
0xd8: {  	[sflag:s22] =	ssyncset.done $0x0  }
0xd9: {  	s0 =	simm.s32 $0x0;
	[sflag:s22] =	ssyncadd.s32 $0xFFFFFC00  }
0xda: {  	[tilespmem:s0], [sflag:$0x1] =	stream.strided.gather [hbm4b:s1+s19], $0x400, s20, s19, $0x38;
	[tilespmem:$0x17680] =	vst v63  }
0xdb: {  	s1 =	sld [smem:$0x7E9];
	_ =	sdelay $0x2  }
0xdc: {  	[tilespmem:s21], [sflag:$0x1] =	stream.strided.gather [hbm4b:s1+s19], $0x400, s20, s19, $0x38;
	[tilespmem:$0x17680] =	vst v63  }
0xdd: {  	_ = 	snop  }
0xde: {  	[tilespmem:s24], [sflag:$0x3] =	stream.indirect.gather [spmem:s3], $0x1, s6, s21, $0xb8;
	[tilespmem:$0x17680] =	vst v63  }
0xdf: {  	_ =	swait.ge [sflag:s25], $0x400  }
0xe0: {  	[sflag:s25] =	ssyncset.done $0x0  }
0xe1: {  	s31 =	simm.s32 $0x0;
	[sflag:s25] =	ssyncadd.s32 $0xFFFFFC00  }
0xe2: {  	v2 =	vld [tilespmem:s31+$0x2C00]  }
0xe3: {  	s0 =	simm.s32 $0x40;
	v3 =	vld [tilespmem:s31+$0x800]  }
.LBB2_34:
0xe4: {  	p1 =	sne.s32 s0, $0xFC0  }
.Ltmp6:
0xe5: {  	_ = 	snop;
	(pc) =	sbr.rel @p1 .LBB2_34-.Ltmp6, $4  }
0xe6: {  	_ = 	snop  }
0xe7: {  	s1 =	sshra.s32 s0, $0x2;
	s0 =	sadd.s32 $0x40, s0;
	v4 =	vshll.u32 v2, $0x7  }
0xe8: {  	v2 =	vld [tilespmem:s1+$0x2C00];
	v4 =	vadd.s32 v3, v4  }
0xe9: {  	v3 =	vld [tilespmem:s1+$0x800];
	[tilespmem:s31+$0x3000] =	vst v4;
	s31 =	smov.u32 s1  }
0xea: {  	_ =	sdelay $0x2  }
0xeb: {  	v2 =	vshll.u32 v2, $0x7  }
0xec: {  	v2 =	vadd.s32 v3, v2  }
0xed: {  	[tilespmem:s31+$0x3000] =	vst v2  }
0xee: {  	[spmem:s2] =	stream.indirect.scatter.add.f32 [tilespmem:s28], [sflag:$0x4], $0x1, s29, s21, $0xb8;
	[tilespmem:$0x17680] =	vst v63  }
0xef: {  	_ =	swait.ge [sflag:s22], $0x400  }
0xf0: {  	[sflag:s22] =	ssyncset.done $0x0  }
0xf1: {  	[sflag:s22] =	ssyncadd.s32 $0xFFFFFC00  }
0xf2: {  	_ =	swait.ge [sflag:s22], $0x400  }
0xf3: {  	s0 =	sld [smem:$0x7EA]  }
0xf4: {  	[sflag:s22] =	ssyncset.done $0x0  }
0xf5: {  	s1 =	sld [smem:$0x7EB];
	[sflag:s22] =	ssyncadd.s32 $0xFFFFFC00  }
0xf6: {  	[tilespmem:s6], [sflag:$0x1] =	stream.strided.gather [hbm4b:s0+s19], $0x400, s20, s19, $0x38;
	[tilespmem:$0x17680] =	vst v63  }
0xf7: {  	_ = 	snop  }
0xf8: {  	[tilespmem:s23], [sflag:$0x1] =	stream.strided.gather [hbm4b:s1+s19], $0x400, s20, s19, $0x38;
	[tilespmem:$0x17680] =	vst v63  }
0xf9: {  	_ =	swait.ge [sflag:s30], $0x400  }
0xfa: {  	[sflag:s30] =	ssyncset.done $0x0  }
0xfb: {  	s1 =	simm.s32 $0x0;
	[sflag:s30] =	ssyncadd.s32 $0xFFFFFC00  }
0xfc: {  	[tilespmem:s24], [sflag:$0x3] =	stream.indirect.gather [spmem:s3], $0x1, s1, s21, $0xb8;
	[tilespmem:$0x17680] =	vst v63  }
0xfd: {  	_ =	swait.ge [sflag:s25], $0x400  }
0xfe: {  	[sflag:s25] =	ssyncset.done $0x0  }
0xff: {  	s31 =	simm.s32 $0x0;
	[sflag:s25] =	ssyncadd.s32 $0xFFFFFC00  }
0x100: {  	v2 =	vld [tilespmem:s31+$0x400]  }
0x101: {  	s0 =	simm.s32 $0x40;
	v3 =	vld [tilespmem:s31+$0x800]  }
.LBB2_36:
0x102: {  	p1 =	sne.s32 s0, $0xFC0  }
.Ltmp7:
0x103: {  	_ = 	snop;
	(pc) =	sbr.rel @p1 .LBB2_36-.Ltmp7, $4  }
0x104: {  	_ = 	snop  }
0x105: {  	s1 =	sshra.s32 s0, $0x2;
	s0 =	sadd.s32 $0x40, s0;
	v4 =	vshll.u32 v2, $0x7  }
0x106: {  	v2 =	vld [tilespmem:s1+$0x400];
	v4 =	vadd.s32 v3, v4  }
0x107: {  	v3 =	vld [tilespmem:s1+$0x800];
	[tilespmem:s31+$0xC00] =	vst v4;
	s31 =	smov.u32 s1  }
0x108: {  	_ =	sdelay $0x2  }
0x109: {  	v2 =	vshll.u32 v2, $0x7  }
0x10a: {  	v2 =	vadd.s32 v3, v2  }
0x10b: {  	[tilespmem:s31+$0xC00] =	vst v2  }
0x10c: {  	[spmem:s2] =	stream.indirect.scatter.add.f32 [tilespmem:s28], [sflag:$0x4], $0x1, s26, s21, $0xb8;
	[tilespmem:$0x17680] =	vst v63  }
0x10d: {  	_ =	swait.ge [sflag:s22], $0x400  }
0x10e: {  	[sflag:s22] =	ssyncset.done $0x0  }
0x10f: {  	[sflag:s22] =	ssyncadd.s32 $0xFFFFFC00  }
0x110: {  	_ =	swait.ge [sflag:s22], $0x400  }
0x111: {  	s1 =	sld [smem:$0x7EC]  }
0x112: {  	[sflag:s22] =	ssyncset.done $0x0  }
0x113: {  	s0 =	simm.s32 $0x0;
	[sflag:s22] =	ssyncadd.s32 $0xFFFFFC00  }
0x114: {  	[tilespmem:s0], [sflag:$0x1] =	stream.strided.gather [hbm4b:s1+s19], $0x400, s20, s19, $0x38;
	[tilespmem:$0x17680] =	vst v63  }
0x115: {  	s1 =	sld [smem:$0x7ED];
	_ =	sdelay $0x2  }
0x116: {  	[tilespmem:s21], [sflag:$0x1] =	stream.strided.gather [hbm4b:s1+s19], $0x400, s20, s19, $0x38;
	[tilespmem:$0x17680] =	vst v63  }
0x117: {  	_ =	swait.ge [sflag:s30], $0x400  }
0x118: {  	[sflag:s30] =	ssyncset.done $0x0  }
0x119: {  	[sflag:s30] =	ssyncadd.s32 $0xFFFFFC00  }
0x11a: {  	[tilespmem:s24], [sflag:$0x3] =	stream.indirect.gather [spmem:s3], $0x1, s6, s21, $0xb8;
	[tilespmem:$0x17680] =	vst v63  }
0x11b: {  	_ =	swait.ge [sflag:s25], $0x400  }
0x11c: {  	[sflag:s25] =	ssyncset.done $0x0  }
0x11d: {  	s31 =	simm.s32 $0x0;
	[sflag:s25] =	ssyncadd.s32 $0xFFFFFC00  }
0x11e: {  	v2 =	vld [tilespmem:s31+$0x2C00]  }
0x11f: {  	s0 =	simm.s32 $0x40;
	v3 =	vld [tilespmem:s31+$0x800]  }
.LBB2_38:
0x120: {  	p1 =	sne.s32 s0, $0xFC0  }
.Ltmp8:
0x121: {  	_ = 	snop;
	(pc) =	sbr.rel @p1 .LBB2_38-.Ltmp8, $4  }
0x122: {  	_ = 	snop  }
0x123: {  	s1 =	sshra.s32 s0, $0x2;
	s0 =	sadd.s32 $0x40, s0;
	v4 =	vshll.u32 v2, $0x7  }
0x124: {  	v2 =	vld [tilespmem:s1+$0x2C00];
	v4 =	vadd.s32 v3, v4  }
0x125: {  	v3 =	vld [tilespmem:s1+$0x800];
	[tilespmem:s31+$0x3000] =	vst v4;
	s31 =	smov.u32 s1  }
0x126: {  	_ =	sdelay $0x2  }
0x127: {  	v2 =	vshll.u32 v2, $0x7  }
0x128: {  	v2 =	vadd.s32 v3, v2  }
0x129: {  	[tilespmem:s31+$0x3000] =	vst v2  }
0x12a: {  	[spmem:s2] =	stream.indirect.scatter.add.f32 [tilespmem:s28], [sflag:$0x4], $0x1, s29, s21, $0xb8;
	[tilespmem:$0x17680] =	vst v63  }
0x12b: {  	_ =	swait.ge [sflag:s22], $0x400  }
0x12c: {  	[sflag:s22] =	ssyncset.done $0x0  }
0x12d: {  	[sflag:s22] =	ssyncadd.s32 $0xFFFFFC00  }
0x12e: {  	_ =	swait.ge [sflag:s22], $0x400  }
0x12f: {  	s0 =	sld [smem:$0x7EE]  }
0x130: {  	[sflag:s22] =	ssyncset.done $0x0  }
0x131: {  	s1 =	sld [smem:$0x7EF];
	[sflag:s22] =	ssyncadd.s32 $0xFFFFFC00  }
0x132: {  	[tilespmem:s6], [sflag:$0x1] =	stream.strided.gather [hbm4b:s0+s19], $0x400, s20, s19, $0x38;
	[tilespmem:$0x17680] =	vst v63  }
0x133: {  	_ = 	snop  }
0x134: {  	[tilespmem:s23], [sflag:$0x1] =	stream.strided.gather [hbm4b:s1+s19], $0x400, s20, s19, $0x38;
	[tilespmem:$0x17680] =	vst v63  }
0x135: {  	_ =	swait.ge [sflag:s30], $0x400  }
0x136: {  	[sflag:s30] =	ssyncset.done $0x0  }
0x137: {  	s1 =	simm.s32 $0x0;
	[sflag:s30] =	ssyncadd.s32 $0xFFFFFC00  }
0x138: {  	[tilespmem:s24], [sflag:$0x3] =	stream.indirect.gather [spmem:s3], $0x1, s1, s21, $0xb8;
	[tilespmem:$0x17680] =	vst v63  }
0x139: {  	_ =	swait.ge [sflag:s25], $0x400  }
0x13a: {  	[sflag:s25] =	ssyncset.done $0x0  }
0x13b: {  	s31 =	simm.s32 $0x0;
	[sflag:s25] =	ssyncadd.s32 $0xFFFFFC00  }
0x13c: {  	v2 =	vld [tilespmem:s31+$0x400]  }
0x13d: {  	s0 =	simm.s32 $0x40;
	v3 =	vld [tilespmem:s31+$0x800]  }
.LBB2_40:
0x13e: {  	p1 =	sne.s32 s0, $0xFC0  }
.Ltmp9:
0x13f: {  	_ = 	snop;
	(pc) =	sbr.rel @p1 .LBB2_40-.Ltmp9, $4  }
0x140: {  	_ = 	snop  }
0x141: {  	s1 =	sshra.s32 s0, $0x2;
	s0 =	sadd.s32 $0x40, s0;
	v4 =	vshll.u32 v2, $0x7  }
0x142: {  	v2 =	vld [tilespmem:s1+$0x400];
	v4 =	vadd.s32 v3, v4  }
0x143: {  	v3 =	vld [tilespmem:s1+$0x800];
	[tilespmem:s31+$0xC00] =	vst v4;
	s31 =	smov.u32 s1  }
0x144: {  	_ =	sdelay $0x2  }
0x145: {  	v2 =	vshll.u32 v2, $0x7  }
0x146: {  	v2 =	vadd.s32 v3, v2  }
0x147: {  	[tilespmem:s31+$0xC00] =	vst v2  }
0x148: {  	[spmem:s2] =	stream.indirect.scatter.add.f32 [tilespmem:s28], [sflag:$0x4], $0x1, s26, s21, $0xb8;
	[tilespmem:$0x17680] =	vst v63  }
0x149: {  	_ =	swait.ge [sflag:s22], $0x400  }
0x14a: {  	[sflag:s22] =	ssyncset.done $0x0  }
0x14b: {  	[sflag:s22] =	ssyncadd.s32 $0xFFFFFC00  }
0x14c: {  	_ =	swait.ge [sflag:s22], $0x400  }
0x14d: {  	s1 =	sld [smem:$0x7F0]  }
0x14e: {  	[sflag:s22] =	ssyncset.done $0x0  }
0x14f: {  	s0 =	simm.s32 $0x0;
	[sflag:s22] =	ssyncadd.s32 $0xFFFFFC00  }
0x150: {  	[tilespmem:s0], [sflag:$0x1] =	stream.strided.gather [hbm4b:s1+s19], $0x400, s20, s19, $0x38;
	[tilespmem:$0x17680] =	vst v63  }
0x151: {  	s1 =	sld [smem:$0x7F1];
	_ =	sdelay $0x2  }
0x152: {  	[tilespmem:s21], [sflag:$0x1] =	stream.strided.gather [hbm4b:s1+s19], $0x400, s20, s19, $0x38;
	[tilespmem:$0x17680] =	vst v63  }
0x153: {  	_ =	swait.ge [sflag:s30], $0x400  }
0x154: {  	[sflag:s30] =	ssyncset.done $0x0  }
0x155: {  	[sflag:s30] =	ssyncadd.s32 $0xFFFFFC00  }
0x156: {  	[tilespmem:s24], [sflag:$0x3] =	stream.indirect.gather [spmem:s3], $0x1, s6, s21, $0xb8;
	[tilespmem:$0x17680] =	vst v63  }
0x157: {  	_ =	swait.ge [sflag:s25], $0x400  }
0x158: {  	[sflag:s25] =	ssyncset.done $0x0  }
0x159: {  	s31 =	simm.s32 $0x0;
	[sflag:s25] =	ssyncadd.s32 $0xFFFFFC00  }
0x15a: {  	v2 =	vld [tilespmem:s31+$0x2C00]  }
0x15b: {  	s0 =	simm.s32 $0x40;
	v3 =	vld [tilespmem:s31+$0x800]  }
.LBB2_42:
0x15c: {  	p1 =	sne.s32 s0, $0xFC0  }
.Ltmp10:
0x15d: {  	_ = 	snop;
	(pc) =	sbr.rel @p1 .LBB2_42-.Ltmp10, $4  }
0x15e: {  	_ = 	snop  }
0x15f: {  	s1 =	sshra.s32 s0, $0x2;
	s0 =	sadd.s32 $0x40, s0;
	v4 =	vshll.u32 v2, $0x7  }
0x160: {  	v2 =	vld [tilespmem:s1+$0x2C00];
	v4 =	vadd.s32 v3, v4  }
0x161: {  	v3 =	vld [tilespmem:s1+$0x800];
	[tilespmem:s31+$0x3000] =	vst v4;
	s31 =	smov.u32 s1  }
0x162: {  	_ =	sdelay $0x2  }
0x163: {  	v2 =	vshll.u32 v2, $0x7  }
0x164: {  	v2 =	vadd.s32 v3, v2  }
0x165: {  	[tilespmem:s31+$0x3000] =	vst v2  }
0x166: {  	[spmem:s2] =	stream.indirect.scatter.add.f32 [tilespmem:s28], [sflag:$0x4], $0x1, s29, s21, $0xb8;
	[tilespmem:$0x17680] =	vst v63  }
0x167: {  	_ =	swait.ge [sflag:s22], $0x400  }
0x168: {  	[sflag:s22] =	ssyncset.done $0x0  }
0x169: {  	[sflag:s22] =	ssyncadd.s32 $0xFFFFFC00  }
0x16a: {  	_ =	swait.ge [sflag:s22], $0x400  }
0x16b: {  	s0 =	sld [smem:$0x7F2]  }
0x16c: {  	[sflag:s22] =	ssyncset.done $0x0  }
0x16d: {  	s1 =	sld [smem:$0x7F3];
	[sflag:s22] =	ssyncadd.s32 $0xFFFFFC00  }
0x16e: {  	[tilespmem:s6], [sflag:$0x1] =	stream.strided.gather [hbm4b:s0+s19], $0x400, s20, s19, $0x38;
	[tilespmem:$0x17680] =	vst v63  }
0x16f: {  	_ = 	snop  }
0x170: {  	[tilespmem:s23], [sflag:$0x1] =	stream.strided.gather [hbm4b:s1+s19], $0x400, s20, s19, $0x38;
	[tilespmem:$0x17680] =	vst v63  }
0x171: {  	_ =	swait.ge [sflag:s30], $0x400  }
0x172: {  	[sflag:s30] =	ssyncset.done $0x0  }
0x173: {  	s1 =	simm.s32 $0x0;
	[sflag:s30] =	ssyncadd.s32 $0xFFFFFC00  }
0x174: {  	[tilespmem:s24], [sflag:$0x3] =	stream.indirect.gather [spmem:s3], $0x1, s1, s21, $0xb8;
	[tilespmem:$0x17680] =	vst v63  }
0x175: {  	_ =	swait.ge [sflag:s25], $0x400  }
0x176: {  	[sflag:s25] =	ssyncset.done $0x0  }
0x177: {  	s31 =	simm.s32 $0x0;
	[sflag:s25] =	ssyncadd.s32 $0xFFFFFC00  }
0x178: {  	v2 =	vld [tilespmem:s31+$0x400]  }
0x179: {  	s0 =	simm.s32 $0x40;
	v3 =	vld [tilespmem:s31+$0x800]  }
.LBB2_44:
0x17a: {  	p1 =	sne.s32 s0, $0xFC0  }
.Ltmp11:
0x17b: {  	_ = 	snop;
	(pc) =	sbr.rel @p1 .LBB2_44-.Ltmp11, $4  }
0x17c: {  	_ = 	snop  }
0x17d: {  	s1 =	sshra.s32 s0, $0x2;
	s0 =	sadd.s32 $0x40, s0;
	v4 =	vshll.u32 v2, $0x7  }
0x17e: {  	v2 =	vld [tilespmem:s1+$0x400];
	v4 =	vadd.s32 v3, v4  }
0x17f: {  	v3 =	vld [tilespmem:s1+$0x800];
	[tilespmem:s31+$0xC00] =	vst v4;
	s31 =	smov.u32 s1  }
0x180: {  	_ =	sdelay $0x2  }
0x181: {  	v2 =	vshll.u32 v2, $0x7  }
0x182: {  	v2 =	vadd.s32 v3, v2  }
0x183: {  	[tilespmem:s31+$0xC00] =	vst v2  }
0x184: {  	[spmem:s2] =	stream.indirect.scatter.add.f32 [tilespmem:s28], [sflag:$0x4], $0x1, s26, s21, $0xb8;
	[tilespmem:$0x17680] =	vst v63  }
0x185: {  	_ =	swait.ge [sflag:s22], $0x400  }
0x186: {  	[sflag:s22] =	ssyncset.done $0x0  }
0x187: {  	[sflag:s22] =	ssyncadd.s32 $0xFFFFFC00  }
0x188: {  	_ =	swait.ge [sflag:s22], $0x400  }
0x189: {  	[sflag:s22] =	ssyncset.done $0x0  }
0x18a: {  	[sflag:s22] =	ssyncadd.s32 $0xFFFFFC00  }
0x18b: {  	_ =	swait.ge [sflag:s30], $0x400  }
0x18c: {  	[sflag:s30] =	ssyncset.done $0x0  }
0x18d: {  	[sflag:s30] =	ssyncadd.s32 $0xFFFFFC00  }
0x18e: {  	[tilespmem:s24], [sflag:$0x3] =	stream.indirect.gather [spmem:s3], $0x1, s6, s21, $0xb8;
	[tilespmem:$0x17680] =	vst v63  }
0x18f: {  	_ =	swait.ge [sflag:s25], $0x400  }
0x190: {  	[sflag:s25] =	ssyncset.done $0x0  }
0x191: {  	s31 =	simm.s32 $0x0;
	[sflag:s25] =	ssyncadd.s32 $0xFFFFFC00  }
0x192: {  	v2 =	vld [tilespmem:s31+$0x2C00]  }
0x193: {  	s0 =	simm.s32 $0x40;
	v3 =	vld [tilespmem:s31+$0x800]  }
.LBB2_46:
0x194: {  	p1 =	sne.s32 s0, $0xFC0  }
.Ltmp12:
0x195: {  	_ = 	snop;
	(pc) =	sbr.rel @p1 .LBB2_46-.Ltmp12, $4  }
0x196: {  	_ = 	snop  }
0x197: {  	s1 =	sshra.s32 s0, $0x2;
	s0 =	sadd.s32 $0x40, s0;
	v4 =	vshll.u32 v2, $0x7  }
0x198: {  	v2 =	vld [tilespmem:s1+$0x2C00];
	v4 =	vadd.s32 v3, v4  }
0x199: {  	v3 =	vld [tilespmem:s1+$0x800];
	[tilespmem:s31+$0x3000] =	vst v4;
	s31 =	smov.u32 s1  }
0x19a: {  	_ = 	snop  }
.Ltmp13:
0x19b: {  	_ = 	snop;
	(pc) =	sbr.rel .LBB2_48-.Ltmp13, $4  }
0x19c: {  	_ = 	snop  }
0x19d: {  	v2 =	vshll.u32 v2, $0x7  }
0x19e: {  	v2 =	vadd.s32 v3, v2  }
0x19f: {  	[tilespmem:s31+$0x3000] =	vst v2  }
.LBB2_6:
0x1a0: {  	s1 =	rddreg [dreg:$0x5]  }
0x1a1: {  	[tilespmem:s0], [sflag:$0x1] =	stream.strided.gather [hbm4b:s1+s19], $0x400, s20, s19, $0x38;
	[tilespmem:$0x17680] =	vst v63  }
0x1a2: {  	s1 =	rddreg [dreg:$0x6]  }
0x1a3: {  	[tilespmem:s21], [sflag:$0x1] =	stream.strided.gather [hbm4b:s1+s19], $0x400, s20, s19, $0x38;
	[tilespmem:$0x17680] =	vst v63  }
0x1a4: {  	_ =	swait.ge [sflag:s22], $0x400  }
0x1a5: {  	[sflag:s22] =	ssyncset.done $0x0  }
0x1a6: {  	[sflag:s22] =	ssyncadd.s32 $0xFFFFFC00  }
0x1a7: {  	_ =	swait.ge [sflag:s22], $0x400  }
0x1a8: {  	[sflag:s22] =	ssyncset.done $0x0  }
0x1a9: {  	s1 =	rddreg [dreg:$0x7];
	[sflag:s22] =	ssyncadd.s32 $0xFFFFFC00  }
0x1aa: {  	[tilespmem:s6], [sflag:$0x1] =	stream.strided.gather [hbm4b:s1+s19], $0x400, s20, s19, $0x38;
	[tilespmem:$0x17680] =	vst v63  }
0x1ab: {  	s1 =	rddreg [dreg:$0x8]  }
0x1ac: {  	[tilespmem:s23], [sflag:$0x1] =	stream.strided.gather [hbm4b:s1+s19], $0x400, s20, s19, $0x38;
	[tilespmem:$0x17680] =	vst v63  }
0x1ad: {  	_ = 	snop  }
0x1ae: {  	[tilespmem:s24], [sflag:$0x3] =	stream.indirect.gather [spmem:s3], $0x1, s0, s21, $0xb8;
	[tilespmem:$0x17680] =	vst v63  }
0x1af: {  	_ =	swait.ge [sflag:s25], $0x400  }
0x1b0: {  	[sflag:s25] =	ssyncset.done $0x0  }
0x1b1: {  	s31 =	simm.s32 $0x0;
	[sflag:s25] =	ssyncadd.s32 $0xFFFFFC00  }
0x1b2: {  	v2 =	vld [tilespmem:s31+$0x400]  }
0x1b3: {  	s0 =	simm.s32 $0x40;
	v3 =	vld [tilespmem:s31+$0x800]  }
.LBB2_7:
0x1b4: {  	p1 =	sne.s32 s0, $0xFC0  }
.Ltmp14:
0x1b5: {  	_ = 	snop;
	(pc) =	sbr.rel @p1 .LBB2_7-.Ltmp14, $4  }
0x1b6: {  	_ = 	snop  }
0x1b7: {  	s1 =	sshra.s32 s0, $0x2;
	s0 =	sadd.s32 $0x40, s0;
	v4 =	vshll.u32 v2, $0x7  }
0x1b8: {  	v2 =	vld [tilespmem:s1+$0x400];
	v4 =	vadd.s32 v3, v4  }
0x1b9: {  	v3 =	vld [tilespmem:s1+$0x800];
	[tilespmem:s31+$0xC00] =	vst v4;
	s31 =	smov.u32 s1  }
0x1ba: {  	_ =	sdelay $0x2  }
0x1bb: {  	v2 =	vshll.u32 v2, $0x7  }
0x1bc: {  	v2 =	vadd.s32 v3, v2  }
0x1bd: {  	[tilespmem:s31+$0xC00] =	vst v2  }
0x1be: {  	[spmem:s2] =	stream.indirect.scatter.add.f32 [tilespmem:s28], [sflag:$0x4], $0x1, s26, s21, $0xb8;
	[tilespmem:$0x17680] =	vst v63  }
0x1bf: {  	_ =	swait.ge [sflag:s22], $0x400  }
0x1c0: {  	[sflag:s22] =	ssyncset.done $0x0  }
0x1c1: {  	[sflag:s22] =	ssyncadd.s32 $0xFFFFFC00  }
0x1c2: {  	_ =	swait.ge [sflag:s22], $0x400  }
0x1c3: {  	[sflag:s22] =	ssyncset.done $0x0  }
0x1c4: {  	s0 =	simm.s32 $0x0;
	s1 =	rddreg [dreg:$0x9];
	[sflag:s22] =	ssyncadd.s32 $0xFFFFFC00  }
0x1c5: {  	[tilespmem:s0], [sflag:$0x1] =	stream.strided.gather [hbm4b:s1+s19], $0x400, s20, s19, $0x38;
	[tilespmem:$0x17680] =	vst v63  }
0x1c6: {  	s1 =	rddreg [dreg:$0xa]  }
0x1c7: {  	[tilespmem:s21], [sflag:$0x1] =	stream.strided.gather [hbm4b:s1+s19], $0x400, s20, s19, $0x38;
	[tilespmem:$0x17680] =	vst v63  }
0x1c8: {  	_ = 	snop  }
0x1c9: {  	[tilespmem:s24], [sflag:$0x3] =	stream.indirect.gather [spmem:s3], $0x1, s6, s21, $0xb8;
	[tilespmem:$0x17680] =	vst v63  }
0x1ca: {  	_ =	swait.ge [sflag:s25], $0x400  }
0x1cb: {  	[sflag:s25] =	ssyncset.done $0x0  }
0x1cc: {  	s31 =	simm.s32 $0x0;
	[sflag:s25] =	ssyncadd.s32 $0xFFFFFC00  }
0x1cd: {  	v2 =	vld [tilespmem:s31+$0x2C00]  }
0x1ce: {  	s0 =	simm.s32 $0x40;
	v3 =	vld [tilespmem:s31+$0x800]  }
.LBB2_9:
0x1cf: {  	p1 =	sne.s32 s0, $0xFC0  }
.Ltmp15:
0x1d0: {  	_ = 	snop;
	(pc) =	sbr.rel @p1 .LBB2_9-.Ltmp15, $4  }
0x1d1: {  	_ = 	snop  }
0x1d2: {  	s1 =	sshra.s32 s0, $0x2;
	s0 =	sadd.s32 $0x40, s0;
	v4 =	vshll.u32 v2, $0x7  }
0x1d3: {  	v2 =	vld [tilespmem:s1+$0x2C00];
	v4 =	vadd.s32 v3, v4  }
0x1d4: {  	v3 =	vld [tilespmem:s1+$0x800];
	[tilespmem:s31+$0x3000] =	vst v4;
	s31 =	smov.u32 s1  }
0x1d5: {  	_ =	sdelay $0x2  }
0x1d6: {  	v2 =	vshll.u32 v2, $0x7  }
0x1d7: {  	v2 =	vadd.s32 v3, v2  }
0x1d8: {  	[tilespmem:s31+$0x3000] =	vst v2  }
0x1d9: {  	[spmem:s2] =	stream.indirect.scatter.add.f32 [tilespmem:s28], [sflag:$0x4], $0x1, s29, s21, $0xb8;
	[tilespmem:$0x17680] =	vst v63  }
0x1da: {  	_ =	swait.ge [sflag:s22], $0x400  }
0x1db: {  	[sflag:s22] =	ssyncset.done $0x0  }
0x1dc: {  	[sflag:s22] =	ssyncadd.s32 $0xFFFFFC00  }
0x1dd: {  	_ =	swait.ge [sflag:s22], $0x400  }
0x1de: {  	[sflag:s22] =	ssyncset.done $0x0  }
0x1df: {  	s0 =	rddreg [dreg:$0xb];
	[sflag:s22] =	ssyncadd.s32 $0xFFFFFC00  }
0x1e0: {  	[tilespmem:s6], [sflag:$0x1] =	stream.strided.gather [hbm4b:s0+s19], $0x400, s20, s19, $0x38;
	[tilespmem:$0x17680] =	vst v63  }
0x1e1: {  	s1 =	rddreg [dreg:$0xc]  }
0x1e2: {  	[tilespmem:s23], [sflag:$0x1] =	stream.strided.gather [hbm4b:s1+s19], $0x400, s20, s19, $0x38;
	[tilespmem:$0x17680] =	vst v63  }
0x1e3: {  	_ =	swait.ge [sflag:s30], $0x400  }
0x1e4: {  	[sflag:s30] =	ssyncset.done $0x0  }
0x1e5: {  	s1 =	simm.s32 $0x0;
	[sflag:s30] =	ssyncadd.s32 $0xFFFFFC00  }
0x1e6: {  	[tilespmem:s24], [sflag:$0x3] =	stream.indirect.gather [spmem:s3], $0x1, s1, s21, $0xb8;
	[tilespmem:$0x17680] =	vst v63  }
0x1e7: {  	_ =	swait.ge [sflag:s25], $0x400  }
0x1e8: {  	[sflag:s25] =	ssyncset.done $0x0  }
0x1e9: {  	s31 =	simm.s32 $0x0;
	[sflag:s25] =	ssyncadd.s32 $0xFFFFFC00  }
0x1ea: {  	v2 =	vld [tilespmem:s31+$0x400]  }
0x1eb: {  	s0 =	simm.s32 $0x40;
	v3 =	vld [tilespmem:s31+$0x800]  }
.LBB2_11:
0x1ec: {  	p1 =	sne.s32 s0, $0xFC0  }
.Ltmp16:
0x1ed: {  	_ = 	snop;
	(pc) =	sbr.rel @p1 .LBB2_11-.Ltmp16, $4  }
0x1ee: {  	_ = 	snop  }
0x1ef: {  	s1 =	sshra.s32 s0, $0x2;
	s0 =	sadd.s32 $0x40, s0;
	v4 =	vshll.u32 v2, $0x7  }
0x1f0: {  	v2 =	vld [tilespmem:s1+$0x400];
	v4 =	vadd.s32 v3, v4  }
0x1f1: {  	v3 =	vld [tilespmem:s1+$0x800];
	[tilespmem:s31+$0xC00] =	vst v4;
	s31 =	smov.u32 s1  }
0x1f2: {  	_ =	sdelay $0x2  }
0x1f3: {  	v2 =	vshll.u32 v2, $0x7  }
0x1f4: {  	v2 =	vadd.s32 v3, v2  }
0x1f5: {  	[tilespmem:s31+$0xC00] =	vst v2  }
0x1f6: {  	[spmem:s2] =	stream.indirect.scatter.add.f32 [tilespmem:s28], [sflag:$0x4], $0x1, s26, s21, $0xb8;
	[tilespmem:$0x17680] =	vst v63  }
0x1f7: {  	_ =	swait.ge [sflag:s22], $0x400  }
0x1f8: {  	[sflag:s22] =	ssyncset.done $0x0  }
0x1f9: {  	[sflag:s22] =	ssyncadd.s32 $0xFFFFFC00  }
0x1fa: {  	_ =	swait.ge [sflag:s22], $0x400  }
0x1fb: {  	[sflag:s22] =	ssyncset.done $0x0  }
0x1fc: {  	s0 =	simm.s32 $0x0;
	s1 =	rddreg [dreg:$0xd];
	[sflag:s22] =	ssyncadd.s32 $0xFFFFFC00  }
0x1fd: {  	[tilespmem:s0], [sflag:$0x1] =	stream.strided.gather [hbm4b:s1+s19], $0x400, s20, s19, $0x38;
	[tilespmem:$0x17680] =	vst v63  }
0x1fe: {  	s1 =	rddreg [dreg:$0xe]  }
0x1ff: {  	[tilespmem:s21], [sflag:$0x1] =	stream.strided.gather [hbm4b:s1+s19], $0x400, s20, s19, $0x38;
	[tilespmem:$0x17680] =	vst v63  }
0x200: {  	_ =	swait.ge [sflag:s30], $0x400  }
0x201: {  	[sflag:s30] =	ssyncset.done $0x0  }
0x202: {  	[sflag:s30] =	ssyncadd.s32 $0xFFFFFC00  }
0x203: {  	[tilespmem:s24], [sflag:$0x3] =	stream.indirect.gather [spmem:s3], $0x1, s6, s21, $0xb8;
	[tilespmem:$0x17680] =	vst v63  }
0x204: {  	_ =	swait.ge [sflag:s25], $0x400  }
0x205: {  	[sflag:s25] =	ssyncset.done $0x0  }
0x206: {  	s31 =	simm.s32 $0x0;
	[sflag:s25] =	ssyncadd.s32 $0xFFFFFC00  }
0x207: {  	v2 =	vld [tilespmem:s31+$0x2C00]  }
0x208: {  	s0 =	simm.s32 $0x40;
	v3 =	vld [tilespmem:s31+$0x800]  }
.LBB2_13:
0x209: {  	p1 =	sne.s32 s0, $0xFC0  }
.Ltmp17:
0x20a: {  	_ = 	snop;
	(pc) =	sbr.rel @p1 .LBB2_13-.Ltmp17, $4  }
0x20b: {  	_ = 	snop  }
0x20c: {  	s1 =	sshra.s32 s0, $0x2;
	s0 =	sadd.s32 $0x40, s0;
	v4 =	vshll.u32 v2, $0x7  }
0x20d: {  	v2 =	vld [tilespmem:s1+$0x2C00];
	v4 =	vadd.s32 v3, v4  }
0x20e: {  	v3 =	vld [tilespmem:s1+$0x800];
	[tilespmem:s31+$0x3000] =	vst v4;
	s31 =	smov.u32 s1  }
0x20f: {  	_ =	sdelay $0x2  }
0x210: {  	v2 =	vshll.u32 v2, $0x7  }
0x211: {  	v2 =	vadd.s32 v3, v2  }
0x212: {  	[tilespmem:s31+$0x3000] =	vst v2  }
0x213: {  	[spmem:s2] =	stream.indirect.scatter.add.f32 [tilespmem:s28], [sflag:$0x4], $0x1, s29, s21, $0xb8;
	[tilespmem:$0x17680] =	vst v63  }
0x214: {  	_ =	swait.ge [sflag:s22], $0x400  }
0x215: {  	[sflag:s22] =	ssyncset.done $0x0  }
0x216: {  	[sflag:s22] =	ssyncadd.s32 $0xFFFFFC00  }
0x217: {  	_ =	swait.ge [sflag:s22], $0x400  }
0x218: {  	[sflag:s22] =	ssyncset.done $0x0  }
0x219: {  	s0 =	rddreg [dreg:$0xf];
	[sflag:s22] =	ssyncadd.s32 $0xFFFFFC00  }
0x21a: {  	[tilespmem:s6], [sflag:$0x1] =	stream.strided.gather [hbm4b:s0+s19], $0x400, s20, s19, $0x38;
	[tilespmem:$0x17680] =	vst v63  }
0x21b: {  	s1 =	rddreg [dreg:$0x10]  }
0x21c: {  	[tilespmem:s23], [sflag:$0x1] =	stream.strided.gather [hbm4b:s1+s19], $0x400, s20, s19, $0x38;
	[tilespmem:$0x17680] =	vst v63  }
0x21d: {  	_ =	swait.ge [sflag:s30], $0x400  }
0x21e: {  	[sflag:s30] =	ssyncset.done $0x0  }
0x21f: {  	s1 =	simm.s32 $0x0;
	[sflag:s30] =	ssyncadd.s32 $0xFFFFFC00  }
0x220: {  	[tilespmem:s24], [sflag:$0x3] =	stream.indirect.gather [spmem:s3], $0x1, s1, s21, $0xb8;
	[tilespmem:$0x17680] =	vst v63  }
0x221: {  	_ =	swait.ge [sflag:s25], $0x400  }
0x222: {  	[sflag:s25] =	ssyncset.done $0x0  }
0x223: {  	s31 =	simm.s32 $0x0;
	[sflag:s25] =	ssyncadd.s32 $0xFFFFFC00  }
0x224: {  	v2 =	vld [tilespmem:s31+$0x400]  }
0x225: {  	s0 =	simm.s32 $0x40;
	v3 =	vld [tilespmem:s31+$0x800]  }
.LBB2_15:
0x226: {  	p1 =	sne.s32 s0, $0xFC0  }
.Ltmp18:
0x227: {  	_ = 	snop;
	(pc) =	sbr.rel @p1 .LBB2_15-.Ltmp18, $4  }
0x228: {  	_ = 	snop  }
0x229: {  	s1 =	sshra.s32 s0, $0x2;
	s0 =	sadd.s32 $0x40, s0;
	v4 =	vshll.u32 v2, $0x7  }
0x22a: {  	v2 =	vld [tilespmem:s1+$0x400];
	v4 =	vadd.s32 v3, v4  }
0x22b: {  	v3 =	vld [tilespmem:s1+$0x800];
	[tilespmem:s31+$0xC00] =	vst v4;
	s31 =	smov.u32 s1  }
0x22c: {  	_ =	sdelay $0x2  }
0x22d: {  	v2 =	vshll.u32 v2, $0x7  }
0x22e: {  	v2 =	vadd.s32 v3, v2  }
0x22f: {  	[tilespmem:s31+$0xC00] =	vst v2  }
0x230: {  	[spmem:s2] =	stream.indirect.scatter.add.f32 [tilespmem:s28], [sflag:$0x4], $0x1, s26, s21, $0xb8;
	[tilespmem:$0x17680] =	vst v63  }
0x231: {  	_ =	swait.ge [sflag:s22], $0x400  }
0x232: {  	[sflag:s22] =	ssyncset.done $0x0  }
0x233: {  	[sflag:s22] =	ssyncadd.s32 $0xFFFFFC00  }
0x234: {  	_ =	swait.ge [sflag:s22], $0x400  }
0x235: {  	[sflag:s22] =	ssyncset.done $0x0  }
0x236: {  	s0 =	simm.s32 $0x0;
	s1 =	rddreg [dreg:$0x11];
	[sflag:s22] =	ssyncadd.s32 $0xFFFFFC00  }
0x237: {  	[tilespmem:s0], [sflag:$0x1] =	stream.strided.gather [hbm4b:s1+s19], $0x400, s20, s19, $0x38;
	[tilespmem:$0x17680] =	vst v63  }
0x238: {  	s1 =	rddreg [dreg:$0x12]  }
0x239: {  	[tilespmem:s21], [sflag:$0x1] =	stream.strided.gather [hbm4b:s1+s19], $0x400, s20, s19, $0x38;
	[tilespmem:$0x17680] =	vst v63  }
0x23a: {  	_ =	swait.ge [sflag:s30], $0x400  }
0x23b: {  	[sflag:s30] =	ssyncset.done $0x0  }
0x23c: {  	[sflag:s30] =	ssyncadd.s32 $0xFFFFFC00  }
0x23d: {  	[tilespmem:s24], [sflag:$0x3] =	stream.indirect.gather [spmem:s3], $0x1, s6, s21, $0xb8;
	[tilespmem:$0x17680] =	vst v63  }
0x23e: {  	_ =	swait.ge [sflag:s25], $0x400  }
0x23f: {  	[sflag:s25] =	ssyncset.done $0x0  }
0x240: {  	s31 =	simm.s32 $0x0;
	[sflag:s25] =	ssyncadd.s32 $0xFFFFFC00  }
0x241: {  	v2 =	vld [tilespmem:s31+$0x2C00]  }
0x242: {  	s0 =	simm.s32 $0x40;
	v3 =	vld [tilespmem:s31+$0x800]  }
.LBB2_17:
0x243: {  	p1 =	sne.s32 s0, $0xFC0  }
.Ltmp19:
0x244: {  	_ = 	snop;
	(pc) =	sbr.rel @p1 .LBB2_17-.Ltmp19, $4  }
0x245: {  	_ = 	snop  }
0x246: {  	s1 =	sshra.s32 s0, $0x2;
	s0 =	sadd.s32 $0x40, s0;
	v4 =	vshll.u32 v2, $0x7  }
0x247: {  	v2 =	vld [tilespmem:s1+$0x2C00];
	v4 =	vadd.s32 v3, v4  }
0x248: {  	v3 =	vld [tilespmem:s1+$0x800];
	[tilespmem:s31+$0x3000] =	vst v4;
	s31 =	smov.u32 s1  }
0x249: {  	_ =	sdelay $0x2  }
0x24a: {  	v2 =	vshll.u32 v2, $0x7  }
0x24b: {  	v2 =	vadd.s32 v3, v2  }
0x24c: {  	[tilespmem:s31+$0x3000] =	vst v2  }
0x24d: {  	[spmem:s2] =	stream.indirect.scatter.add.f32 [tilespmem:s28], [sflag:$0x4], $0x1, s29, s21, $0xb8;
	[tilespmem:$0x17680] =	vst v63  }
0x24e: {  	_ =	swait.ge [sflag:s22], $0x400  }
0x24f: {  	[sflag:s22] =	ssyncset.done $0x0  }
0x250: {  	[sflag:s22] =	ssyncadd.s32 $0xFFFFFC00  }
0x251: {  	_ =	swait.ge [sflag:s22], $0x400  }
0x252: {  	[sflag:s22] =	ssyncset.done $0x0  }
0x253: {  	s0 =	rddreg [dreg:$0x13];
	[sflag:s22] =	ssyncadd.s32 $0xFFFFFC00  }
0x254: {  	[tilespmem:s6], [sflag:$0x1] =	stream.strided.gather [hbm4b:s0+s19], $0x400, s20, s19, $0x38;
	[tilespmem:$0x17680] =	vst v63  }
0x255: {  	s1 =	rddreg [dreg:$0x14]  }
0x256: {  	[tilespmem:s23], [sflag:$0x1] =	stream.strided.gather [hbm4b:s1+s19], $0x400, s20, s19, $0x38;
	[tilespmem:$0x17680] =	vst v63  }
0x257: {  	_ =	swait.ge [sflag:s30], $0x400  }
0x258: {  	[sflag:s30] =	ssyncset.done $0x0  }
0x259: {  	s1 =	simm.s32 $0x0;
	[sflag:s30] =	ssyncadd.s32 $0xFFFFFC00  }
0x25a: {  	[tilespmem:s24], [sflag:$0x3] =	stream.indirect.gather [spmem:s3], $0x1, s1, s21, $0xb8;
	[tilespmem:$0x17680] =	vst v63  }
0x25b: {  	_ =	swait.ge [sflag:s25], $0x400  }
0x25c: {  	[sflag:s25] =	ssyncset.done $0x0  }
0x25d: {  	s31 =	simm.s32 $0x0;
	[sflag:s25] =	ssyncadd.s32 $0xFFFFFC00  }
0x25e: {  	v2 =	vld [tilespmem:s31+$0x400]  }
0x25f: {  	s0 =	simm.s32 $0x40;
	v3 =	vld [tilespmem:s31+$0x800]  }
.LBB2_19:
0x260: {  	p1 =	sne.s32 s0, $0xFC0  }
.Ltmp20:
0x261: {  	_ = 	snop;
	(pc) =	sbr.rel @p1 .LBB2_19-.Ltmp20, $4  }
0x262: {  	_ = 	snop  }
0x263: {  	s1 =	sshra.s32 s0, $0x2;
	s0 =	sadd.s32 $0x40, s0;
	v4 =	vshll.u32 v2, $0x7  }
0x264: {  	v2 =	vld [tilespmem:s1+$0x400];
	v4 =	vadd.s32 v3, v4  }
0x265: {  	v3 =	vld [tilespmem:s1+$0x800];
	[tilespmem:s31+$0xC00] =	vst v4;
	s31 =	smov.u32 s1  }
0x266: {  	_ =	sdelay $0x2  }
0x267: {  	v2 =	vshll.u32 v2, $0x7  }
0x268: {  	v2 =	vadd.s32 v3, v2  }
0x269: {  	[tilespmem:s31+$0xC00] =	vst v2  }
0x26a: {  	[spmem:s2] =	stream.indirect.scatter.add.f32 [tilespmem:s28], [sflag:$0x4], $0x1, s26, s21, $0xb8;
	[tilespmem:$0x17680] =	vst v63  }
0x26b: {  	_ =	swait.ge [sflag:s22], $0x400  }
0x26c: {  	[sflag:s22] =	ssyncset.done $0x0  }
0x26d: {  	[sflag:s22] =	ssyncadd.s32 $0xFFFFFC00  }
0x26e: {  	_ =	swait.ge [sflag:s22], $0x400  }
0x26f: {  	[sflag:s22] =	ssyncset.done $0x0  }
0x270: {  	s0 =	simm.s32 $0x0;
	s1 =	rddreg [dreg:$0x15];
	[sflag:s22] =	ssyncadd.s32 $0xFFFFFC00  }
0x271: {  	[tilespmem:s0], [sflag:$0x1] =	stream.strided.gather [hbm4b:s1+s19], $0x400, s20, s19, $0x38;
	[tilespmem:$0x17680] =	vst v63  }
0x272: {  	s1 =	rddreg [dreg:$0x16]  }
0x273: {  	[tilespmem:s21], [sflag:$0x1] =	stream.strided.gather [hbm4b:s1+s19], $0x400, s20, s19, $0x38;
	[tilespmem:$0x17680] =	vst v63  }
0x274: {  	_ =	swait.ge [sflag:s30], $0x400  }
0x275: {  	[sflag:s30] =	ssyncset.done $0x0  }
0x276: {  	[sflag:s30] =	ssyncadd.s32 $0xFFFFFC00  }
0x277: {  	[tilespmem:s24], [sflag:$0x3] =	stream.indirect.gather [spmem:s3], $0x1, s6, s21, $0xb8;
	[tilespmem:$0x17680] =	vst v63  }
0x278: {  	_ =	swait.ge [sflag:s25], $0x400  }
0x279: {  	[sflag:s25] =	ssyncset.done $0x0  }
0x27a: {  	s31 =	simm.s32 $0x0;
	[sflag:s25] =	ssyncadd.s32 $0xFFFFFC00  }
0x27b: {  	v2 =	vld [tilespmem:s31+$0x2C00]  }
0x27c: {  	s0 =	simm.s32 $0x40;
	v3 =	vld [tilespmem:s31+$0x800]  }
.LBB2_21:
0x27d: {  	p1 =	sne.s32 s0, $0xFC0  }
.Ltmp21:
0x27e: {  	_ = 	snop;
	(pc) =	sbr.rel @p1 .LBB2_21-.Ltmp21, $4  }
0x27f: {  	_ = 	snop  }
0x280: {  	s1 =	sshra.s32 s0, $0x2;
	s0 =	sadd.s32 $0x40, s0;
	v4 =	vshll.u32 v2, $0x7  }
0x281: {  	v2 =	vld [tilespmem:s1+$0x2C00];
	v4 =	vadd.s32 v3, v4  }
0x282: {  	v3 =	vld [tilespmem:s1+$0x800];
	[tilespmem:s31+$0x3000] =	vst v4;
	s31 =	smov.u32 s1  }
0x283: {  	_ =	sdelay $0x2  }
0x284: {  	v2 =	vshll.u32 v2, $0x7  }
0x285: {  	v2 =	vadd.s32 v3, v2  }
0x286: {  	[tilespmem:s31+$0x3000] =	vst v2  }
0x287: {  	[spmem:s2] =	stream.indirect.scatter.add.f32 [tilespmem:s28], [sflag:$0x4], $0x1, s29, s21, $0xb8;
	[tilespmem:$0x17680] =	vst v63  }
0x288: {  	_ =	swait.ge [sflag:s22], $0x400  }
0x289: {  	[sflag:s22] =	ssyncset.done $0x0  }
0x28a: {  	[sflag:s22] =	ssyncadd.s32 $0xFFFFFC00  }
0x28b: {  	_ =	swait.ge [sflag:s22], $0x400  }
0x28c: {  	[sflag:s22] =	ssyncset.done $0x0  }
0x28d: {  	s0 =	rddreg [dreg:$0x17];
	[sflag:s22] =	ssyncadd.s32 $0xFFFFFC00  }
0x28e: {  	[tilespmem:s6], [sflag:$0x1] =	stream.strided.gather [hbm4b:s0+s19], $0x400, s20, s19, $0x38;
	[tilespmem:$0x17680] =	vst v63  }
0x28f: {  	s1 =	rddreg [dreg:$0x18]  }
0x290: {  	[tilespmem:s23], [sflag:$0x1] =	stream.strided.gather [hbm4b:s1+s19], $0x400, s20, s19, $0x38;
	[tilespmem:$0x17680] =	vst v63  }
0x291: {  	_ =	swait.ge [sflag:s30], $0x400  }
0x292: {  	[sflag:s30] =	ssyncset.done $0x0  }
0x293: {  	s1 =	simm.s32 $0x0;
	[sflag:s30] =	ssyncadd.s32 $0xFFFFFC00  }
0x294: {  	[tilespmem:s24], [sflag:$0x3] =	stream.indirect.gather [spmem:s3], $0x1, s1, s21, $0xb8;
	[tilespmem:$0x17680] =	vst v63  }
0x295: {  	_ =	swait.ge [sflag:s25], $0x400  }
0x296: {  	[sflag:s25] =	ssyncset.done $0x0  }
0x297: {  	s31 =	simm.s32 $0x0;
	[sflag:s25] =	ssyncadd.s32 $0xFFFFFC00  }
0x298: {  	v2 =	vld [tilespmem:s31+$0x400]  }
0x299: {  	s0 =	simm.s32 $0x40;
	v3 =	vld [tilespmem:s31+$0x800]  }
.LBB2_23:
0x29a: {  	p1 =	sne.s32 s0, $0xFC0  }
.Ltmp22:
0x29b: {  	_ = 	snop;
	(pc) =	sbr.rel @p1 .LBB2_23-.Ltmp22, $4  }
0x29c: {  	_ = 	snop  }
0x29d: {  	s1 =	sshra.s32 s0, $0x2;
	s0 =	sadd.s32 $0x40, s0;
	v4 =	vshll.u32 v2, $0x7  }
0x29e: {  	v2 =	vld [tilespmem:s1+$0x400];
	v4 =	vadd.s32 v3, v4  }
0x29f: {  	v3 =	vld [tilespmem:s1+$0x800];
	[tilespmem:s31+$0xC00] =	vst v4;
	s31 =	smov.u32 s1  }
0x2a0: {  	_ =	sdelay $0x2  }
0x2a1: {  	v2 =	vshll.u32 v2, $0x7  }
0x2a2: {  	v2 =	vadd.s32 v3, v2  }
0x2a3: {  	[tilespmem:s31+$0xC00] =	vst v2  }
0x2a4: {  	[spmem:s2] =	stream.indirect.scatter.add.f32 [tilespmem:s28], [sflag:$0x4], $0x1, s26, s21, $0xb8;
	[tilespmem:$0x17680] =	vst v63  }
0x2a5: {  	_ =	swait.ge [sflag:s22], $0x400  }
0x2a6: {  	[sflag:s22] =	ssyncset.done $0x0  }
0x2a7: {  	[sflag:s22] =	ssyncadd.s32 $0xFFFFFC00  }
0x2a8: {  	_ =	swait.ge [sflag:s22], $0x400  }
0x2a9: {  	[sflag:s22] =	ssyncset.done $0x0  }
0x2aa: {  	s0 =	simm.s32 $0x0;
	s1 =	rddreg [dreg:$0x19];
	[sflag:s22] =	ssyncadd.s32 $0xFFFFFC00  }
0x2ab: {  	[tilespmem:s0], [sflag:$0x1] =	stream.strided.gather [hbm4b:s1+s19], $0x400, s20, s19, $0x38;
	[tilespmem:$0x17680] =	vst v63  }
0x2ac: {  	s1 =	rddreg [dreg:$0x1a]  }
0x2ad: {  	[tilespmem:s21], [sflag:$0x1] =	stream.strided.gather [hbm4b:s1+s19], $0x400, s20, s19, $0x38;
	[tilespmem:$0x17680] =	vst v63  }
0x2ae: {  	_ =	swait.ge [sflag:s30], $0x400  }
0x2af: {  	[sflag:s30] =	ssyncset.done $0x0  }
0x2b0: {  	[sflag:s30] =	ssyncadd.s32 $0xFFFFFC00  }
0x2b1: {  	[tilespmem:s24], [sflag:$0x3] =	stream.indirect.gather [spmem:s3], $0x1, s6, s21, $0xb8;
	[tilespmem:$0x17680] =	vst v63  }
0x2b2: {  	_ =	swait.ge [sflag:s25], $0x400  }
0x2b3: {  	[sflag:s25] =	ssyncset.done $0x0  }
0x2b4: {  	s31 =	simm.s32 $0x0;
	[sflag:s25] =	ssyncadd.s32 $0xFFFFFC00  }
0x2b5: {  	v2 =	vld [tilespmem:s31+$0x2C00]  }
0x2b6: {  	s0 =	simm.s32 $0x40;
	v3 =	vld [tilespmem:s31+$0x800]  }
.LBB2_25:
0x2b7: {  	p1 =	sne.s32 s0, $0xFC0  }
.Ltmp23:
0x2b8: {  	_ = 	snop;
	(pc) =	sbr.rel @p1 .LBB2_25-.Ltmp23, $4  }
0x2b9: {  	_ = 	snop  }
0x2ba: {  	s1 =	sshra.s32 s0, $0x2;
	s0 =	sadd.s32 $0x40, s0;
	v4 =	vshll.u32 v2, $0x7  }
0x2bb: {  	v2 =	vld [tilespmem:s1+$0x2C00];
	v4 =	vadd.s32 v3, v4  }
0x2bc: {  	v3 =	vld [tilespmem:s1+$0x800];
	[tilespmem:s31+$0x3000] =	vst v4;
	s31 =	smov.u32 s1  }
0x2bd: {  	_ =	sdelay $0x2  }
0x2be: {  	v2 =	vshll.u32 v2, $0x7  }
0x2bf: {  	v2 =	vadd.s32 v3, v2  }
0x2c0: {  	[tilespmem:s31+$0x3000] =	vst v2  }
0x2c1: {  	[spmem:s2] =	stream.indirect.scatter.add.f32 [tilespmem:s28], [sflag:$0x4], $0x1, s29, s21, $0xb8;
	[tilespmem:$0x17680] =	vst v63  }
0x2c2: {  	_ =	swait.ge [sflag:s22], $0x400  }
0x2c3: {  	[sflag:s22] =	ssyncset.done $0x0  }
0x2c4: {  	[sflag:s22] =	ssyncadd.s32 $0xFFFFFC00  }
0x2c5: {  	_ =	swait.ge [sflag:s22], $0x400  }
0x2c6: {  	[sflag:s22] =	ssyncset.done $0x0  }
0x2c7: {  	s0 =	rddreg [dreg:$0x1b];
	[sflag:s22] =	ssyncadd.s32 $0xFFFFFC00  }
0x2c8: {  	[tilespmem:s6], [sflag:$0x1] =	stream.strided.gather [hbm4b:s0+s19], $0x400, s20, s19, $0x38;
	[tilespmem:$0x17680] =	vst v63  }
0x2c9: {  	s1 =	rddreg [dreg:$0x1c]  }
0x2ca: {  	[tilespmem:s23], [sflag:$0x1] =	stream.strided.gather [hbm4b:s1+s19], $0x400, s20, s19, $0x38;
	[tilespmem:$0x17680] =	vst v63  }
0x2cb: {  	_ =	swait.ge [sflag:s30], $0x400  }
0x2cc: {  	[sflag:s30] =	ssyncset.done $0x0  }
0x2cd: {  	s1 =	simm.s32 $0x0;
	[sflag:s30] =	ssyncadd.s32 $0xFFFFFC00  }
0x2ce: {  	[tilespmem:s24], [sflag:$0x3] =	stream.indirect.gather [spmem:s3], $0x1, s1, s21, $0xb8;
	[tilespmem:$0x17680] =	vst v63  }
0x2cf: {  	_ =	swait.ge [sflag:s25], $0x400  }
0x2d0: {  	[sflag:s25] =	ssyncset.done $0x0  }
0x2d1: {  	s31 =	simm.s32 $0x0;
	[sflag:s25] =	ssyncadd.s32 $0xFFFFFC00  }
0x2d2: {  	v2 =	vld [tilespmem:s31+$0x400]  }
0x2d3: {  	s0 =	simm.s32 $0x40;
	v3 =	vld [tilespmem:s31+$0x800]  }
.LBB2_27:
0x2d4: {  	p1 =	sne.s32 s0, $0xFC0  }
.Ltmp24:
0x2d5: {  	_ = 	snop;
	(pc) =	sbr.rel @p1 .LBB2_27-.Ltmp24, $4  }
0x2d6: {  	_ = 	snop  }
0x2d7: {  	s1 =	sshra.s32 s0, $0x2;
	s0 =	sadd.s32 $0x40, s0;
	v4 =	vshll.u32 v2, $0x7  }
0x2d8: {  	v2 =	vld [tilespmem:s1+$0x400];
	v4 =	vadd.s32 v3, v4  }
0x2d9: {  	v3 =	vld [tilespmem:s1+$0x800];
	[tilespmem:s31+$0xC00] =	vst v4;
	s31 =	smov.u32 s1  }
0x2da: {  	_ =	sdelay $0x2  }
0x2db: {  	v2 =	vshll.u32 v2, $0x7  }
0x2dc: {  	v2 =	vadd.s32 v3, v2  }
0x2dd: {  	[tilespmem:s31+$0xC00] =	vst v2  }
0x2de: {  	[spmem:s2] =	stream.indirect.scatter.add.f32 [tilespmem:s28], [sflag:$0x4], $0x1, s26, s21, $0xb8;
	[tilespmem:$0x17680] =	vst v63  }
0x2df: {  	_ =	swait.ge [sflag:s22], $0x400  }
0x2e0: {  	[sflag:s22] =	ssyncset.done $0x0  }
0x2e1: {  	[sflag:s22] =	ssyncadd.s32 $0xFFFFFC00  }
0x2e2: {  	_ =	swait.ge [sflag:s22], $0x400  }
0x2e3: {  	[sflag:s22] =	ssyncset.done $0x0  }
0x2e4: {  	[sflag:s22] =	ssyncadd.s32 $0xFFFFFC00  }
0x2e5: {  	_ =	swait.ge [sflag:s30], $0x400  }
0x2e6: {  	[sflag:s30] =	ssyncset.done $0x0  }
0x2e7: {  	[sflag:s30] =	ssyncadd.s32 $0xFFFFFC00  }
0x2e8: {  	[tilespmem:s24], [sflag:$0x3] =	stream.indirect.gather [spmem:s3], $0x1, s6, s21, $0xb8;
	[tilespmem:$0x17680] =	vst v63  }
0x2e9: {  	_ =	swait.ge [sflag:s25], $0x400  }
0x2ea: {  	[sflag:s25] =	ssyncset.done $0x0  }
0x2eb: {  	s31 =	simm.s32 $0x0;
	[sflag:s25] =	ssyncadd.s32 $0xFFFFFC00  }
0x2ec: {  	v2 =	vld [tilespmem:s31+$0x2C00]  }
0x2ed: {  	s0 =	simm.s32 $0x40;
	v3 =	vld [tilespmem:s31+$0x800]  }
.LBB2_29:
0x2ee: {  	p1 =	seq.s32 s0, $0xFC0  }
.Ltmp25:
0x2ef: {  	_ = 	snop;
	(pc) =	sbr.rel @!p1 .LBB2_29-.Ltmp25, $4  }
0x2f0: {  	_ = 	snop  }
0x2f1: {  	s1 =	sshra.s32 s0, $0x2;
	s0 =	sadd.s32 $0x40, s0;
	v4 =	vshll.u32 v2, $0x7  }
0x2f2: {  	v2 =	vld [tilespmem:s1+$0x2C00];
	v4 =	vadd.s32 v3, v4  }
0x2f3: {  	v3 =	vld [tilespmem:s1+$0x800];
	[tilespmem:s31+$0x3000] =	vst v4;
	s31 =	smov.u32 s1  }
.Ltmp26:
0x2f4: {  	_ = 	snop;
	(pc) =	sbr.rel .LBB2_30-.Ltmp26, $1  }
0x2f5: {  	_ =	sdelay $0x3  }
.LBB2_49:
0x2f6: {  	_ =	sfence.sel $0x180000  }
0x2f7: {  	[bflag:$0x0] =	sbarrier.arrive $0xFFFF  }
0x2f8: {  	_ =	strace $0x90000047  }
0x2f9: {  	s0 =	stileid.u32;
	[bflag:$0x2] =	sbarrier.arrive $0xFFFF  }
0x2fa: {  	p0 =	sne.s32 s0, $0x0;
	s0 =	rddreg [dreg:$0x3]  }
0x2fb: {  	s0 =	sadd.s32 @!p0 $0x100000, s0  }
0x2fc: {  	[sflag:s0] =	ssyncadd.tile.s32 @!p0 $0x1;
	_ =	shalt  }
.Lfunc_end2:
_tile_overlayer_lowered:
.L_overlay_start_2:
0x2fd: {  	(tag) =	ssettag $0x2  }
0x2fe: {  	s0 =	rddreg [dreg:$0x0];
	s2 =	stileid.u32  }
0x2ff: {  	s1 =	rddreg [dreg:$0x1];
	p0 =	sne.s32 s2, $0x0  }
0x300: {  	s3 =	rddreg [dreg:$0x2];
	[bflag:$0x3] =	sbarrier.arrive $0xFFFF;
	s2 =	simm.s32 @!p0 $0x1C05  }
0x301: {  	[timem:s3], [sflag:s2] =	dma.local @!p0 [hbm:s0], s1  }
0x302: {  	s0 =	simm.s32 @!p0 $0x5  }
0x303: {  	_ =	swait.ge @!p0 [sflag:s0], s1  }
0x304: {  	s1 =	ssub.s32 @!p0 $0x0, s1;
	[sflag:s0] =	ssyncset.done @!p0 $0x0  }
0x305: {  	[sflag:s0] =	ssyncadd.s32 @!p0 s1  }
0x306: {  	[bflag:$0x3] =	sbarrier.arrive $0xFFFF  }
0x307: {  	_ =	shalt  }

</sc_bundles>
